<compile_context>
chip_gen: v7x
topology: tpu7x:2x2x1
jax: 0.10.2.dev20260603
libtpu: 0.0.44.dev20260713+nightly
codegen_flags: <defaults>
</compile_context>

<pallas_src>
import dataclasses

import jax
import jax.numpy as jnp
import numpy as np
from jax import lax
from jax.experimental import pallas as pl
from jax.experimental.pallas import tpu as pltpu
from jax.experimental.pallas import tpu_sc as plsc

D = 256
H = 8
P = 4
GH = 200
GW = 200
N = GH * GW
TAPS = 4 * H * P
BQ = 2000
NW = 32
QPW = N // NW
CH = 25
NCH = QPW // CH

_PERM = np.concatenate([np.arange(0, 32, 2), np.arange(1, 32, 2)])
_ROWS_PERM = (np.arange(H)[:, None] * 32 + _PERM[None, :]).reshape(-1)


def _proj_kernel(x_ref, xp_ref, wve_ref, bve_ref, wvo_ref, bvo_ref,
                 wox_ref, box_ref, woy_ref, boy_ref, waw_ref, baw_ref, m_ref,
                 val_ref, idx_ref, wgt_ref):
    i = pl.program_id(0)
    xb = x_ref[...]
    q = xb + xp_ref[...]
    ve = jnp.dot(xb, wve_ref[...], preferred_element_type=jnp.float32) + bve_ref[...]
    vo = jnp.dot(xb, wvo_ref[...], preferred_element_type=jnp.float32) + bvo_ref[...]

    def rne_bf16(v):
        u = jax.lax.bitcast_convert_type(v, jnp.uint32)
        return (u + 0x7FFF + ((u >> 16) & 1)) >> 16

    val_ref[...] = rne_bf16(ve) | (rne_bf16(vo) << 16)
    ox = jnp.dot(q, wox_ref[...], preferred_element_type=jnp.float32) + box_ref[...]
    oy = jnp.dot(q, woy_ref[...], preferred_element_type=jnp.float32) + boy_ref[...]
    logits = jnp.dot(q, waw_ref[...], preferred_element_type=jnp.float32) + baw_ref[...]
    e = jnp.exp(logits)
    gs = jnp.dot(e, m_ref[...], preferred_element_type=jnp.float32)
    aw = e / gs
    qid = i * BQ + lax.broadcasted_iota(jnp.int32, (BQ, 32), 0)
    row = (qid // GW).astype(jnp.float32)
    col = (qid % GW).astype(jnp.float32)
    px = col + ox
    py = row + oy
    x0f = jnp.floor(px)
    y0f = jnp.floor(py)
    lx = px - x0f
    ly = py - y0f
    x0 = x0f.astype(jnp.int32)
    y0 = y0f.astype(jnp.int32)
    x1 = x0 + 1
    y1 = y0 + 1
    head = lax.broadcasted_iota(jnp.int32, (BQ, 32), 1) // P

    def tap(xi, yi, w):
        valid = (xi >= 0) & (xi < GW) & (yi >= 0) & (yi < GH)
        xc = jnp.clip(xi, 0, GW - 1)
        yc = jnp.clip(yi, 0, GH - 1)
        return (yc * GW + xc) * H + head, aw * w * valid.astype(jnp.float32)

    i00, w00 = tap(x0, y0, (1.0 - lx) * (1.0 - ly))
    i10, w10 = tap(x1, y0, lx * (1.0 - ly))
    i01, w01 = tap(x0, y1, (1.0 - lx) * ly)
    i11, w11 = tap(x1, y1, lx * ly)
    idx_ref[...] = jnp.concatenate([i00, i10, i01, i11], axis=1)
    wgt_ref[...] = jnp.concatenate([w00, w10, w01, w11], axis=1)


def _out_kernel(lo_ref, hi_ref, x_ref, wlo_ref, whi_ref, bout_ref, o_ref):
    o_ref[...] = (
        jnp.dot(lo_ref[...], wlo_ref[...], preferred_element_type=jnp.float32)
        + jnp.dot(hi_ref[...], whi_ref[...], preferred_element_type=jnp.float32)
        + bout_ref[...]
        + x_ref[...]
    )


def _sc_bag(val_hbm, idx_hbm, wgt_hbm, lo_hbm, hi_hbm,
            idxb0, idxb1, wgtb0, wgtb1, rows0, rows1,
            olo0, olo1, ohi0, ohi1,
            gsem0, gsem1, isem0, isem1, osem0, osem1):
    wid = lax.axis_index("s") * 2 + lax.axis_index("c")
    base = wid * QPW
    bufs = (
        (idxb0, wgtb0, rows0, olo0, ohi0, gsem0, isem0, osem0),
        (idxb1, wgtb1, rows1, olo1, ohi1, gsem1, isem1, osem1),
    )

    def in_copies(k, s):
        idxb, wgtb = bufs[s][0], bufs[s][1]
        isem = bufs[s][6]
        qb = base + k * CH
        return (
            pltpu.make_async_copy(
                idx_hbm.at[pl.ds(qb * TAPS, CH * TAPS)], idxb, isem),
            pltpu.make_async_copy(
                wgt_hbm.at[pl.ds(qb * TAPS, CH * TAPS)], wgtb, isem),
        )

    def out_copies(k, s):
        olo, ohi = bufs[s][3], bufs[s][4]
        osem = bufs[s][7]
        qb = base + k * CH
        return (
            pltpu.make_async_copy(
                olo, lo_hbm.at[pl.ds(qb * 128, CH * 128)], osem),
            pltpu.make_async_copy(
                ohi, hi_hbm.at[pl.ds(qb * 128, CH * 128)], osem),
        )

    def start(copies):
        for c in copies:
            c.start()

    def wait(copies):
        for c in copies:
            c.wait()

    def start_gath(s):
        idxb, rows, gsem = bufs[s][0], bufs[s][2], bufs[s][5]

        @pl.loop(0, CH)
        def _(j):
            pltpu.make_async_copy(
                val_hbm.at[idxb.at[pl.ds(j * TAPS, TAPS)]], rows.at[j], gsem
            ).start()

    def compute(k, s):
        idxb, wgtb, rows, olo, ohi, gsem = bufs[s][:6]

        @pl.loop(0, CH)
        def _(j):
            pltpu.make_async_copy(
                val_hbm.at[idxb.at[pl.ds(j * TAPS, TAPS)]], rows.at[j], gsem
            ).wait()

            jbase = jnp.full((16,), j * TAPS, jnp.int32)

            def head_body(h, hb, ob):
                acc = [jnp.zeros((16,), jnp.float32) for _ in range(4)]
                for corner in range(4):
                    half = 2 * (corner // 2)
                    for p in range(P):
                        t = corner * 32 + h * P + p
                        w = plsc.load_gather(wgtb, [jbase + t])
                        pr = rows[j, t, ...]
                        ev = plsc.bitcast(pr << 16, jnp.float32)
                        od = plsc.bitcast(pr, jnp.float32)
                        acc[half] = acc[half] + w * ev
                        acc[half + 1] = acc[half + 1] + w * od
                ob[pl.ds(j * 128 + hb * 32, 16)] = acc[0] + acc[2]
                ob[pl.ds(j * 128 + hb * 32 + 16, 16)] = acc[1] + acc[3]

            @pl.loop(0, 4)
            def _(hb):
                head_body(hb, hb, olo)

            @pl.loop(0, 4)
            def _(hb):
                head_body(hb + 4, hb, ohi)

    start(in_copies(0, 0))
    wait(in_copies(0, 0))
    start_gath(0)
    start(in_copies(1, 1))

    @pl.loop(0, NCH // 2)
    def _(k2):
        k = 2 * k2
        wait(in_copies(k + 1, 1))
        start_gath(1)

        @pl.when(k >= 2)
        def _():
            wait(out_copies(k - 2, 0))

        compute(k, 0)
        start(out_copies(k, 0))

        @pl.when(k + 2 < NCH)
        def _():
            start(in_copies(k + 2, 0))
            wait(in_copies(k + 2, 0))
            start_gath(0)

        @pl.when(k >= 1)
        def _():
            wait(out_copies(k - 1, 1))

        compute(k + 1, 1)
        start(out_copies(k + 1, 1))

        @pl.when(k + 3 < NCH)
        def _():
            start(in_copies(k + 3, 1))

    if NCH % 2:
        wait(out_copies(NCH - 3, 0))
        compute(NCH - 1, 0)
        start(out_copies(NCH - 1, 0))
        wait(out_copies(NCH - 2, 1))
        wait(out_copies(NCH - 1, 0))
    else:
        wait(out_copies(NCH - 2, 0))
        wait(out_copies(NCH - 1, 1))


_sc_cp = pltpu.CompilerParams()
for _f, _v in (("needs_layout_passes", False), ("use_tc_tiling_on_sc", False)):
    if _f in pltpu.CompilerParams.__dataclass_fields__:
        _sc_cp = dataclasses.replace(_sc_cp, **{_f: _v})

_sc_call = pl.kernel(
    out_type=[
        jax.ShapeDtypeStruct((N * 128,), jnp.float32),
        jax.ShapeDtypeStruct((N * 128,), jnp.float32),
    ],
    compiler_params=_sc_cp,
    mesh=plsc.VectorSubcoreMesh(core_axis_name="c", subcore_axis_name="s"),
    scratch_types=[
        pltpu.VMEM((CH * TAPS,), jnp.int32),
        pltpu.VMEM((CH * TAPS,), jnp.int32),
        pltpu.VMEM((CH * TAPS,), jnp.float32),
        pltpu.VMEM((CH * TAPS,), jnp.float32),
        pltpu.VMEM((CH, TAPS, 16), jnp.uint32),
        pltpu.VMEM((CH, TAPS, 16), jnp.uint32),
        pltpu.VMEM((CH * 128,), jnp.float32),
        pltpu.VMEM((CH * 128,), jnp.float32),
        pltpu.VMEM((CH * 128,), jnp.float32),
        pltpu.VMEM((CH * 128,), jnp.float32),
        pltpu.SemaphoreType.DMA,
        pltpu.SemaphoreType.DMA,
        pltpu.SemaphoreType.DMA,
        pltpu.SemaphoreType.DMA,
        pltpu.SemaphoreType.DMA,
        pltpu.SemaphoreType.DMA,
    ],
)(_sc_bag)


def kernel(x, x_pos, W_off, b_off, W_aw, b_aw, W_val, b_val, W_out, b_out):
    x2 = x.reshape(N, D)
    xp2 = x_pos.reshape(N, D)
    wox = W_off[:, 0::2]
    box = b_off[0::2].reshape(1, 32)
    woy = W_off[:, 1::2]
    boy = b_off[1::2].reshape(1, 32)
    baw = b_aw.reshape(1, 32)
    ch = (np.arange(H)[:, None, None] * 32
          + np.arange(0, 32, 2)[None, None, :]
          + np.array([0, 1])[None, :, None])
    ce = jnp.asarray(ch[:, 0].reshape(-1))
    co = jnp.asarray(ch[:, 1].reshape(-1))
    wve, wvo = W_val[:, ce], W_val[:, co]
    bve, bvo = b_val[ce].reshape(1, 128), b_val[co].reshape(1, 128)
    m = jnp.asarray(np.kron(np.eye(H), np.ones((P, P))), jnp.float32)

    full = lambda r, c: pl.BlockSpec((r, c), lambda i: (0, 0))
    val, idx, wgt = pl.pallas_call(
        _proj_kernel,
        grid=(N // BQ,),
        in_specs=[
            pl.BlockSpec((BQ, D), lambda i: (i, 0)),
            pl.BlockSpec((BQ, D), lambda i: (i, 0)),
            full(D, 128), full(1, 128),
            full(D, 128), full(1, 128),
            full(D, 32), full(1, 32),
            full(D, 32), full(1, 32),
            full(D, 32), full(1, 32),
            full(32, 32),
        ],
        out_specs=[
            pl.BlockSpec((BQ, 128), lambda i: (i, 0)),
            pl.BlockSpec((BQ, 128), lambda i: (i, 0)),
            pl.BlockSpec((BQ, 128), lambda i: (i, 0)),
        ],
        out_shape=[
            jax.ShapeDtypeStruct((N, 128), jnp.uint32),
            jax.ShapeDtypeStruct((N, 128), jnp.int32),
            jax.ShapeDtypeStruct((N, 128), jnp.float32),
        ],
    )(x2, xp2, wve, bve, wvo, bvo, wox, box, woy, boy, W_aw, baw, m)

    lo, hi = _sc_call(
        val.reshape(N * H, 16), idx.reshape(N * TAPS), wgt.reshape(N * TAPS)
    )

    wp = W_out[_ROWS_PERM]
    out = pl.pallas_call(
        _out_kernel,
        grid=(N // BQ,),
        in_specs=[
            pl.BlockSpec((BQ, 128), lambda i: (i, 0)),
            pl.BlockSpec((BQ, 128), lambda i: (i, 0)),
            pl.BlockSpec((BQ, D), lambda i: (i, 0)),
            full(128, D), full(128, D), full(1, D),
        ],
        out_specs=pl.BlockSpec((BQ, D), lambda i: (i, 0)),
        out_shape=jax.ShapeDtypeStruct((N, D), jnp.float32),
    )(lo.reshape(N, 128), hi.reshape(N, 128), x2, wp[:128], wp[128:],
      b_out.reshape(1, D))
    return out.reshape(1, N, D)

# --- scband reference (transcript-rebuilt; emitter-appended) ---
"""Pipeline reference for scband-deformable-self-attention-61091614818918 (READ-ONLY COPY).

The authoritative reference and input builder live on the scoring server;
editing this copy changes nothing except your own understanding.
"""

import jax, jax.numpy as jnp
import numpy as np

EMBED_DIM = 256
NUM_HEADS = 8
NUM_LEVELS = 1
NUM_POINTS = 4
GH = 200
GW = 200
B = 1


def setup_inputs(seed: int = 0):
    key = jax.random.key(seed)
    ks = jax.random.split(key, 10)
    d = EMBED_DIM
    N = GH * GW
    off_dim = NUM_HEADS * NUM_LEVELS * NUM_POINTS * 2
    aw_dim = NUM_HEADS * NUM_LEVELS * NUM_POINTS
    s = 0.02
    return {
        "x": jax.random.normal(ks[0], (B, N, d), jnp.float32),
        "x_pos": jax.random.normal(ks[1], (B, N, d), jnp.float32) * 0.02,
        "W_off": jax.random.normal(ks[2], (d, off_dim), jnp.float32) * s,
        "b_off": jax.random.normal(ks[3], (off_dim,), jnp.float32) * s,
        "W_aw": jax.random.normal(ks[4], (d, aw_dim), jnp.float32) * s,
        "b_aw": jax.random.normal(ks[5], (aw_dim,), jnp.float32) * s,
        "W_val": jax.random.normal(ks[6], (d, d), jnp.float32) * s,
        "b_val": jax.random.normal(ks[7], (d,), jnp.float32) * s,
        "W_out": jax.random.normal(ks[8], (d, d), jnp.float32) * s,
        "b_out": jax.random.normal(ks[9], (d,), jnp.float32) * s,
    }


def _bilinear_sample(value_l, grid_l, Hs, Ws):
    # value_l: [Bh, c, Hs, Ws]; grid_l: [Bh, M, 2] with (x, y) in [-1, 1]
    # torch.grid_sample semantics: bilinear, align_corners=False, zero padding
    Bh, c = value_l.shape[0], value_l.shape[1]
    gx = grid_l[..., 0]
    gy = grid_l[..., 1]
    x = ((gx + 1.0) * Ws - 1.0) / 2.0
    y = ((gy + 1.0) * Hs - 1.0) / 2.0
    x0 = jnp.floor(x)
    y0 = jnp.floor(y)
    lx = x - x0
    ly = y - y0
    x0i = x0.astype(jnp.int32)
    y0i = y0.astype(jnp.int32)
    x1i = x0i + 1
    y1i = y0i + 1
    vflat = value_l.reshape(Bh, c, Hs * Ws)

    def gather(xi, yi):
        valid = ((xi >= 0) & (xi < Ws) & (yi >= 0) & (yi < Hs)).astype(value_l.dtype)
        xi_c = jnp.clip(xi, 0, Ws - 1)
        yi_c = jnp.clip(yi, 0, Hs - 1)
        idx = yi_c * Ws + xi_c
        v = jnp.take_along_axis(vflat, idx[:, None, :], axis=2)
        return v * valid[:, None, :]

    w00 = ((1.0 - lx) * (1.0 - ly))[:, None, :]
    w10 = (lx * (1.0 - ly))[:, None, :]
    w01 = ((1.0 - lx) * ly)[:, None, :]
    w11 = (lx * ly)[:, None, :]
    out = gather(x0i, y0i) * w00
    out = out + gather(x1i, y0i) * w10
    out = out + gather(x0i, y1i) * w01
    out = out + gather(x1i, y1i) * w11
    return out  # [Bh, c, M]


def _forward(x, x_pos, W_off, b_off, W_aw, b_aw, W_val, b_val, W_out, b_out):
    Bb, N, d = x.shape
    h = NUM_HEADS
    P = NUM_POINTS
    c = d // h
    identity = x
    query = x + x_pos
    value = x @ W_val + b_val
    value = value.reshape(Bb, N, h, c)
    off = (query @ W_off + b_off).reshape(Bb, N, h, NUM_LEVELS, P, 2)
    aw = (query @ W_aw + b_aw).reshape(Bb, N, h, NUM_LEVELS * P)
    aw = jax.nn.softmax(aw, axis=-1).reshape(Bb, N, h, NUM_LEVELS, P)
    # reference points on the BEV grid, normalized to [0, 1]
    ry, rx = jnp.meshgrid(
        (jnp.arange(GH, dtype=jnp.float32) + 0.5) / GH,
        (jnp.arange(GW, dtype=jnp.float32) + 0.5) / GW,
        indexing="ij",
    )
    ref = jnp.stack([rx.reshape(-1), ry.reshape(-1)], axis=-1)  # [N, 2] (x, y)
    norm = jnp.array([GW, GH], dtype=jnp.float32)
    loc = ref[None, :, None, None, None, :] + off / norm  # [B, N, h, L, P, 2]
    grids = 2.0 * loc - 1.0
    # single level (NUM_LEVELS == 1)
    value_t = value.transpose(0, 2, 3, 1).reshape(Bb * h, c, GH, GW)
    grid0 = grids[:, :, :, 0].transpose(0, 2, 1, 3, 4).reshape(Bb * h, N * P, 2)
    sampled = _bilinear_sample(value_t, grid0, GH, GW).reshape(Bb * h, c, N, P)
    w = aw[:, :, :, 0].transpose(0, 2, 1, 3).reshape(Bb * h, 1, N, P)
    out = (sampled * w).sum(-1)  # [B*h, c, N]
    out = out.reshape(Bb, h * c, N).transpose(0, 2, 1)
    out = out @ W_out + b_out
    # dropout is identity at inference; residual add of identity (pre-pos query)
    return identity + out


def reference(x, x_pos, W_off, b_off, W_aw, b_aw, W_val, b_val, W_out, b_out):
    return _forward(x, x_pos, W_off, b_off, W_aw, b_aw, W_val, b_val, W_out, b_out)

if __name__ == "__main__":
    import jax
    _d = setup_inputs()
    print(jax.jit(kernel)(*tuple(_d.values())))

</pallas_src>

<mosaic_0001>
#map = affine_map<(d0, d1) -> (0, 0)>
#map1 = affine_map<(d0, d1) -> (0)>
module attributes {stable_mosaic.version = 14 : i64} {
  func.func @_sc_bag(%arg0: i32, %arg1: i32, %arg2: memref<320000x16xi32, #tpu.memory_space<hbm>>, %arg3: memref<5120000xi32, #tpu.memory_space<hbm>>, %arg4: memref<5120000xf32, #tpu.memory_space<hbm>>, %arg5: memref<5120000xf32, #tpu.memory_space<hbm>>, %arg6: memref<5120000xf32, #tpu.memory_space<hbm>>, %arg7: memref<3200xi32, #tpu.memory_space<vmem>>, %arg8: memref<3200xi32, #tpu.memory_space<vmem>>, %arg9: memref<3200xf32, #tpu.memory_space<vmem>>, %arg10: memref<3200xf32, #tpu.memory_space<vmem>>, %arg11: memref<25x128x16xi32, #tpu.memory_space<vmem>>, %arg12: memref<25x128x16xi32, #tpu.memory_space<vmem>>, %arg13: memref<3200xf32, #tpu.memory_space<vmem>>, %arg14: memref<3200xf32, #tpu.memory_space<vmem>>, %arg15: memref<3200xf32, #tpu.memory_space<vmem>>, %arg16: memref<3200xf32, #tpu.memory_space<vmem>>, %arg17: memref<!tpu.dma_semaphore, #tpu.memory_space<semaphore_mem>>, %arg18: memref<!tpu.dma_semaphore, #tpu.memory_space<semaphore_mem>>, %arg19: memref<!tpu.dma_semaphore, #tpu.memory_space<semaphore_mem>>, %arg20: memref<!tpu.dma_semaphore, #tpu.memory_space<semaphore_mem>>, %arg21: memref<!tpu.dma_semaphore, #tpu.memory_space<semaphore_mem>>, %arg22: memref<!tpu.dma_semaphore, #tpu.memory_space<semaphore_mem>>) attributes {dimension_semantics = [#tpu.dimension_semantics<core_parallel>, #tpu.dimension_semantics<subcore_parallel>], iteration_bounds = array<i64: 2, 16>, scalar_prefetch = 0 : i64, scratch_operands = 16 : i64, tpu.core_type = #tpu.core_type<sc_vector_subcore>, window_params = [{transform_indices = #map}, {transform_indices = #map1}, {transform_indices = #map1}, {transform_indices = #map1}, {transform_indices = #map1}]} {
    %mul3A = arith.constant 2 : i32
    %mul3A_0 = arith.muli %arg1, %mul3A : i32
    %add3A = arith.addi %mul3A_0, %arg0 : i32
    %mul3A_1 = arith.constant 1250 : i32
    %mul3A_2 = arith.muli %add3A, %mul3A_1 : i32
    %add3A_3 = arith.constant 0 : i32
    %add3A_4 = arith.addi %mul3A_2, %add3A_3 : i32
    %mul3A_5 = arith.constant 128 : i32
    %mul3A_6 = arith.muli %add3A_4, %mul3A_5 : i32
    %mul3A_7 = arith.constant 128 : i32
    %mul3A_8 = arith.muli %add3A_4, %mul3A_7 : i32
    %dma_start3A = tpu.memref_slice %arg3[%mul3A_6] : memref<5120000xi32, #tpu.memory_space<hbm>> -> memref<3200xi32, #tpu.memory_space<hbm>>
    %dma_start3A_9 = tpu.memref_slice %arg3[%mul3A_6] : memref<5120000xi32, #tpu.memory_space<hbm>> -> memref<3200xi32, #tpu.memory_space<hbm>>
    tpu.enqueue_dma source(%dma_start3A_9 : memref<3200xi32, #tpu.memory_space<hbm>>) target(%arg7 : memref<3200xi32, #tpu.memory_space<vmem>>) target_semaphore(%arg19 : memref<!tpu.dma_semaphore, #tpu.memory_space<semaphore_mem>>)
    %dma_start3A_10 = tpu.memref_slice %arg4[%mul3A_8] : memref<5120000xf32, #tpu.memory_space<hbm>> -> memref<3200xf32, #tpu.memory_space<hbm>>
    %dma_start3A_11 = tpu.memref_slice %arg4[%mul3A_8] : memref<5120000xf32, #tpu.memory_space<hbm>> -> memref<3200xf32, #tpu.memory_space<hbm>>
    tpu.enqueue_dma source(%dma_start3A_11 : memref<3200xf32, #tpu.memory_space<hbm>>) target(%arg9 : memref<3200xf32, #tpu.memory_space<vmem>>) target_semaphore(%arg19 : memref<!tpu.dma_semaphore, #tpu.memory_space<semaphore_mem>>)
    %add3A_12 = arith.constant 0 : i32
    %add3A_13 = arith.addi %mul3A_2, %add3A_12 : i32
    %mul3A_14 = arith.constant 128 : i32
    %mul3A_15 = arith.muli %add3A_13, %mul3A_14 : i32
    %mul3A_16 = arith.constant 128 : i32
    %mul3A_17 = arith.muli %add3A_13, %mul3A_16 : i32
    %dma_wait3A = tpu.memref_slice %arg3[%mul3A_15] : memref<5120000xi32, #tpu.memory_space<hbm>> -> memref<3200xi32, #tpu.memory_space<hbm>>
    %dma_wait3A_18 = tpu.memref_slice %arg3[%mul3A_15] : memref<5120000xi32, #tpu.memory_space<hbm>> -> memref<3200xi32, #tpu.memory_space<hbm>>
    tpu.wait_dma2 semaphore(%arg19 : memref<!tpu.dma_semaphore, #tpu.memory_space<semaphore_mem>>) src(%dma_wait3A_18 : memref<3200xi32, #tpu.memory_space<hbm>>) dst(%arg7 : memref<3200xi32, #tpu.memory_space<vmem>>)
    %dma_wait3A_19 = tpu.memref_slice %arg4[%mul3A_17] : memref<5120000xf32, #tpu.memory_space<hbm>> -> memref<3200xf32, #tpu.memory_space<hbm>>
    %dma_wait3A_20 = tpu.memref_slice %arg4[%mul3A_17] : memref<5120000xf32, #tpu.memory_space<hbm>> -> memref<3200xf32, #tpu.memory_space<hbm>>
    tpu.wait_dma2 semaphore(%arg19 : memref<!tpu.dma_semaphore, #tpu.memory_space<semaphore_mem>>) src(%dma_wait3A_20 : memref<3200xf32, #tpu.memory_space<hbm>>) dst(%arg9 : memref<3200xf32, #tpu.memory_space<vmem>>)
    %scan3A = arith.constant 0 : i32
    %scan3A_21 = arith.constant 25 : i32
    %scan3A_22 = arith.addi %scan3A, %scan3A_21 : i32
    %scan3A_23 = arith.constant 1 : i32
    scf.for %scan3A_60 = %scan3A to %scan3A_22 step %scan3A_23  : i32 {
      %mul3A_61 = arith.constant 1 : i32
      %mul3A_62 = arith.muli %scan3A_60, %mul3A_61 : i32
      %add3A_63 = arith.constant 0 : i32
      %add3A_64 = arith.addi %add3A_63, %mul3A_62 : i32
      %mul3A_65 = arith.constant 128 : i32
      %mul3A_66 = arith.muli %add3A_64, %mul3A_65 : i32
      %dma_start3A_67 = arith.constant 0 : i32
      %dma_start3A_68 = arith.constant 0 : i32
      %dma_start3A_69 = tpu.memref_slice %arg11[%add3A_64, %dma_start3A_67, %dma_start3A_68] : memref<25x128x16xi32, #tpu.memory_space<vmem>> -> memref<1x128x16xi32, #tpu.memory_space<vmem>>
      %dma_start3A_70 = tpu.memref_squeeze %dma_start3A_69 : memref<1x128x16xi32, #tpu.memory_space<vmem>> -> memref<128x16xi32, #tpu.memory_space<vmem>>
      %dma_start3A_71 = tpu.memref_slice %arg7[%mul3A_66] : memref<3200xi32, #tpu.memory_space<vmem>> -> memref<128xi32, #tpu.memory_space<vmem>>
      %dma_start3A_72 = arith.constant 0 : i32
      %dma_start3A_73 = arith.constant 0 : i32
      %dma_start3A_74 = tpu.memref_slice %arg2[%dma_start3A_72, %dma_start3A_73] : memref<320000x16xi32, #tpu.memory_space<hbm>> -> memref<320000x16xi32, #tpu.memory_space<hbm>>
      tpu.enqueue_indirect_dma source(%dma_start3A_74 : memref<320000x16xi32, #tpu.memory_space<hbm>>) target(%dma_start3A_70 : memref<128x16xi32, #tpu.memory_space<vmem>>) offsets(%dma_start3A_71 : memref<128xi32, #tpu.memory_space<vmem>>) semaphore(%arg17 : memref<!tpu.dma_semaphore, #tpu.memory_space<semaphore_mem>>)
    }
    %scan3A_24 = arith.constant 25 : i32
    %add3A_25 = arith.constant 25 : i32
    %add3A_26 = arith.addi %mul3A_2, %add3A_25 : i32
    %mul3A_27 = arith.constant 128 : i32
    %mul3A_28 = arith.muli %add3A_26, %mul3A_27 : i32
    %mul3A_29 = arith.constant 128 : i32
    %mul3A_30 = arith.muli %add3A_26, %mul3A_29 : i32
    %dma_start3A_31 = tpu.memref_slice %arg3[%mul3A_28] : memref<5120000xi32, #tpu.memory_space<hbm>> -> memref<3200xi32, #tpu.memory_space<hbm>>
    %dma_start3A_32 = tpu.memref_slice %arg3[%mul3A_28] : memref<5120000xi32, #tpu.memory_space<hbm>> -> memref<3200xi32, #tpu.memory_space<hbm>>
    tpu.enqueue_dma source(%dma_start3A_32 : memref<3200xi32, #tpu.memory_space<hbm>>) target(%arg8 : memref<3200xi32, #tpu.memory_space<vmem>>) target_semaphore(%arg20 : memref<!tpu.dma_semaphore, #tpu.memory_space<semaphore_mem>>)
    %dma_start3A_33 = tpu.memref_slice %arg4[%mul3A_30] : memref<5120000xf32, #tpu.memory_space<hbm>> -> memref<3200xf32, #tpu.memory_space<hbm>>
    %dma_start3A_34 = tpu.memref_slice %arg4[%mul3A_30] : memref<5120000xf32, #tpu.memory_space<hbm>> -> memref<3200xf32, #tpu.memory_space<hbm>>
    tpu.enqueue_dma source(%dma_start3A_34 : memref<3200xf32, #tpu.memory_space<hbm>>) target(%arg10 : memref<3200xf32, #tpu.memory_space<vmem>>) target_semaphore(%arg20 : memref<!tpu.dma_semaphore, #tpu.memory_space<semaphore_mem>>)
    %scan3A_35 = arith.constant 0 : i32
    %scan3A_36 = arith.constant 25 : i32
    %scan3A_37 = arith.addi %scan3A_35, %scan3A_36 : i32
    %scan3A_38 = arith.constant 1 : i32
    scf.for %scan3A_60 = %scan3A_35 to %scan3A_37 step %scan3A_38  : i32 {
      %mul3A_61 = arith.constant 1 : i32
      %mul3A_62 = arith.muli %scan3A_60, %mul3A_61 : i32
      %add3A_63 = arith.constant 0 : i32
      %add3A_64 = arith.addi %add3A_63, %mul3A_62 : i32
      %mul3A_65 = arith.constant 2 : i32
      %mul3A_66 = arith.muli %mul3A_65, %add3A_64 : i32
      %add3A_67 = arith.constant 1 : i32
      %add3A_68 = arith.addi %mul3A_66, %add3A_67 : i32
      %mul3A_69 = arith.constant 25 : i32
      %mul3A_70 = arith.muli %add3A_68, %mul3A_69 : i32
      %add3A_71 = arith.addi %mul3A_2, %mul3A_70 : i32
      %mul3A_72 = arith.constant 128 : i32
      %mul3A_73 = arith.muli %add3A_71, %mul3A_72 : i32
      %mul3A_74 = arith.constant 128 : i32
      %mul3A_75 = arith.muli %add3A_71, %mul3A_74 : i32
      %dma_wait3A_76 = tpu.memref_slice %arg3[%mul3A_73] : memref<5120000xi32, #tpu.memory_space<hbm>> -> memref<3200xi32, #tpu.memory_space<hbm>>
      %dma_wait3A_77 = tpu.memref_slice %arg3[%mul3A_73] : memref<5120000xi32, #tpu.memory_space<hbm>> -> memref<3200xi32, #tpu.memory_space<hbm>>
      tpu.wait_dma2 semaphore(%arg20 : memref<!tpu.dma_semaphore, #tpu.memory_space<semaphore_mem>>) src(%dma_wait3A_77 : memref<3200xi32, #tpu.memory_space<hbm>>) dst(%arg8 : memref<3200xi32, #tpu.memory_space<vmem>>)
      %dma_wait3A_78 = tpu.memref_slice %arg4[%mul3A_75] : memref<5120000xf32, #tpu.memory_space<hbm>> -> memref<3200xf32, #tpu.memory_space<hbm>>
      %dma_wait3A_79 = tpu.memref_slice %arg4[%mul3A_75] : memref<5120000xf32, #tpu.memory_space<hbm>> -> memref<3200xf32, #tpu.memory_space<hbm>>
      tpu.wait_dma2 semaphore(%arg20 : memref<!tpu.dma_semaphore, #tpu.memory_space<semaphore_mem>>) src(%dma_wait3A_79 : memref<3200xf32, #tpu.memory_space<hbm>>) dst(%arg10 : memref<3200xf32, #tpu.memory_space<vmem>>)
      %scan3A_80 = arith.constant 0 : i32
      %scan3A_81 = arith.constant 25 : i32
      %scan3A_82 = arith.addi %scan3A_80, %scan3A_81 : i32
      %scan3A_83 = arith.constant 1 : i32
      scf.for %scan3A_141 = %scan3A_80 to %scan3A_82 step %scan3A_83  : i32 {
        %mul3A_142 = arith.constant 1 : i32
        %mul3A_143 = arith.muli %scan3A_141, %mul3A_142 : i32
        %add3A_144 = arith.constant 0 : i32
        %add3A_145 = arith.addi %add3A_144, %mul3A_143 : i32
        %mul3A_146 = arith.constant 128 : i32
        %mul3A_147 = arith.muli %add3A_145, %mul3A_146 : i32
        %dma_start3A_148 = arith.constant 0 : i32
        %dma_start3A_149 = arith.constant 0 : i32
        %dma_start3A_150 = tpu.memref_slice %arg12[%add3A_145, %dma_start3A_148, %dma_start3A_149] : memref<25x128x16xi32, #tpu.memory_space<vmem>> -> memref<1x128x16xi32, #tpu.memory_space<vmem>>
        %dma_start3A_151 = tpu.memref_squeeze %dma_start3A_150 : memref<1x128x16xi32, #tpu.memory_space<vmem>> -> memref<128x16xi32, #tpu.memory_space<vmem>>
        %dma_start3A_152 = tpu.memref_slice %arg8[%mul3A_147] : memref<3200xi32, #tpu.memory_space<vmem>> -> memref<128xi32, #tpu.memory_space<vmem>>
        %dma_start3A_153 = arith.constant 0 : i32
        %dma_start3A_154 = arith.constant 0 : i32
        %dma_start3A_155 = tpu.memref_slice %arg2[%dma_start3A_153, %dma_start3A_154] : memref<320000x16xi32, #tpu.memory_space<hbm>> -> memref<320000x16xi32, #tpu.memory_space<hbm>>
        tpu.enqueue_indirect_dma source(%dma_start3A_155 : memref<320000x16xi32, #tpu.memory_space<hbm>>) target(%dma_start3A_151 : memref<128x16xi32, #tpu.memory_space<vmem>>) offsets(%dma_start3A_152 : memref<128xi32, #tpu.memory_space<vmem>>) semaphore(%arg18 : memref<!tpu.dma_semaphore, #tpu.memory_space<semaphore_mem>>)
      }
      %scan3A_84 = arith.constant 25 : i32
      %ge3A = arith.constant 2 : i32
      %ge3A_85 = arith.cmpi sge, %mul3A_66, %ge3A : i32
      %convert_element_type3A = arith.extui %ge3A_85 : i1 to i32
      %cond3A = arith.constant 0 : i32
      %cond3A_86 = arith.cmpi ne, %convert_element_type3A, %cond3A : i32
      scf.if %cond3A_86 {
        %sub3A = arith.constant 2 : i32
        %sub3A_141 = arith.subi %mul3A_66, %sub3A : i32
        %mul3A_142 = arith.constant 25 : i32
        %mul3A_143 = arith.muli %sub3A_141, %mul3A_142 : i32
        %add3A_144 = arith.addi %mul3A_2, %mul3A_143 : i32
        %mul3A_145 = arith.constant 128 : i32
        %mul3A_146 = arith.muli %add3A_144, %mul3A_145 : i32
        %mul3A_147 = arith.constant 128 : i32
        %mul3A_148 = arith.muli %add3A_144, %mul3A_147 : i32
        %dma_wait3A_149 = tpu.memref_slice %arg5[%mul3A_146] : memref<5120000xf32, #tpu.memory_space<hbm>> -> memref<3200xf32, #tpu.memory_space<hbm>>
        %dma_wait3A_150 = tpu.memref_slice %arg5[%mul3A_146] : memref<5120000xf32, #tpu.memory_space<hbm>> -> memref<3200xf32, #tpu.memory_space<hbm>>
        tpu.wait_dma2 semaphore(%arg21 : memref<!tpu.dma_semaphore, #tpu.memory_space<semaphore_mem>>) src(%arg13 : memref<3200xf32, #tpu.memory_space<vmem>>) dst(%dma_wait3A_150 : memref<3200xf32, #tpu.memory_space<hbm>>)
        %dma_wait3A_151 = tpu.memref_slice %arg6[%mul3A_148] : memref<5120000xf32, #tpu.memory_space<hbm>> -> memref<3200xf32, #tpu.memory_space<hbm>>
        %dma_wait3A_152 = tpu.memref_slice %arg6[%mul3A_148] : memref<5120000xf32, #tpu.memory_space<hbm>> -> memref<3200xf32, #tpu.memory_space<hbm>>
        tpu.wait_dma2 semaphore(%arg21 : memref<!tpu.dma_semaphore, #tpu.memory_space<semaphore_mem>>) src(%arg15 : memref<3200xf32, #tpu.memory_space<vmem>>) dst(%dma_wait3A_152 : memref<3200xf32, #tpu.memory_space<hbm>>)
      } else {
      }
      %scan3A_87 = arith.constant 0 : i32
      %scan3A_88 = arith.constant 25 : i32
      %scan3A_89 = arith.addi %scan3A_87, %scan3A_88 : i32
      %scan3A_90 = arith.constant 1 : i32
      scf.for %scan3A_141 = %scan3A_87 to %scan3A_89 step %scan3A_90  : i32 {
        %mul3A_142 = arith.constant 1 : i32
        %mul3A_143 = arith.muli %scan3A_141, %mul3A_142 : i32
        %add3A_144 = arith.constant 0 : i32
        %add3A_145 = arith.addi %add3A_144, %mul3A_143 : i32
        %mul3A_146 = arith.constant 128 : i32
        %mul3A_147 = arith.muli %add3A_145, %mul3A_146 : i32
        %dma_wait3A_148 = arith.constant 0 : i32
        %dma_wait3A_149 = arith.constant 0 : i32
        %dma_wait3A_150 = tpu.memref_slice %arg11[%add3A_145, %dma_wait3A_148, %dma_wait3A_149] : memref<25x128x16xi32, #tpu.memory_space<vmem>> -> memref<1x128x16xi32, #tpu.memory_space<vmem>>
        %dma_wait3A_151 = tpu.memref_squeeze %dma_wait3A_150 : memref<1x128x16xi32, #tpu.memory_space<vmem>> -> memref<128x16xi32, #tpu.memory_space<vmem>>
        %dma_wait3A_152 = tpu.memref_slice %arg7[%mul3A_147] : memref<3200xi32, #tpu.memory_space<vmem>> -> memref<128xi32, #tpu.memory_space<vmem>>
        %dma_wait3A_153 = arith.constant 0 : i32
        %dma_wait3A_154 = arith.constant 0 : i32
        %dma_wait3A_155 = tpu.memref_slice %arg2[%dma_wait3A_153, %dma_wait3A_154] : memref<320000x16xi32, #tpu.memory_space<hbm>> -> memref<320000x16xi32, #tpu.memory_space<hbm>>
        tpu.wait_indirect_dma semaphore(%arg17 : memref<!tpu.dma_semaphore, #tpu.memory_space<semaphore_mem>>) src(%dma_wait3A_155 : memref<320000x16xi32, #tpu.memory_space<hbm>>) dst(%dma_wait3A_151 : memref<128x16xi32, #tpu.memory_space<vmem>>)
        %mul3A_156 = arith.constant 128 : i32
        %mul3A_157 = arith.muli %add3A_145, %mul3A_156 : i32
        %broadcast_in_dim3A = vector.broadcast %mul3A_157 : i32 to vector<16xi32>
        %scan3A_158 = arith.constant 0 : i32
        %scan3A_159 = arith.constant 4 : i32
        %scan3A_160 = arith.addi %scan3A_158, %scan3A_159 : i32
        %scan3A_161 = arith.constant 1 : i32
        scf.for %scan3A_168 = %scan3A_158 to %scan3A_160 step %scan3A_161  : i32 {
          %mul3A_169 = arith.constant 1 : i32
          %mul3A_170 = arith.muli %scan3A_168, %mul3A_169 : i32
          %add3A_171 = arith.constant 0 : i32
          %add3A_172 = arith.addi %add3A_171, %mul3A_170 : i32
          %broadcast_in_dim3A_173 = arith.constant 0.000000e+00 : f32
          %broadcast_in_dim3A_174 = vector.broadcast %broadcast_in_dim3A_173 : f32 to vector<16xf32>
          %broadcast_in_dim3A_175 = arith.constant 0.000000e+00 : f32
          %broadcast_in_dim3A_176 = vector.broadcast %broadcast_in_dim3A_175 : f32 to vector<16xf32>
          %broadcast_in_dim3A_177 = arith.constant 0.000000e+00 : f32
          %broadcast_in_dim3A_178 = vector.broadcast %broadcast_in_dim3A_177 : f32 to vector<16xf32>
          %broadcast_in_dim3A_179 = arith.constant 0.000000e+00 : f32
          %broadcast_in_dim3A_180 = vector.broadcast %broadcast_in_dim3A_179 : f32 to vector<16xf32>
          %mul3A_181 = arith.constant 4 : i32
          %mul3A_182 = arith.muli %add3A_172, %mul3A_181 : i32
          %add3A_183 = arith.constant 0 : i32
          %add3A_184 = arith.addi %add3A_183, %mul3A_182 : i32
          %add3A_185 = arith.constant 0 : i32
          %add3A_186 = arith.addi %add3A_184, %add3A_185 : i32
          %add3A_187 = vector.broadcast %add3A_186 : i32 to vector<16xi32>
          %add3A_188 = arith.addi %broadcast_in_dim3A, %add3A_187 : vector<16xi32>
          %gather3A = tpu.vector_load_idx %arg9[%add3A_188] : memref<3200xf32, #tpu.memory_space<vmem>>[vector<16xi32>], vector<16xf32>,
          %get3A = arith.index_cast %add3A_145 : i32 to index
          %get3A_189 = arith.index_cast %add3A_186 : i32 to index
          %get3A_190 = arith.constant 0 : index
          %get3A_191 = tpu.vector_load %arg11[%get3A, %get3A_189, %get3A_190] {strides = array<i32>} : memref<25x128x16xi32, #tpu.memory_space<vmem>>, vector<16xi32>,
          %shift_left3A = arith.constant 16 : i32
          %shift_left3A_192 = vector.broadcast %shift_left3A : i32 to vector<16xi32>
          %shift_left3A_193 = arith.shli %get3A_191, %shift_left3A_192 : vector<16xi32>
          %bitcast3A = vector.bitcast %shift_left3A_193 : vector<16xi32> to vector<16xf32>
          %bitcast3A_194 = vector.bitcast %get3A_191 : vector<16xi32> to vector<16xf32>
          %mul3A_195 = arith.mulf %gather3A, %bitcast3A : vector<16xf32>
          %add3A_196 = arith.addf %broadcast_in_dim3A_174, %mul3A_195 : vector<16xf32>
          %mul3A_197 = arith.mulf %gather3A, %bitcast3A_194 : vector<16xf32>
          %add3A_198 = arith.addf %broadcast_in_dim3A_176, %mul3A_197 : vector<16xf32>
          %mul3A_199 = arith.constant 4 : i32
          %mul3A_200 = arith.muli %add3A_172, %mul3A_199 : i32
          %add3A_201 = arith.constant 0 : i32
          %add3A_202 = arith.addi %add3A_201, %mul3A_200 : i32
          %add3A_203 = arith.constant 1 : i32
          %add3A_204 = arith.addi %add3A_202, %add3A_203 : i32
          %add3A_205 = vector.broadcast %add3A_204 : i32 to vector<16xi32>
          %add3A_206 = arith.addi %broadcast_in_dim3A, %add3A_205 : vector<16xi32>
          %gather3A_207 = tpu.vector_load_idx %arg9[%add3A_206] : memref<3200xf32, #tpu.memory_space<vmem>>[vector<16xi32>], vector<16xf32>,
          %get3A_208 = arith.index_cast %add3A_145 : i32 to index
          %get3A_209 = arith.index_cast %add3A_204 : i32 to index
          %get3A_210 = arith.constant 0 : index
          %get3A_211 = tpu.vector_load %arg11[%get3A_208, %get3A_209, %get3A_210] {strides = array<i32>} : memref<25x128x16xi32, #tpu.memory_space<vmem>>, vector<16xi32>,
          %shift_left3A_212 = arith.constant 16 : i32
          %shift_left3A_213 = vector.broadcast %shift_left3A_212 : i32 to vector<16xi32>
          %shift_left3A_214 = arith.shli %get3A_211, %shift_left3A_213 : vector<16xi32>
          %bitcast3A_215 = vector.bitcast %shift_left3A_214 : vector<16xi32> to vector<16xf32>
          %bitcast3A_216 = vector.bitcast %get3A_211 : vector<16xi32> to vector<16xf32>
          %mul3A_217 = arith.mulf %gather3A_207, %bitcast3A_215 : vector<16xf32>
          %add3A_218 = arith.addf %add3A_196, %mul3A_217 : vector<16xf32>
          %mul3A_219 = arith.mulf %gather3A_207, %bitcast3A_216 : vector<16xf32>
          %add3A_220 = arith.addf %add3A_198, %mul3A_219 : vector<16xf32>
          %mul3A_221 = arith.constant 4 : i32
          %mul3A_222 = arith.muli %add3A_172, %mul3A_221 : i32
          %add3A_223 = arith.constant 0 : i32
          %add3A_224 = arith.addi %add3A_223, %mul3A_222 : i32
          %add3A_225 = arith.constant 2 : i32
          %add3A_226 = arith.addi %add3A_224, %add3A_225 : i32
          %add3A_227 = vector.broadcast %add3A_226 : i32 to vector<16xi32>
          %add3A_228 = arith.addi %broadcast_in_dim3A, %add3A_227 : vector<16xi32>
          %gather3A_229 = tpu.vector_load_idx %arg9[%add3A_228] : memref<3200xf32, #tpu.memory_space<vmem>>[vector<16xi32>], vector<16xf32>,
          %get3A_230 = arith.index_cast %add3A_145 : i32 to index
          %get3A_231 = arith.index_cast %add3A_226 : i32 to index
          %get3A_232 = arith.constant 0 : index
          %get3A_233 = tpu.vector_load %arg11[%get3A_230, %get3A_231, %get3A_232] {strides = array<i32>} : memref<25x128x16xi32, #tpu.memory_space<vmem>>, vector<16xi32>,
          %shift_left3A_234 = arith.constant 16 : i32
          %shift_left3A_235 = vector.broadcast %shift_left3A_234 : i32 to vector<16xi32>
          %shift_left3A_236 = arith.shli %get3A_233, %shift_left3A_235 : vector<16xi32>
          %bitcast3A_237 = vector.bitcast %shift_left3A_236 : vector<16xi32> to vector<16xf32>
          %bitcast3A_238 = vector.bitcast %get3A_233 : vector<16xi32> to vector<16xf32>
          %mul3A_239 = arith.mulf %gather3A_229, %bitcast3A_237 : vector<16xf32>
          %add3A_240 = arith.addf %add3A_218, %mul3A_239 : vector<16xf32>
          %mul3A_241 = arith.mulf %gather3A_229, %bitcast3A_238 : vector<16xf32>
          %add3A_242 = arith.addf %add3A_220, %mul3A_241 : vector<16xf32>
          %mul3A_243 = arith.constant 4 : i32
          %mul3A_244 = arith.muli %add3A_172, %mul3A_243 : i32
          %add3A_245 = arith.constant 0 : i32
          %add3A_246 = arith.addi %add3A_245, %mul3A_244 : i32
          %add3A_247 = arith.constant 3 : i32
          %add3A_248 = arith.addi %add3A_246, %add3A_247 : i32
          %add3A_249 = vector.broadcast %add3A_248 : i32 to vector<16xi32>
          %add3A_250 = arith.addi %broadcast_in_dim3A, %add3A_249 : vector<16xi32>
          %gather3A_251 = tpu.vector_load_idx %arg9[%add3A_250] : memref<3200xf32, #tpu.memory_space<vmem>>[vector<16xi32>], vector<16xf32>,
          %get3A_252 = arith.index_cast %add3A_145 : i32 to index
          %get3A_253 = arith.index_cast %add3A_248 : i32 to index
          %get3A_254 = arith.constant 0 : index
          %get3A_255 = tpu.vector_load %arg11[%get3A_252, %get3A_253, %get3A_254] {strides = array<i32>} : memref<25x128x16xi32, #tpu.memory_space<vmem>>, vector<16xi32>,
          %shift_left3A_256 = arith.constant 16 : i32
          %shift_left3A_257 = vector.broadcast %shift_left3A_256 : i32 to vector<16xi32>
          %shift_left3A_258 = arith.shli %get3A_255, %shift_left3A_257 : vector<16xi32>
          %bitcast3A_259 = vector.bitcast %shift_left3A_258 : vector<16xi32> to vector<16xf32>
          %bitcast3A_260 = vector.bitcast %get3A_255 : vector<16xi32> to vector<16xf32>
          %mul3A_261 = arith.mulf %gather3A_251, %bitcast3A_259 : vector<16xf32>
          %add3A_262 = arith.addf %add3A_240, %mul3A_261 : vector<16xf32>
          %mul3A_263 = arith.mulf %gather3A_251, %bitcast3A_260 : vector<16xf32>
          %add3A_264 = arith.addf %add3A_242, %mul3A_263 : vector<16xf32>
          %mul3A_265 = arith.constant 4 : i32
          %mul3A_266 = arith.muli %add3A_172, %mul3A_265 : i32
          %add3A_267 = arith.constant 32 : i32
          %add3A_268 = arith.addi %add3A_267, %mul3A_266 : i32
          %add3A_269 = arith.constant 0 : i32
          %add3A_270 = arith.addi %add3A_268, %add3A_269 : i32
          %add3A_271 = vector.broadcast %add3A_270 : i32 to vector<16xi32>
          %add3A_272 = arith.addi %broadcast_in_dim3A, %add3A_271 : vector<16xi32>
          %gather3A_273 = tpu.vector_load_idx %arg9[%add3A_272] : memref<3200xf32, #tpu.memory_space<vmem>>[vector<16xi32>], vector<16xf32>,
          %get3A_274 = arith.index_cast %add3A_145 : i32 to index
          %get3A_275 = arith.index_cast %add3A_270 : i32 to index
          %get3A_276 = arith.constant 0 : index
          %get3A_277 = tpu.vector_load %arg11[%get3A_274, %get3A_275, %get3A_276] {strides = array<i32>} : memref<25x128x16xi32, #tpu.memory_space<vmem>>, vector<16xi32>,
          %shift_left3A_278 = arith.constant 16 : i32
          %shift_left3A_279 = vector.broadcast %shift_left3A_278 : i32 to vector<16xi32>
          %shift_left3A_280 = arith.shli %get3A_277, %shift_left3A_279 : vector<16xi32>
          %bitcast3A_281 = vector.bitcast %shift_left3A_280 : vector<16xi32> to vector<16xf32>
          %bitcast3A_282 = vector.bitcast %get3A_277 : vector<16xi32> to vector<16xf32>
          %mul3A_283 = arith.mulf %gather3A_273, %bitcast3A_281 : vector<16xf32>
          %add3A_284 = arith.addf %add3A_262, %mul3A_283 : vector<16xf32>
          %mul3A_285 = arith.mulf %gather3A_273, %bitcast3A_282 : vector<16xf32>
          %add3A_286 = arith.addf %add3A_264, %mul3A_285 : vector<16xf32>
          %mul3A_287 = arith.constant 4 : i32
          %mul3A_288 = arith.muli %add3A_172, %mul3A_287 : i32
          %add3A_289 = arith.constant 32 : i32
          %add3A_290 = arith.addi %add3A_289, %mul3A_288 : i32
          %add3A_291 = arith.constant 1 : i32
          %add3A_292 = arith.addi %add3A_290, %add3A_291 : i32
          %add3A_293 = vector.broadcast %add3A_292 : i32 to vector<16xi32>
          %add3A_294 = arith.addi %broadcast_in_dim3A, %add3A_293 : vector<16xi32>
          %gather3A_295 = tpu.vector_load_idx %arg9[%add3A_294] : memref<3200xf32, #tpu.memory_space<vmem>>[vector<16xi32>], vector<16xf32>,
          %get3A_296 = arith.index_cast %add3A_145 : i32 to index
          %get3A_297 = arith.index_cast %add3A_292 : i32 to index
          %get3A_298 = arith.constant 0 : index
          %get3A_299 = tpu.vector_load %arg11[%get3A_296, %get3A_297, %get3A_298] {strides = array<i32>} : memref<25x128x16xi32, #tpu.memory_space<vmem>>, vector<16xi32>,
          %shift_left3A_300 = arith.constant 16 : i32
          %shift_left3A_301 = vector.broadcast %shift_left3A_300 : i32 to vector<16xi32>
          %shift_left3A_302 = arith.shli %get3A_299, %shift_left3A_301 : vector<16xi32>
          %bitcast3A_303 = vector.bitcast %shift_left3A_302 : vector<16xi32> to vector<16xf32>
          %bitcast3A_304 = vector.bitcast %get3A_299 : vector<16xi32> to vector<16xf32>
          %mul3A_305 = arith.mulf %gather3A_295, %bitcast3A_303 : vector<16xf32>
          %add3A_306 = arith.addf %add3A_284, %mul3A_305 : vector<16xf32>
          %mul3A_307 = arith.mulf %gather3A_295, %bitcast3A_304 : vector<16xf32>
          %add3A_308 = arith.addf %add3A_286, %mul3A_307 : vector<16xf32>
          %mul3A_309 = arith.constant 4 : i32
          %mul3A_310 = arith.muli %add3A_172, %mul3A_309 : i32
          %add3A_311 = arith.constant 32 : i32
          %add3A_312 = arith.addi %add3A_311, %mul3A_310 : i32
          %add3A_313 = arith.constant 2 : i32
          %add3A_314 = arith.addi %add3A_312, %add3A_313 : i32
          %add3A_315 = vector.broadcast %add3A_314 : i32 to vector<16xi32>
          %add3A_316 = arith.addi %broadcast_in_dim3A, %add3A_315 : vector<16xi32>
          %gather3A_317 = tpu.vector_load_idx %arg9[%add3A_316] : memref<3200xf32, #tpu.memory_space<vmem>>[vector<16xi32>], vector<16xf32>,
          %get3A_318 = arith.index_cast %add3A_145 : i32 to index
          %get3A_319 = arith.index_cast %add3A_314 : i32 to index
          %get3A_320 = arith.constant 0 : index
          %get3A_321 = tpu.vector_load %arg11[%get3A_318, %get3A_319, %get3A_320] {strides = array<i32>} : memref<25x128x16xi32, #tpu.memory_space<vmem>>, vector<16xi32>,
          %shift_left3A_322 = arith.constant 16 : i32
          %shift_left3A_323 = vector.broadcast %shift_left3A_322 : i32 to vector<16xi32>
          %shift_left3A_324 = arith.shli %get3A_321, %shift_left3A_323 : vector<16xi32>
          %bitcast3A_325 = vector.bitcast %shift_left3A_324 : vector<16xi32> to vector<16xf32>
          %bitcast3A_326 = vector.bitcast %get3A_321 : vector<16xi32> to vector<16xf32>
          %mul3A_327 = arith.mulf %gather3A_317, %bitcast3A_325 : vector<16xf32>
          %add3A_328 = arith.addf %add3A_306, %mul3A_327 : vector<16xf32>
          %mul3A_329 = arith.mulf %gather3A_317, %bitcast3A_326 : vector<16xf32>
          %add3A_330 = arith.addf %add3A_308, %mul3A_329 : vector<16xf32>
          %mul3A_331 = arith.constant 4 : i32
          %mul3A_332 = arith.muli %add3A_172, %mul3A_331 : i32
          %add3A_333 = arith.constant 32 : i32
          %add3A_334 = arith.addi %add3A_333, %mul3A_332 : i32
          %add3A_335 = arith.constant 3 : i32
          %add3A_336 = arith.addi %add3A_334, %add3A_335 : i32
          %add3A_337 = vector.broadcast %add3A_336 : i32 to vector<16xi32>
          %add3A_338 = arith.addi %broadcast_in_dim3A, %add3A_337 : vector<16xi32>
          %gather3A_339 = tpu.vector_load_idx %arg9[%add3A_338] : memref<3200xf32, #tpu.memory_space<vmem>>[vector<16xi32>], vector<16xf32>,
          %get3A_340 = arith.index_cast %add3A_145 : i32 to index
          %get3A_341 = arith.index_cast %add3A_336 : i32 to index
          %get3A_342 = arith.constant 0 : index
          %get3A_343 = tpu.vector_load %arg11[%get3A_340, %get3A_341, %get3A_342] {strides = array<i32>} : memref<25x128x16xi32, #tpu.memory_space<vmem>>, vector<16xi32>,
          %shift_left3A_344 = arith.constant 16 : i32
          %shift_left3A_345 = vector.broadcast %shift_left3A_344 : i32 to vector<16xi32>
          %shift_left3A_346 = arith.shli %get3A_343, %shift_left3A_345 : vector<16xi32>
          %bitcast3A_347 = vector.bitcast %shift_left3A_346 : vector<16xi32> to vector<16xf32>
          %bitcast3A_348 = vector.bitcast %get3A_343 : vector<16xi32> to vector<16xf32>
          %mul3A_349 = arith.mulf %gather3A_339, %bitcast3A_347 : vector<16xf32>
          %add3A_350 = arith.addf %add3A_328, %mul3A_349 : vector<16xf32>
          %mul3A_351 = arith.mulf %gather3A_339, %bitcast3A_348 : vector<16xf32>
          %add3A_352 = arith.addf %add3A_330, %mul3A_351 : vector<16xf32>
          %mul3A_353 = arith.constant 4 : i32
          %mul3A_354 = arith.muli %add3A_172, %mul3A_353 : i32
          %add3A_355 = arith.constant 64 : i32
          %add3A_356 = arith.addi %add3A_355, %mul3A_354 : i32
          %add3A_357 = arith.constant 0 : i32
          %add3A_358 = arith.addi %add3A_356, %add3A_357 : i32
          %add3A_359 = vector.broadcast %add3A_358 : i32 to vector<16xi32>
          %add3A_360 = arith.addi %broadcast_in_dim3A, %add3A_359 : vector<16xi32>
          %gather3A_361 = tpu.vector_load_idx %arg9[%add3A_360] : memref<3200xf32, #tpu.memory_space<vmem>>[vector<16xi32>], vector<16xf32>,
          %get3A_362 = arith.index_cast %add3A_145 : i32 to index
          %get3A_363 = arith.index_cast %add3A_358 : i32 to index
          %get3A_364 = arith.constant 0 : index
          %get3A_365 = tpu.vector_load %arg11[%get3A_362, %get3A_363, %get3A_364] {strides = array<i32>} : memref<25x128x16xi32, #tpu.memory_space<vmem>>, vector<16xi32>,
          %shift_left3A_366 = arith.constant 16 : i32
          %shift_left3A_367 = vector.broadcast %shift_left3A_366 : i32 to vector<16xi32>
          %shift_left3A_368 = arith.shli %get3A_365, %shift_left3A_367 : vector<16xi32>
          %bitcast3A_369 = vector.bitcast %shift_left3A_368 : vector<16xi32> to vector<16xf32>
          %bitcast3A_370 = vector.bitcast %get3A_365 : vector<16xi32> to vector<16xf32>
          %mul3A_371 = arith.mulf %gather3A_361, %bitcast3A_369 : vector<16xf32>
          %add3A_372 = arith.addf %broadcast_in_dim3A_178, %mul3A_371 : vector<16xf32>
          %mul3A_373 = arith.mulf %gather3A_361, %bitcast3A_370 : vector<16xf32>
          %add3A_374 = arith.addf %broadcast_in_dim3A_180, %mul3A_373 : vector<16xf32>
          %mul3A_375 = arith.constant 4 : i32
          %mul3A_376 = arith.muli %add3A_172, %mul3A_375 : i32
          %add3A_377 = arith.constant 64 : i32
          %add3A_378 = arith.addi %add3A_377, %mul3A_376 : i32
          %add3A_379 = arith.constant 1 : i32
          %add3A_380 = arith.addi %add3A_378, %add3A_379 : i32
          %add3A_381 = vector.broadcast %add3A_380 : i32 to vector<16xi32>
          %add3A_382 = arith.addi %broadcast_in_dim3A, %add3A_381 : vector<16xi32>
          %gather3A_383 = tpu.vector_load_idx %arg9[%add3A_382] : memref<3200xf32, #tpu.memory_space<vmem>>[vector<16xi32>], vector<16xf32>,
          %get3A_384 = arith.index_cast %add3A_145 : i32 to index
          %get3A_385 = arith.index_cast %add3A_380 : i32 to index
          %get3A_386 = arith.constant 0 : index
          %get3A_387 = tpu.vector_load %arg11[%get3A_384, %get3A_385, %get3A_386] {strides = array<i32>} : memref<25x128x16xi32, #tpu.memory_space<vmem>>, vector<16xi32>,
          %shift_left3A_388 = arith.constant 16 : i32
          %shift_left3A_389 = vector.broadcast %shift_left3A_388 : i32 to vector<16xi32>
          %shift_left3A_390 = arith.shli %get3A_387, %shift_left3A_389 : vector<16xi32>
          %bitcast3A_391 = vector.bitcast %shift_left3A_390 : vector<16xi32> to vector<16xf32>
          %bitcast3A_392 = vector.bitcast %get3A_387 : vector<16xi32> to vector<16xf32>
          %mul3A_393 = arith.mulf %gather3A_383, %bitcast3A_391 : vector<16xf32>
          %add3A_394 = arith.addf %add3A_372, %mul3A_393 : vector<16xf32>
          %mul3A_395 = arith.mulf %gather3A_383, %bitcast3A_392 : vector<16xf32>
          %add3A_396 = arith.addf %add3A_374, %mul3A_395 : vector<16xf32>
          %mul3A_397 = arith.constant 4 : i32
          %mul3A_398 = arith.muli %add3A_172, %mul3A_397 : i32
          %add3A_399 = arith.constant 64 : i32
          %add3A_400 = arith.addi %add3A_399, %mul3A_398 : i32
          %add3A_401 = arith.constant 2 : i32
          %add3A_402 = arith.addi %add3A_400, %add3A_401 : i32
          %add3A_403 = vector.broadcast %add3A_402 : i32 to vector<16xi32>
          %add3A_404 = arith.addi %broadcast_in_dim3A, %add3A_403 : vector<16xi32>
          %gather3A_405 = tpu.vector_load_idx %arg9[%add3A_404] : memref<3200xf32, #tpu.memory_space<vmem>>[vector<16xi32>], vector<16xf32>,
          %get3A_406 = arith.index_cast %add3A_145 : i32 to index
          %get3A_407 = arith.index_cast %add3A_402 : i32 to index
          %get3A_408 = arith.constant 0 : index
          %get3A_409 = tpu.vector_load %arg11[%get3A_406, %get3A_407, %get3A_408] {strides = array<i32>} : memref<25x128x16xi32, #tpu.memory_space<vmem>>, vector<16xi32>,
          %shift_left3A_410 = arith.constant 16 : i32
          %shift_left3A_411 = vector.broadcast %shift_left3A_410 : i32 to vector<16xi32>
          %shift_left3A_412 = arith.shli %get3A_409, %shift_left3A_411 : vector<16xi32>
          %bitcast3A_413 = vector.bitcast %shift_left3A_412 : vector<16xi32> to vector<16xf32>
          %bitcast3A_414 = vector.bitcast %get3A_409 : vector<16xi32> to vector<16xf32>
          %mul3A_415 = arith.mulf %gather3A_405, %bitcast3A_413 : vector<16xf32>
          %add3A_416 = arith.addf %add3A_394, %mul3A_415 : vector<16xf32>
          %mul3A_417 = arith.mulf %gather3A_405, %bitcast3A_414 : vector<16xf32>
          %add3A_418 = arith.addf %add3A_396, %mul3A_417 : vector<16xf32>
          %mul3A_419 = arith.constant 4 : i32
          %mul3A_420 = arith.muli %add3A_172, %mul3A_419 : i32
          %add3A_421 = arith.constant 64 : i32
          %add3A_422 = arith.addi %add3A_421, %mul3A_420 : i32
          %add3A_423 = arith.constant 3 : i32
          %add3A_424 = arith.addi %add3A_422, %add3A_423 : i32
          %add3A_425 = vector.broadcast %add3A_424 : i32 to vector<16xi32>
          %add3A_426 = arith.addi %broadcast_in_dim3A, %add3A_425 : vector<16xi32>
          %gather3A_427 = tpu.vector_load_idx %arg9[%add3A_426] : memref<3200xf32, #tpu.memory_space<vmem>>[vector<16xi32>], vector<16xf32>,
          %get3A_428 = arith.index_cast %add3A_145 : i32 to index
          %get3A_429 = arith.index_cast %add3A_424 : i32 to index
          %get3A_430 = arith.constant 0 : index
          %get3A_431 = tpu.vector_load %arg11[%get3A_428, %get3A_429, %get3A_430] {strides = array<i32>} : memref<25x128x16xi32, #tpu.memory_space<vmem>>, vector<16xi32>,
          %shift_left3A_432 = arith.constant 16 : i32
          %shift_left3A_433 = vector.broadcast %shift_left3A_432 : i32 to vector<16xi32>
          %shift_left3A_434 = arith.shli %get3A_431, %shift_left3A_433 : vector<16xi32>
          %bitcast3A_435 = vector.bitcast %shift_left3A_434 : vector<16xi32> to vector<16xf32>
          %bitcast3A_436 = vector.bitcast %get3A_431 : vector<16xi32> to vector<16xf32>
          %mul3A_437 = arith.mulf %gather3A_427, %bitcast3A_435 : vector<16xf32>
          %add3A_438 = arith.addf %add3A_416, %mul3A_437 : vector<16xf32>
          %mul3A_439 = arith.mulf %gather3A_427, %bitcast3A_436 : vector<16xf32>
          %add3A_440 = arith.addf %add3A_418, %mul3A_439 : vector<16xf32>
          %mul3A_441 = arith.constant 4 : i32
          %mul3A_442 = arith.muli %add3A_172, %mul3A_441 : i32
          %add3A_443 = arith.constant 96 : i32
          %add3A_444 = arith.addi %add3A_443, %mul3A_442 : i32
          %add3A_445 = arith.constant 0 : i32
          %add3A_446 = arith.addi %add3A_444, %add3A_445 : i32
          %add3A_447 = vector.broadcast %add3A_446 : i32 to vector<16xi32>
          %add3A_448 = arith.addi %broadcast_in_dim3A, %add3A_447 : vector<16xi32>
          %gather3A_449 = tpu.vector_load_idx %arg9[%add3A_448] : memref<3200xf32, #tpu.memory_space<vmem>>[vector<16xi32>], vector<16xf32>,
          %get3A_450 = arith.index_cast %add3A_145 : i32 to index
          %get3A_451 = arith.index_cast %add3A_446 : i32 to index
          %get3A_452 = arith.constant 0 : index
          %get3A_453 = tpu.vector_load %arg11[%get3A_450, %get3A_451, %get3A_452] {strides = array<i32>} : memref<25x128x16xi32, #tpu.memory_space<vmem>>, vector<16xi32>,
          %shift_left3A_454 = arith.constant 16 : i32
          %shift_left3A_455 = vector.broadcast %shift_left3A_454 : i32 to vector<16xi32>
          %shift_left3A_456 = arith.shli %get3A_453, %shift_left3A_455 : vector<16xi32>
          %bitcast3A_457 = vector.bitcast %shift_left3A_456 : vector<16xi32> to vector<16xf32>
          %bitcast3A_458 = vector.bitcast %get3A_453 : vector<16xi32> to vector<16xf32>
          %mul3A_459 = arith.mulf %gather3A_449, %bitcast3A_457 : vector<16xf32>
          %add3A_460 = arith.addf %add3A_438, %mul3A_459 : vector<16xf32>
          %mul3A_461 = arith.mulf %gather3A_449, %bitcast3A_458 : vector<16xf32>
          %add3A_462 = arith.addf %add3A_440, %mul3A_461 : vector<16xf32>
          %mul3A_463 = arith.constant 4 : i32
          %mul3A_464 = arith.muli %add3A_172, %mul3A_463 : i32
          %add3A_465 = arith.constant 96 : i32
          %add3A_466 = arith.addi %add3A_465, %mul3A_464 : i32
          %add3A_467 = arith.constant 1 : i32
          %add3A_468 = arith.addi %add3A_466, %add3A_467 : i32
          %add3A_469 = vector.broadcast %add3A_468 : i32 to vector<16xi32>
          %add3A_470 = arith.addi %broadcast_in_dim3A, %add3A_469 : vector<16xi32>
          %gather3A_471 = tpu.vector_load_idx %arg9[%add3A_470] : memref<3200xf32, #tpu.memory_space<vmem>>[vector<16xi32>], vector<16xf32>,
          %get3A_472 = arith.index_cast %add3A_145 : i32 to index
          %get3A_473 = arith.index_cast %add3A_468 : i32 to index
          %get3A_474 = arith.constant 0 : index
          %get3A_475 = tpu.vector_load %arg11[%get3A_472, %get3A_473, %get3A_474] {strides = array<i32>} : memref<25x128x16xi32, #tpu.memory_space<vmem>>, vector<16xi32>,
          %shift_left3A_476 = arith.constant 16 : i32
          %shift_left3A_477 = vector.broadcast %shift_left3A_476 : i32 to vector<16xi32>
          %shift_left3A_478 = arith.shli %get3A_475, %shift_left3A_477 : vector<16xi32>
          %bitcast3A_479 = vector.bitcast %shift_left3A_478 : vector<16xi32> to vector<16xf32>
          %bitcast3A_480 = vector.bitcast %get3A_475 : vector<16xi32> to vector<16xf32>
          %mul3A_481 = arith.mulf %gather3A_471, %bitcast3A_479 : vector<16xf32>
          %add3A_482 = arith.addf %add3A_460, %mul3A_481 : vector<16xf32>
          %mul3A_483 = arith.mulf %gather3A_471, %bitcast3A_480 : vector<16xf32>
          %add3A_484 = arith.addf %add3A_462, %mul3A_483 : vector<16xf32>
          %mul3A_485 = arith.constant 4 : i32
          %mul3A_486 = arith.muli %add3A_172, %mul3A_485 : i32
          %add3A_487 = arith.constant 96 : i32
          %add3A_488 = arith.addi %add3A_487, %mul3A_486 : i32
          %add3A_489 = arith.constant 2 : i32
          %add3A_490 = arith.addi %add3A_488, %add3A_489 : i32
          %add3A_491 = vector.broadcast %add3A_490 : i32 to vector<16xi32>
          %add3A_492 = arith.addi %broadcast_in_dim3A, %add3A_491 : vector<16xi32>
          %gather3A_493 = tpu.vector_load_idx %arg9[%add3A_492] : memref<3200xf32, #tpu.memory_space<vmem>>[vector<16xi32>], vector<16xf32>,
          %get3A_494 = arith.index_cast %add3A_145 : i32 to index
          %get3A_495 = arith.index_cast %add3A_490 : i32 to index
          %get3A_496 = arith.constant 0 : index
          %get3A_497 = tpu.vector_load %arg11[%get3A_494, %get3A_495, %get3A_496] {strides = array<i32>} : memref<25x128x16xi32, #tpu.memory_space<vmem>>, vector<16xi32>,
          %shift_left3A_498 = arith.constant 16 : i32
          %shift_left3A_499 = vector.broadcast %shift_left3A_498 : i32 to vector<16xi32>
          %shift_left3A_500 = arith.shli %get3A_497, %shift_left3A_499 : vector<16xi32>
          %bitcast3A_501 = vector.bitcast %shift_left3A_500 : vector<16xi32> to vector<16xf32>
          %bitcast3A_502 = vector.bitcast %get3A_497 : vector<16xi32> to vector<16xf32>
          %mul3A_503 = arith.mulf %gather3A_493, %bitcast3A_501 : vector<16xf32>
          %add3A_504 = arith.addf %add3A_482, %mul3A_503 : vector<16xf32>
          %mul3A_505 = arith.mulf %gather3A_493, %bitcast3A_502 : vector<16xf32>
          %add3A_506 = arith.addf %add3A_484, %mul3A_505 : vector<16xf32>
          %mul3A_507 = arith.constant 4 : i32
          %mul3A_508 = arith.muli %add3A_172, %mul3A_507 : i32
          %add3A_509 = arith.constant 96 : i32
          %add3A_510 = arith.addi %add3A_509, %mul3A_508 : i32
          %add3A_511 = arith.constant 3 : i32
          %add3A_512 = arith.addi %add3A_510, %add3A_511 : i32
          %add3A_513 = vector.broadcast %add3A_512 : i32 to vector<16xi32>
          %add3A_514 = arith.addi %broadcast_in_dim3A, %add3A_513 : vector<16xi32>
          %gather3A_515 = tpu.vector_load_idx %arg9[%add3A_514] : memref<3200xf32, #tpu.memory_space<vmem>>[vector<16xi32>], vector<16xf32>,
          %get3A_516 = arith.index_cast %add3A_145 : i32 to index
          %get3A_517 = arith.index_cast %add3A_512 : i32 to index
          %get3A_518 = arith.constant 0 : index
          %get3A_519 = tpu.vector_load %arg11[%get3A_516, %get3A_517, %get3A_518] {strides = array<i32>} : memref<25x128x16xi32, #tpu.memory_space<vmem>>, vector<16xi32>,
          %shift_left3A_520 = arith.constant 16 : i32
          %shift_left3A_521 = vector.broadcast %shift_left3A_520 : i32 to vector<16xi32>
          %shift_left3A_522 = arith.shli %get3A_519, %shift_left3A_521 : vector<16xi32>
          %bitcast3A_523 = vector.bitcast %shift_left3A_522 : vector<16xi32> to vector<16xf32>
          %bitcast3A_524 = vector.bitcast %get3A_519 : vector<16xi32> to vector<16xf32>
          %mul3A_525 = arith.mulf %gather3A_515, %bitcast3A_523 : vector<16xf32>
          %add3A_526 = arith.addf %add3A_504, %mul3A_525 : vector<16xf32>
          %mul3A_527 = arith.mulf %gather3A_515, %bitcast3A_524 : vector<16xf32>
          %add3A_528 = arith.addf %add3A_506, %mul3A_527 : vector<16xf32>
          %add3A_529 = arith.addf %add3A_350, %add3A_526 : vector<16xf32>
          %mul3A_530 = arith.constant 128 : i32
          %mul3A_531 = arith.muli %add3A_145, %mul3A_530 : i32
          %mul3A_532 = arith.constant 32 : i32
          %mul3A_533 = arith.muli %add3A_172, %mul3A_532 : i32
          %add3A_534 = arith.addi %mul3A_531, %mul3A_533 : i32
          %swap3A = arith.index_cast %add3A_534 : i32 to index
          %swap3A_535 = tpu.vector_load %arg13[%swap3A] {strides = array<i32>} : memref<3200xf32, #tpu.memory_space<vmem>>, vector<16xf32>,
          tpu.vector_store %arg13[%swap3A], %add3A_529 {strides = array<i32>} : memref<3200xf32, #tpu.memory_space<vmem>>, vector<16xf32>,
          %add3A_536 = arith.addf %add3A_352, %add3A_528 : vector<16xf32>
          %mul3A_537 = arith.constant 128 : i32
          %mul3A_538 = arith.muli %add3A_145, %mul3A_537 : i32
          %mul3A_539 = arith.constant 32 : i32
          %mul3A_540 = arith.muli %add3A_172, %mul3A_539 : i32
          %add3A_541 = arith.addi %mul3A_538, %mul3A_540 : i32
          %add3A_542 = arith.constant 16 : i32
          %add3A_543 = arith.addi %add3A_541, %add3A_542 : i32
          %swap3A_544 = arith.index_cast %add3A_543 : i32 to index
          %swap3A_545 = tpu.vector_load %arg13[%swap3A_544] {strides = array<i32>} : memref<3200xf32, #tpu.memory_space<vmem>>, vector<16xf32>,
          tpu.vector_store %arg13[%swap3A_544], %add3A_536 {strides = array<i32>} : memref<3200xf32, #tpu.memory_space<vmem>>, vector<16xf32>,
        }
        %scan3A_162 = arith.constant 4 : i32
        %scan3A_163 = arith.constant 0 : i32
        %scan3A_164 = arith.constant 4 : i32
        %scan3A_165 = arith.addi %scan3A_163, %scan3A_164 : i32
        %scan3A_166 = arith.constant 1 : i32
        scf.for %scan3A_168 = %scan3A_163 to %scan3A_165 step %scan3A_166  : i32 {
          %mul3A_169 = arith.constant 1 : i32
          %mul3A_170 = arith.muli %scan3A_168, %mul3A_169 : i32
          %add3A_171 = arith.constant 0 : i32
          %add3A_172 = arith.addi %add3A_171, %mul3A_170 : i32
          %add3A_173 = arith.constant 4 : i32
          %add3A_174 = arith.addi %add3A_172, %add3A_173 : i32
          %broadcast_in_dim3A_175 = arith.constant 0.000000e+00 : f32
          %broadcast_in_dim3A_176 = vector.broadcast %broadcast_in_dim3A_175 : f32 to vector<16xf32>
          %broadcast_in_dim3A_177 = arith.constant 0.000000e+00 : f32
          %broadcast_in_dim3A_178 = vector.broadcast %broadcast_in_dim3A_177 : f32 to vector<16xf32>
          %broadcast_in_dim3A_179 = arith.constant 0.000000e+00 : f32
          %broadcast_in_dim3A_180 = vector.broadcast %broadcast_in_dim3A_179 : f32 to vector<16xf32>
          %broadcast_in_dim3A_181 = arith.constant 0.000000e+00 : f32
          %broadcast_in_dim3A_182 = vector.broadcast %broadcast_in_dim3A_181 : f32 to vector<16xf32>
          %mul3A_183 = arith.constant 4 : i32
          %mul3A_184 = arith.muli %add3A_174, %mul3A_183 : i32
          %add3A_185 = arith.constant 0 : i32
          %add3A_186 = arith.addi %add3A_185, %mul3A_184 : i32
          %add3A_187 = arith.constant 0 : i32
          %add3A_188 = arith.addi %add3A_186, %add3A_187 : i32
          %add3A_189 = vector.broadcast %add3A_188 : i32 to vector<16xi32>
          %add3A_190 = arith.addi %broadcast_in_dim3A, %add3A_189 : vector<16xi32>
          %gather3A = tpu.vector_load_idx %arg9[%add3A_190] : memref<3200xf32, #tpu.memory_space<vmem>>[vector<16xi32>], vector<16xf32>,
          %get3A = arith.index_cast %add3A_145 : i32 to index
          %get3A_191 = arith.index_cast %add3A_188 : i32 to index
          %get3A_192 = arith.constant 0 : index
          %get3A_193 = tpu.vector_load %arg11[%get3A, %get3A_191, %get3A_192] {strides = array<i32>} : memref<25x128x16xi32, #tpu.memory_space<vmem>>, vector<16xi32>,
          %shift_left3A = arith.constant 16 : i32
          %shift_left3A_194 = vector.broadcast %shift_left3A : i32 to vector<16xi32>
          %shift_left3A_195 = arith.shli %get3A_193, %shift_left3A_194 : vector<16xi32>
          %bitcast3A = vector.bitcast %shift_left3A_195 : vector<16xi32> to vector<16xf32>
          %bitcast3A_196 = vector.bitcast %get3A_193 : vector<16xi32> to vector<16xf32>
          %mul3A_197 = arith.mulf %gather3A, %bitcast3A : vector<16xf32>
          %add3A_198 = arith.addf %broadcast_in_dim3A_176, %mul3A_197 : vector<16xf32>
          %mul3A_199 = arith.mulf %gather3A, %bitcast3A_196 : vector<16xf32>
          %add3A_200 = arith.addf %broadcast_in_dim3A_178, %mul3A_199 : vector<16xf32>
          %mul3A_201 = arith.constant 4 : i32
          %mul3A_202 = arith.muli %add3A_174, %mul3A_201 : i32
          %add3A_203 = arith.constant 0 : i32
          %add3A_204 = arith.addi %add3A_203, %mul3A_202 : i32
          %add3A_205 = arith.constant 1 : i32
          %add3A_206 = arith.addi %add3A_204, %add3A_205 : i32
          %add3A_207 = vector.broadcast %add3A_206 : i32 to vector<16xi32>
          %add3A_208 = arith.addi %broadcast_in_dim3A, %add3A_207 : vector<16xi32>
          %gather3A_209 = tpu.vector_load_idx %arg9[%add3A_208] : memref<3200xf32, #tpu.memory_space<vmem>>[vector<16xi32>], vector<16xf32>,
          %get3A_210 = arith.index_cast %add3A_145 : i32 to index
          %get3A_211 = arith.index_cast %add3A_206 : i32 to index
          %get3A_212 = arith.constant 0 : index
          %get3A_213 = tpu.vector_load %arg11[%get3A_210, %get3A_211, %get3A_212] {strides = array<i32>} : memref<25x128x16xi32, #tpu.memory_space<vmem>>, vector<16xi32>,
          %shift_left3A_214 = arith.constant 16 : i32
          %shift_left3A_215 = vector.broadcast %shift_left3A_214 : i32 to vector<16xi32>
          %shift_left3A_216 = arith.shli %get3A_213, %shift_left3A_215 : vector<16xi32>
          %bitcast3A_217 = vector.bitcast %shift_left3A_216 : vector<16xi32> to vector<16xf32>
          %bitcast3A_218 = vector.bitcast %get3A_213 : vector<16xi32> to vector<16xf32>
          %mul3A_219 = arith.mulf %gather3A_209, %bitcast3A_217 : vector<16xf32>
          %add3A_220 = arith.addf %add3A_198, %mul3A_219 : vector<16xf32>
          %mul3A_221 = arith.mulf %gather3A_209, %bitcast3A_218 : vector<16xf32>
          %add3A_222 = arith.addf %add3A_200, %mul3A_221 : vector<16xf32>
          %mul3A_223 = arith.constant 4 : i32
          %mul3A_224 = arith.muli %add3A_174, %mul3A_223 : i32
          %add3A_225 = arith.constant 0 : i32
          %add3A_226 = arith.addi %add3A_225, %mul3A_224 : i32
          %add3A_227 = arith.constant 2 : i32
          %add3A_228 = arith.addi %add3A_226, %add3A_227 : i32
          %add3A_229 = vector.broadcast %add3A_228 : i32 to vector<16xi32>
          %add3A_230 = arith.addi %broadcast_in_dim3A, %add3A_229 : vector<16xi32>
          %gather3A_231 = tpu.vector_load_idx %arg9[%add3A_230] : memref<3200xf32, #tpu.memory_space<vmem>>[vector<16xi32>], vector<16xf32>,
          %get3A_232 = arith.index_cast %add3A_145 : i32 to index
          %get3A_233 = arith.index_cast %add3A_228 : i32 to index
          %get3A_234 = arith.constant 0 : index
          %get3A_235 = tpu.vector_load %arg11[%get3A_232, %get3A_233, %get3A_234] {strides = array<i32>} : memref<25x128x16xi32, #tpu.memory_space<vmem>>, vector<16xi32>,
          %shift_left3A_236 = arith.constant 16 : i32
          %shift_left3A_237 = vector.broadcast %shift_left3A_236 : i32 to vector<16xi32>
          %shift_left3A_238 = arith.shli %get3A_235, %shift_left3A_237 : vector<16xi32>
          %bitcast3A_239 = vector.bitcast %shift_left3A_238 : vector<16xi32> to vector<16xf32>
          %bitcast3A_240 = vector.bitcast %get3A_235 : vector<16xi32> to vector<16xf32>
          %mul3A_241 = arith.mulf %gather3A_231, %bitcast3A_239 : vector<16xf32>
          %add3A_242 = arith.addf %add3A_220, %mul3A_241 : vector<16xf32>
          %mul3A_243 = arith.mulf %gather3A_231, %bitcast3A_240 : vector<16xf32>
          %add3A_244 = arith.addf %add3A_222, %mul3A_243 : vector<16xf32>
          %mul3A_245 = arith.constant 4 : i32
          %mul3A_246 = arith.muli %add3A_174, %mul3A_245 : i32
          %add3A_247 = arith.constant 0 : i32
          %add3A_248 = arith.addi %add3A_247, %mul3A_246 : i32
          %add3A_249 = arith.constant 3 : i32
          %add3A_250 = arith.addi %add3A_248, %add3A_249 : i32
          %add3A_251 = vector.broadcast %add3A_250 : i32 to vector<16xi32>
          %add3A_252 = arith.addi %broadcast_in_dim3A, %add3A_251 : vector<16xi32>
          %gather3A_253 = tpu.vector_load_idx %arg9[%add3A_252] : memref<3200xf32, #tpu.memory_space<vmem>>[vector<16xi32>], vector<16xf32>,
          %get3A_254 = arith.index_cast %add3A_145 : i32 to index
          %get3A_255 = arith.index_cast %add3A_250 : i32 to index
          %get3A_256 = arith.constant 0 : index
          %get3A_257 = tpu.vector_load %arg11[%get3A_254, %get3A_255, %get3A_256] {strides = array<i32>} : memref<25x128x16xi32, #tpu.memory_space<vmem>>, vector<16xi32>,
          %shift_left3A_258 = arith.constant 16 : i32
          %shift_left3A_259 = vector.broadcast %shift_left3A_258 : i32 to vector<16xi32>
          %shift_left3A_260 = arith.shli %get3A_257, %shift_left3A_259 : vector<16xi32>
          %bitcast3A_261 = vector.bitcast %shift_left3A_260 : vector<16xi32> to vector<16xf32>
          %bitcast3A_262 = vector.bitcast %get3A_257 : vector<16xi32> to vector<16xf32>
          %mul3A_263 = arith.mulf %gather3A_253, %bitcast3A_261 : vector<16xf32>
          %add3A_264 = arith.addf %add3A_242, %mul3A_263 : vector<16xf32>
          %mul3A_265 = arith.mulf %gather3A_253, %bitcast3A_262 : vector<16xf32>
          %add3A_266 = arith.addf %add3A_244, %mul3A_265 : vector<16xf32>
          %mul3A_267 = arith.constant 4 : i32
          %mul3A_268 = arith.muli %add3A_174, %mul3A_267 : i32
          %add3A_269 = arith.constant 32 : i32
          %add3A_270 = arith.addi %add3A_269, %mul3A_268 : i32
          %add3A_271 = arith.constant 0 : i32
          %add3A_272 = arith.addi %add3A_270, %add3A_271 : i32
          %add3A_273 = vector.broadcast %add3A_272 : i32 to vector<16xi32>
          %add3A_274 = arith.addi %broadcast_in_dim3A, %add3A_273 : vector<16xi32>
          %gather3A_275 = tpu.vector_load_idx %arg9[%add3A_274] : memref<3200xf32, #tpu.memory_space<vmem>>[vector<16xi32>], vector<16xf32>,
          %get3A_276 = arith.index_cast %add3A_145 : i32 to index
          %get3A_277 = arith.index_cast %add3A_272 : i32 to index
          %get3A_278 = arith.constant 0 : index
          %get3A_279 = tpu.vector_load %arg11[%get3A_276, %get3A_277, %get3A_278] {strides = array<i32>} : memref<25x128x16xi32, #tpu.memory_space<vmem>>, vector<16xi32>,
          %shift_left3A_280 = arith.constant 16 : i32
          %shift_left3A_281 = vector.broadcast %shift_left3A_280 : i32 to vector<16xi32>
          %shift_left3A_282 = arith.shli %get3A_279, %shift_left3A_281 : vector<16xi32>
          %bitcast3A_283 = vector.bitcast %shift_left3A_282 : vector<16xi32> to vector<16xf32>
          %bitcast3A_284 = vector.bitcast %get3A_279 : vector<16xi32> to vector<16xf32>
          %mul3A_285 = arith.mulf %gather3A_275, %bitcast3A_283 : vector<16xf32>
          %add3A_286 = arith.addf %add3A_264, %mul3A_285 : vector<16xf32>
          %mul3A_287 = arith.mulf %gather3A_275, %bitcast3A_284 : vector<16xf32>
          %add3A_288 = arith.addf %add3A_266, %mul3A_287 : vector<16xf32>
          %mul3A_289 = arith.constant 4 : i32
          %mul3A_290 = arith.muli %add3A_174, %mul3A_289 : i32
          %add3A_291 = arith.constant 32 : i32
          %add3A_292 = arith.addi %add3A_291, %mul3A_290 : i32
          %add3A_293 = arith.constant 1 : i32
          %add3A_294 = arith.addi %add3A_292, %add3A_293 : i32
          %add3A_295 = vector.broadcast %add3A_294 : i32 to vector<16xi32>
          %add3A_296 = arith.addi %broadcast_in_dim3A, %add3A_295 : vector<16xi32>
          %gather3A_297 = tpu.vector_load_idx %arg9[%add3A_296] : memref<3200xf32, #tpu.memory_space<vmem>>[vector<16xi32>], vector<16xf32>,
          %get3A_298 = arith.index_cast %add3A_145 : i32 to index
          %get3A_299 = arith.index_cast %add3A_294 : i32 to index
          %get3A_300 = arith.constant 0 : index
          %get3A_301 = tpu.vector_load %arg11[%get3A_298, %get3A_299, %get3A_300] {strides = array<i32>} : memref<25x128x16xi32, #tpu.memory_space<vmem>>, vector<16xi32>,
          %shift_left3A_302 = arith.constant 16 : i32
          %shift_left3A_303 = vector.broadcast %shift_left3A_302 : i32 to vector<16xi32>
          %shift_left3A_304 = arith.shli %get3A_301, %shift_left3A_303 : vector<16xi32>
          %bitcast3A_305 = vector.bitcast %shift_left3A_304 : vector<16xi32> to vector<16xf32>
          %bitcast3A_306 = vector.bitcast %get3A_301 : vector<16xi32> to vector<16xf32>
          %mul3A_307 = arith.mulf %gather3A_297, %bitcast3A_305 : vector<16xf32>
          %add3A_308 = arith.addf %add3A_286, %mul3A_307 : vector<16xf32>
          %mul3A_309 = arith.mulf %gather3A_297, %bitcast3A_306 : vector<16xf32>
          %add3A_310 = arith.addf %add3A_288, %mul3A_309 : vector<16xf32>
          %mul3A_311 = arith.constant 4 : i32
          %mul3A_312 = arith.muli %add3A_174, %mul3A_311 : i32
          %add3A_313 = arith.constant 32 : i32
          %add3A_314 = arith.addi %add3A_313, %mul3A_312 : i32
          %add3A_315 = arith.constant 2 : i32
          %add3A_316 = arith.addi %add3A_314, %add3A_315 : i32
          %add3A_317 = vector.broadcast %add3A_316 : i32 to vector<16xi32>
          %add3A_318 = arith.addi %broadcast_in_dim3A, %add3A_317 : vector<16xi32>
          %gather3A_319 = tpu.vector_load_idx %arg9[%add3A_318] : memref<3200xf32, #tpu.memory_space<vmem>>[vector<16xi32>], vector<16xf32>,
          %get3A_320 = arith.index_cast %add3A_145 : i32 to index
          %get3A_321 = arith.index_cast %add3A_316 : i32 to index
          %get3A_322 = arith.constant 0 : index
          %get3A_323 = tpu.vector_load %arg11[%get3A_320, %get3A_321, %get3A_322] {strides = array<i32>} : memref<25x128x16xi32, #tpu.memory_space<vmem>>, vector<16xi32>,
          %shift_left3A_324 = arith.constant 16 : i32
          %shift_left3A_325 = vector.broadcast %shift_left3A_324 : i32 to vector<16xi32>
          %shift_left3A_326 = arith.shli %get3A_323, %shift_left3A_325 : vector<16xi32>
          %bitcast3A_327 = vector.bitcast %shift_left3A_326 : vector<16xi32> to vector<16xf32>
          %bitcast3A_328 = vector.bitcast %get3A_323 : vector<16xi32> to vector<16xf32>
          %mul3A_329 = arith.mulf %gather3A_319, %bitcast3A_327 : vector<16xf32>
          %add3A_330 = arith.addf %add3A_308, %mul3A_329 : vector<16xf32>
          %mul3A_331 = arith.mulf %gather3A_319, %bitcast3A_328 : vector<16xf32>
          %add3A_332 = arith.addf %add3A_310, %mul3A_331 : vector<16xf32>
          %mul3A_333 = arith.constant 4 : i32
          %mul3A_334 = arith.muli %add3A_174, %mul3A_333 : i32
          %add3A_335 = arith.constant 32 : i32
          %add3A_336 = arith.addi %add3A_335, %mul3A_334 : i32
          %add3A_337 = arith.constant 3 : i32
          %add3A_338 = arith.addi %add3A_336, %add3A_337 : i32
          %add3A_339 = vector.broadcast %add3A_338 : i32 to vector<16xi32>
          %add3A_340 = arith.addi %broadcast_in_dim3A, %add3A_339 : vector<16xi32>
          %gather3A_341 = tpu.vector_load_idx %arg9[%add3A_340] : memref<3200xf32, #tpu.memory_space<vmem>>[vector<16xi32>], vector<16xf32>,
          %get3A_342 = arith.index_cast %add3A_145 : i32 to index
          %get3A_343 = arith.index_cast %add3A_338 : i32 to index
          %get3A_344 = arith.constant 0 : index
          %get3A_345 = tpu.vector_load %arg11[%get3A_342, %get3A_343, %get3A_344] {strides = array<i32>} : memref<25x128x16xi32, #tpu.memory_space<vmem>>, vector<16xi32>,
          %shift_left3A_346 = arith.constant 16 : i32
          %shift_left3A_347 = vector.broadcast %shift_left3A_346 : i32 to vector<16xi32>
          %shift_left3A_348 = arith.shli %get3A_345, %shift_left3A_347 : vector<16xi32>
          %bitcast3A_349 = vector.bitcast %shift_left3A_348 : vector<16xi32> to vector<16xf32>
          %bitcast3A_350 = vector.bitcast %get3A_345 : vector<16xi32> to vector<16xf32>
          %mul3A_351 = arith.mulf %gather3A_341, %bitcast3A_349 : vector<16xf32>
          %add3A_352 = arith.addf %add3A_330, %mul3A_351 : vector<16xf32>
          %mul3A_353 = arith.mulf %gather3A_341, %bitcast3A_350 : vector<16xf32>
          %add3A_354 = arith.addf %add3A_332, %mul3A_353 : vector<16xf32>
          %mul3A_355 = arith.constant 4 : i32
          %mul3A_356 = arith.muli %add3A_174, %mul3A_355 : i32
          %add3A_357 = arith.constant 64 : i32
          %add3A_358 = arith.addi %add3A_357, %mul3A_356 : i32
          %add3A_359 = arith.constant 0 : i32
          %add3A_360 = arith.addi %add3A_358, %add3A_359 : i32
          %add3A_361 = vector.broadcast %add3A_360 : i32 to vector<16xi32>
          %add3A_362 = arith.addi %broadcast_in_dim3A, %add3A_361 : vector<16xi32>
          %gather3A_363 = tpu.vector_load_idx %arg9[%add3A_362] : memref<3200xf32, #tpu.memory_space<vmem>>[vector<16xi32>], vector<16xf32>,
          %get3A_364 = arith.index_cast %add3A_145 : i32 to index
          %get3A_365 = arith.index_cast %add3A_360 : i32 to index
          %get3A_366 = arith.constant 0 : index
          %get3A_367 = tpu.vector_load %arg11[%get3A_364, %get3A_365, %get3A_366] {strides = array<i32>} : memref<25x128x16xi32, #tpu.memory_space<vmem>>, vector<16xi32>,
          %shift_left3A_368 = arith.constant 16 : i32
          %shift_left3A_369 = vector.broadcast %shift_left3A_368 : i32 to vector<16xi32>
          %shift_left3A_370 = arith.shli %get3A_367, %shift_left3A_369 : vector<16xi32>
          %bitcast3A_371 = vector.bitcast %shift_left3A_370 : vector<16xi32> to vector<16xf32>
          %bitcast3A_372 = vector.bitcast %get3A_367 : vector<16xi32> to vector<16xf32>
          %mul3A_373 = arith.mulf %gather3A_363, %bitcast3A_371 : vector<16xf32>
          %add3A_374 = arith.addf %broadcast_in_dim3A_180, %mul3A_373 : vector<16xf32>
          %mul3A_375 = arith.mulf %gather3A_363, %bitcast3A_372 : vector<16xf32>
          %add3A_376 = arith.addf %broadcast_in_dim3A_182, %mul3A_375 : vector<16xf32>
          %mul3A_377 = arith.constant 4 : i32
          %mul3A_378 = arith.muli %add3A_174, %mul3A_377 : i32
          %add3A_379 = arith.constant 64 : i32
          %add3A_380 = arith.addi %add3A_379, %mul3A_378 : i32
          %add3A_381 = arith.constant 1 : i32
          %add3A_382 = arith.addi %add3A_380, %add3A_381 : i32
          %add3A_383 = vector.broadcast %add3A_382 : i32 to vector<16xi32>
          %add3A_384 = arith.addi %broadcast_in_dim3A, %add3A_383 : vector<16xi32>
          %gather3A_385 = tpu.vector_load_idx %arg9[%add3A_384] : memref<3200xf32, #tpu.memory_space<vmem>>[vector<16xi32>], vector<16xf32>,
          %get3A_386 = arith.index_cast %add3A_145 : i32 to index
          %get3A_387 = arith.index_cast %add3A_382 : i32 to index
          %get3A_388 = arith.constant 0 : index
          %get3A_389 = tpu.vector_load %arg11[%get3A_386, %get3A_387, %get3A_388] {strides = array<i32>} : memref<25x128x16xi32, #tpu.memory_space<vmem>>, vector<16xi32>,
          %shift_left3A_390 = arith.constant 16 : i32
          %shift_left3A_391 = vector.broadcast %shift_left3A_390 : i32 to vector<16xi32>
          %shift_left3A_392 = arith.shli %get3A_389, %shift_left3A_391 : vector<16xi32>
          %bitcast3A_393 = vector.bitcast %shift_left3A_392 : vector<16xi32> to vector<16xf32>
          %bitcast3A_394 = vector.bitcast %get3A_389 : vector<16xi32> to vector<16xf32>
          %mul3A_395 = arith.mulf %gather3A_385, %bitcast3A_393 : vector<16xf32>
          %add3A_396 = arith.addf %add3A_374, %mul3A_395 : vector<16xf32>
          %mul3A_397 = arith.mulf %gather3A_385, %bitcast3A_394 : vector<16xf32>
          %add3A_398 = arith.addf %add3A_376, %mul3A_397 : vector<16xf32>
          %mul3A_399 = arith.constant 4 : i32
          %mul3A_400 = arith.muli %add3A_174, %mul3A_399 : i32
          %add3A_401 = arith.constant 64 : i32
          %add3A_402 = arith.addi %add3A_401, %mul3A_400 : i32
          %add3A_403 = arith.constant 2 : i32
          %add3A_404 = arith.addi %add3A_402, %add3A_403 : i32
          %add3A_405 = vector.broadcast %add3A_404 : i32 to vector<16xi32>
          %add3A_406 = arith.addi %broadcast_in_dim3A, %add3A_405 : vector<16xi32>
          %gather3A_407 = tpu.vector_load_idx %arg9[%add3A_406] : memref<3200xf32, #tpu.memory_space<vmem>>[vector<16xi32>], vector<16xf32>,
          %get3A_408 = arith.index_cast %add3A_145 : i32 to index
          %get3A_409 = arith.index_cast %add3A_404 : i32 to index
          %get3A_410 = arith.constant 0 : index
          %get3A_411 = tpu.vector_load %arg11[%get3A_408, %get3A_409, %get3A_410] {strides = array<i32>} : memref<25x128x16xi32, #tpu.memory_space<vmem>>, vector<16xi32>,
          %shift_left3A_412 = arith.constant 16 : i32
          %shift_left3A_413 = vector.broadcast %shift_left3A_412 : i32 to vector<16xi32>
          %shift_left3A_414 = arith.shli %get3A_411, %shift_left3A_413 : vector<16xi32>
          %bitcast3A_415 = vector.bitcast %shift_left3A_414 : vector<16xi32> to vector<16xf32>
          %bitcast3A_416 = vector.bitcast %get3A_411 : vector<16xi32> to vector<16xf32>
          %mul3A_417 = arith.mulf %gather3A_407, %bitcast3A_415 : vector<16xf32>
          %add3A_418 = arith.addf %add3A_396, %mul3A_417 : vector<16xf32>
          %mul3A_419 = arith.mulf %gather3A_407, %bitcast3A_416 : vector<16xf32>
          %add3A_420 = arith.addf %add3A_398, %mul3A_419 : vector<16xf32>
          %mul3A_421 = arith.constant 4 : i32
          %mul3A_422 = arith.muli %add3A_174, %mul3A_421 : i32
          %add3A_423 = arith.constant 64 : i32
          %add3A_424 = arith.addi %add3A_423, %mul3A_422 : i32
          %add3A_425 = arith.constant 3 : i32
          %add3A_426 = arith.addi %add3A_424, %add3A_425 : i32
          %add3A_427 = vector.broadcast %add3A_426 : i32 to vector<16xi32>
          %add3A_428 = arith.addi %broadcast_in_dim3A, %add3A_427 : vector<16xi32>
          %gather3A_429 = tpu.vector_load_idx %arg9[%add3A_428] : memref<3200xf32, #tpu.memory_space<vmem>>[vector<16xi32>], vector<16xf32>,
          %get3A_430 = arith.index_cast %add3A_145 : i32 to index
          %get3A_431 = arith.index_cast %add3A_426 : i32 to index
          %get3A_432 = arith.constant 0 : index
          %get3A_433 = tpu.vector_load %arg11[%get3A_430, %get3A_431, %get3A_432] {strides = array<i32>} : memref<25x128x16xi32, #tpu.memory_space<vmem>>, vector<16xi32>,
          %shift_left3A_434 = arith.constant 16 : i32
          %shift_left3A_435 = vector.broadcast %shift_left3A_434 : i32 to vector<16xi32>
          %shift_left3A_436 = arith.shli %get3A_433, %shift_left3A_435 : vector<16xi32>
          %bitcast3A_437 = vector.bitcast %shift_left3A_436 : vector<16xi32> to vector<16xf32>
          %bitcast3A_438 = vector.bitcast %get3A_433 : vector<16xi32> to vector<16xf32>
          %mul3A_439 = arith.mulf %gather3A_429, %bitcast3A_437 : vector<16xf32>
          %add3A_440 = arith.addf %add3A_418, %mul3A_439 : vector<16xf32>
          %mul3A_441 = arith.mulf %gather3A_429, %bitcast3A_438 : vector<16xf32>
          %add3A_442 = arith.addf %add3A_420, %mul3A_441 : vector<16xf32>
          %mul3A_443 = arith.constant 4 : i32
          %mul3A_444 = arith.muli %add3A_174, %mul3A_443 : i32
          %add3A_445 = arith.constant 96 : i32
          %add3A_446 = arith.addi %add3A_445, %mul3A_444 : i32
          %add3A_447 = arith.constant 0 : i32
          %add3A_448 = arith.addi %add3A_446, %add3A_447 : i32
          %add3A_449 = vector.broadcast %add3A_448 : i32 to vector<16xi32>
          %add3A_450 = arith.addi %broadcast_in_dim3A, %add3A_449 : vector<16xi32>
          %gather3A_451 = tpu.vector_load_idx %arg9[%add3A_450] : memref<3200xf32, #tpu.memory_space<vmem>>[vector<16xi32>], vector<16xf32>,
          %get3A_452 = arith.index_cast %add3A_145 : i32 to index
          %get3A_453 = arith.index_cast %add3A_448 : i32 to index
          %get3A_454 = arith.constant 0 : index
          %get3A_455 = tpu.vector_load %arg11[%get3A_452, %get3A_453, %get3A_454] {strides = array<i32>} : memref<25x128x16xi32, #tpu.memory_space<vmem>>, vector<16xi32>,
          %shift_left3A_456 = arith.constant 16 : i32
          %shift_left3A_457 = vector.broadcast %shift_left3A_456 : i32 to vector<16xi32>
          %shift_left3A_458 = arith.shli %get3A_455, %shift_left3A_457 : vector<16xi32>
          %bitcast3A_459 = vector.bitcast %shift_left3A_458 : vector<16xi32> to vector<16xf32>
          %bitcast3A_460 = vector.bitcast %get3A_455 : vector<16xi32> to vector<16xf32>
          %mul3A_461 = arith.mulf %gather3A_451, %bitcast3A_459 : vector<16xf32>
          %add3A_462 = arith.addf %add3A_440, %mul3A_461 : vector<16xf32>
          %mul3A_463 = arith.mulf %gather3A_451, %bitcast3A_460 : vector<16xf32>
          %add3A_464 = arith.addf %add3A_442, %mul3A_463 : vector<16xf32>
          %mul3A_465 = arith.constant 4 : i32
          %mul3A_466 = arith.muli %add3A_174, %mul3A_465 : i32
          %add3A_467 = arith.constant 96 : i32
          %add3A_468 = arith.addi %add3A_467, %mul3A_466 : i32
          %add3A_469 = arith.constant 1 : i32
          %add3A_470 = arith.addi %add3A_468, %add3A_469 : i32
          %add3A_471 = vector.broadcast %add3A_470 : i32 to vector<16xi32>
          %add3A_472 = arith.addi %broadcast_in_dim3A, %add3A_471 : vector<16xi32>
          %gather3A_473 = tpu.vector_load_idx %arg9[%add3A_472] : memref<3200xf32, #tpu.memory_space<vmem>>[vector<16xi32>], vector<16xf32>,
          %get3A_474 = arith.index_cast %add3A_145 : i32 to index
          %get3A_475 = arith.index_cast %add3A_470 : i32 to index
          %get3A_476 = arith.constant 0 : index
          %get3A_477 = tpu.vector_load %arg11[%get3A_474, %get3A_475, %get3A_476] {strides = array<i32>} : memref<25x128x16xi32, #tpu.memory_space<vmem>>, vector<16xi32>,
          %shift_left3A_478 = arith.constant 16 : i32
          %shift_left3A_479 = vector.broadcast %shift_left3A_478 : i32 to vector<16xi32>
          %shift_left3A_480 = arith.shli %get3A_477, %shift_left3A_479 : vector<16xi32>
          %bitcast3A_481 = vector.bitcast %shift_left3A_480 : vector<16xi32> to vector<16xf32>
          %bitcast3A_482 = vector.bitcast %get3A_477 : vector<16xi32> to vector<16xf32>
          %mul3A_483 = arith.mulf %gather3A_473, %bitcast3A_481 : vector<16xf32>
          %add3A_484 = arith.addf %add3A_462, %mul3A_483 : vector<16xf32>
          %mul3A_485 = arith.mulf %gather3A_473, %bitcast3A_482 : vector<16xf32>
          %add3A_486 = arith.addf %add3A_464, %mul3A_485 : vector<16xf32>
          %mul3A_487 = arith.constant 4 : i32
          %mul3A_488 = arith.muli %add3A_174, %mul3A_487 : i32
          %add3A_489 = arith.constant 96 : i32
          %add3A_490 = arith.addi %add3A_489, %mul3A_488 : i32
          %add3A_491 = arith.constant 2 : i32
          %add3A_492 = arith.addi %add3A_490, %add3A_491 : i32
          %add3A_493 = vector.broadcast %add3A_492 : i32 to vector<16xi32>
          %add3A_494 = arith.addi %broadcast_in_dim3A, %add3A_493 : vector<16xi32>
          %gather3A_495 = tpu.vector_load_idx %arg9[%add3A_494] : memref<3200xf32, #tpu.memory_space<vmem>>[vector<16xi32>], vector<16xf32>,
          %get3A_496 = arith.index_cast %add3A_145 : i32 to index
          %get3A_497 = arith.index_cast %add3A_492 : i32 to index
          %get3A_498 = arith.constant 0 : index
          %get3A_499 = tpu.vector_load %arg11[%get3A_496, %get3A_497, %get3A_498] {strides = array<i32>} : memref<25x128x16xi32, #tpu.memory_space<vmem>>, vector<16xi32>,
          %shift_left3A_500 = arith.constant 16 : i32
          %shift_left3A_501 = vector.broadcast %shift_left3A_500 : i32 to vector<16xi32>
          %shift_left3A_502 = arith.shli %get3A_499, %shift_left3A_501 : vector<16xi32>
          %bitcast3A_503 = vector.bitcast %shift_left3A_502 : vector<16xi32> to vector<16xf32>
          %bitcast3A_504 = vector.bitcast %get3A_499 : vector<16xi32> to vector<16xf32>
          %mul3A_505 = arith.mulf %gather3A_495, %bitcast3A_503 : vector<16xf32>
          %add3A_506 = arith.addf %add3A_484, %mul3A_505 : vector<16xf32>
          %mul3A_507 = arith.mulf %gather3A_495, %bitcast3A_504 : vector<16xf32>
          %add3A_508 = arith.addf %add3A_486, %mul3A_507 : vector<16xf32>
          %mul3A_509 = arith.constant 4 : i32
          %mul3A_510 = arith.muli %add3A_174, %mul3A_509 : i32
          %add3A_511 = arith.constant 96 : i32
          %add3A_512 = arith.addi %add3A_511, %mul3A_510 : i32
          %add3A_513 = arith.constant 3 : i32
          %add3A_514 = arith.addi %add3A_512, %add3A_513 : i32
          %add3A_515 = vector.broadcast %add3A_514 : i32 to vector<16xi32>
          %add3A_516 = arith.addi %broadcast_in_dim3A, %add3A_515 : vector<16xi32>
          %gather3A_517 = tpu.vector_load_idx %arg9[%add3A_516] : memref<3200xf32, #tpu.memory_space<vmem>>[vector<16xi32>], vector<16xf32>,
          %get3A_518 = arith.index_cast %add3A_145 : i32 to index
          %get3A_519 = arith.index_cast %add3A_514 : i32 to index
          %get3A_520 = arith.constant 0 : index
          %get3A_521 = tpu.vector_load %arg11[%get3A_518, %get3A_519, %get3A_520] {strides = array<i32>} : memref<25x128x16xi32, #tpu.memory_space<vmem>>, vector<16xi32>,
          %shift_left3A_522 = arith.constant 16 : i32
          %shift_left3A_523 = vector.broadcast %shift_left3A_522 : i32 to vector<16xi32>
          %shift_left3A_524 = arith.shli %get3A_521, %shift_left3A_523 : vector<16xi32>
          %bitcast3A_525 = vector.bitcast %shift_left3A_524 : vector<16xi32> to vector<16xf32>
          %bitcast3A_526 = vector.bitcast %get3A_521 : vector<16xi32> to vector<16xf32>
          %mul3A_527 = arith.mulf %gather3A_517, %bitcast3A_525 : vector<16xf32>
          %add3A_528 = arith.addf %add3A_506, %mul3A_527 : vector<16xf32>
          %mul3A_529 = arith.mulf %gather3A_517, %bitcast3A_526 : vector<16xf32>
          %add3A_530 = arith.addf %add3A_508, %mul3A_529 : vector<16xf32>
          %add3A_531 = arith.addf %add3A_352, %add3A_528 : vector<16xf32>
          %mul3A_532 = arith.constant 128 : i32
          %mul3A_533 = arith.muli %add3A_145, %mul3A_532 : i32
          %mul3A_534 = arith.constant 32 : i32
          %mul3A_535 = arith.muli %add3A_172, %mul3A_534 : i32
          %add3A_536 = arith.addi %mul3A_533, %mul3A_535 : i32
          %swap3A = arith.index_cast %add3A_536 : i32 to index
          %swap3A_537 = tpu.vector_load %arg15[%swap3A] {strides = array<i32>} : memref<3200xf32, #tpu.memory_space<vmem>>, vector<16xf32>,
          tpu.vector_store %arg15[%swap3A], %add3A_531 {strides = array<i32>} : memref<3200xf32, #tpu.memory_space<vmem>>, vector<16xf32>,
          %add3A_538 = arith.addf %add3A_354, %add3A_530 : vector<16xf32>
          %mul3A_539 = arith.constant 128 : i32
          %mul3A_540 = arith.muli %add3A_145, %mul3A_539 : i32
          %mul3A_541 = arith.constant 32 : i32
          %mul3A_542 = arith.muli %add3A_172, %mul3A_541 : i32
          %add3A_543 = arith.addi %mul3A_540, %mul3A_542 : i32
          %add3A_544 = arith.constant 16 : i32
          %add3A_545 = arith.addi %add3A_543, %add3A_544 : i32
          %swap3A_546 = arith.index_cast %add3A_545 : i32 to index
          %swap3A_547 = tpu.vector_load %arg15[%swap3A_546] {strides = array<i32>} : memref<3200xf32, #tpu.memory_space<vmem>>, vector<16xf32>,
          tpu.vector_store %arg15[%swap3A_546], %add3A_538 {strides = array<i32>} : memref<3200xf32, #tpu.memory_space<vmem>>, vector<16xf32>,
        }
        %scan3A_167 = arith.constant 4 : i32
      }
      %scan3A_91 = arith.constant 25 : i32
      %mul3A_92 = arith.constant 25 : i32
      %mul3A_93 = arith.muli %mul3A_66, %mul3A_92 : i32
      %add3A_94 = arith.addi %mul3A_2, %mul3A_93 : i32
      %mul3A_95 = arith.constant 128 : i32
      %mul3A_96 = arith.muli %add3A_94, %mul3A_95 : i32
      %mul3A_97 = arith.constant 128 : i32
      %mul3A_98 = arith.muli %add3A_94, %mul3A_97 : i32
      %dma_start3A_99 = tpu.memref_slice %arg5[%mul3A_96] : memref<5120000xf32, #tpu.memory_space<hbm>> -> memref<3200xf32, #tpu.memory_space<hbm>>
      %dma_start3A_100 = tpu.memref_slice %arg5[%mul3A_96] : memref<5120000xf32, #tpu.memory_space<hbm>> -> memref<3200xf32, #tpu.memory_space<hbm>>
      tpu.enqueue_dma source(%arg13 : memref<3200xf32, #tpu.memory_space<vmem>>) target(%dma_start3A_100 : memref<3200xf32, #tpu.memory_space<hbm>>) target_semaphore(%arg21 : memref<!tpu.dma_semaphore, #tpu.memory_space<semaphore_mem>>)
      %dma_start3A_101 = tpu.memref_slice %arg6[%mul3A_98] : memref<5120000xf32, #tpu.memory_space<hbm>> -> memref<3200xf32, #tpu.memory_space<hbm>>
      %dma_start3A_102 = tpu.memref_slice %arg6[%mul3A_98] : memref<5120000xf32, #tpu.memory_space<hbm>> -> memref<3200xf32, #tpu.memory_space<hbm>>
      tpu.enqueue_dma source(%arg15 : memref<3200xf32, #tpu.memory_space<vmem>>) target(%dma_start3A_102 : memref<3200xf32, #tpu.memory_space<hbm>>) target_semaphore(%arg21 : memref<!tpu.dma_semaphore, #tpu.memory_space<semaphore_mem>>)
      %add3A_103 = arith.constant 2 : i32
      %add3A_104 = arith.addi %mul3A_66, %add3A_103 : i32
      %lt3A = arith.constant 50 : i32
      %lt3A_105 = arith.cmpi slt, %add3A_104, %lt3A : i32
      %convert_element_type3A_106 = arith.extui %lt3A_105 : i1 to i32
      %cond3A_107 = arith.constant 0 : i32
      %cond3A_108 = arith.cmpi ne, %convert_element_type3A_106, %cond3A_107 : i32
      scf.if %cond3A_108 {
        %add3A_141 = arith.constant 2 : i32
        %add3A_142 = arith.addi %mul3A_66, %add3A_141 : i32
        %mul3A_143 = arith.constant 25 : i32
        %mul3A_144 = arith.muli %add3A_142, %mul3A_143 : i32
        %add3A_145 = arith.addi %mul3A_2, %mul3A_144 : i32
        %mul3A_146 = arith.constant 128 : i32
        %mul3A_147 = arith.muli %add3A_145, %mul3A_146 : i32
        %mul3A_148 = arith.constant 128 : i32
        %mul3A_149 = arith.muli %add3A_145, %mul3A_148 : i32
        %dma_start3A_150 = tpu.memref_slice %arg3[%mul3A_147] : memref<5120000xi32, #tpu.memory_space<hbm>> -> memref<3200xi32, #tpu.memory_space<hbm>>
        %dma_start3A_151 = tpu.memref_slice %arg3[%mul3A_147] : memref<5120000xi32, #tpu.memory_space<hbm>> -> memref<3200xi32, #tpu.memory_space<hbm>>
        tpu.enqueue_dma source(%dma_start3A_151 : memref<3200xi32, #tpu.memory_space<hbm>>) target(%arg7 : memref<3200xi32, #tpu.memory_space<vmem>>) target_semaphore(%arg19 : memref<!tpu.dma_semaphore, #tpu.memory_space<semaphore_mem>>)
        %dma_start3A_152 = tpu.memref_slice %arg4[%mul3A_149] : memref<5120000xf32, #tpu.memory_space<hbm>> -> memref<3200xf32, #tpu.memory_space<hbm>>
        %dma_start3A_153 = tpu.memref_slice %arg4[%mul3A_149] : memref<5120000xf32, #tpu.memory_space<hbm>> -> memref<3200xf32, #tpu.memory_space<hbm>>
        tpu.enqueue_dma source(%dma_start3A_153 : memref<3200xf32, #tpu.memory_space<hbm>>) target(%arg9 : memref<3200xf32, #tpu.memory_space<vmem>>) target_semaphore(%arg19 : memref<!tpu.dma_semaphore, #tpu.memory_space<semaphore_mem>>)
        %add3A_154 = arith.constant 2 : i32
        %add3A_155 = arith.addi %mul3A_66, %add3A_154 : i32
        %mul3A_156 = arith.constant 25 : i32
        %mul3A_157 = arith.muli %add3A_155, %mul3A_156 : i32
        %add3A_158 = arith.addi %mul3A_2, %mul3A_157 : i32
        %mul3A_159 = arith.constant 128 : i32
        %mul3A_160 = arith.muli %add3A_158, %mul3A_159 : i32
        %mul3A_161 = arith.constant 128 : i32
        %mul3A_162 = arith.muli %add3A_158, %mul3A_161 : i32
        %dma_wait3A_163 = tpu.memref_slice %arg3[%mul3A_160] : memref<5120000xi32, #tpu.memory_space<hbm>> -> memref<3200xi32, #tpu.memory_space<hbm>>
        %dma_wait3A_164 = tpu.memref_slice %arg3[%mul3A_160] : memref<5120000xi32, #tpu.memory_space<hbm>> -> memref<3200xi32, #tpu.memory_space<hbm>>
        tpu.wait_dma2 semaphore(%arg19 : memref<!tpu.dma_semaphore, #tpu.memory_space<semaphore_mem>>) src(%dma_wait3A_164 : memref<3200xi32, #tpu.memory_space<hbm>>) dst(%arg7 : memref<3200xi32, #tpu.memory_space<vmem>>)
        %dma_wait3A_165 = tpu.memref_slice %arg4[%mul3A_162] : memref<5120000xf32, #tpu.memory_space<hbm>> -> memref<3200xf32, #tpu.memory_space<hbm>>
        %dma_wait3A_166 = tpu.memref_slice %arg4[%mul3A_162] : memref<5120000xf32, #tpu.memory_space<hbm>> -> memref<3200xf32, #tpu.memory_space<hbm>>
        tpu.wait_dma2 semaphore(%arg19 : memref<!tpu.dma_semaphore, #tpu.memory_space<semaphore_mem>>) src(%dma_wait3A_166 : memref<3200xf32, #tpu.memory_space<hbm>>) dst(%arg9 : memref<3200xf32, #tpu.memory_space<vmem>>)
        %scan3A_167 = arith.constant 0 : i32
        %scan3A_168 = arith.constant 25 : i32
        %scan3A_169 = arith.addi %scan3A_167, %scan3A_168 : i32
        %scan3A_170 = arith.constant 1 : i32
        scf.for %scan3A_172 = %scan3A_167 to %scan3A_169 step %scan3A_170  : i32 {
          %mul3A_173 = arith.constant 1 : i32
          %mul3A_174 = arith.muli %scan3A_172, %mul3A_173 : i32
          %add3A_175 = arith.constant 0 : i32
          %add3A_176 = arith.addi %add3A_175, %mul3A_174 : i32
          %mul3A_177 = arith.constant 128 : i32
          %mul3A_178 = arith.muli %add3A_176, %mul3A_177 : i32
          %dma_start3A_179 = arith.constant 0 : i32
          %dma_start3A_180 = arith.constant 0 : i32
          %dma_start3A_181 = tpu.memref_slice %arg11[%add3A_176, %dma_start3A_179, %dma_start3A_180] : memref<25x128x16xi32, #tpu.memory_space<vmem>> -> memref<1x128x16xi32, #tpu.memory_space<vmem>>
          %dma_start3A_182 = tpu.memref_squeeze %dma_start3A_181 : memref<1x128x16xi32, #tpu.memory_space<vmem>> -> memref<128x16xi32, #tpu.memory_space<vmem>>
          %dma_start3A_183 = tpu.memref_slice %arg7[%mul3A_178] : memref<3200xi32, #tpu.memory_space<vmem>> -> memref<128xi32, #tpu.memory_space<vmem>>
          %dma_start3A_184 = arith.constant 0 : i32
          %dma_start3A_185 = arith.constant 0 : i32
          %dma_start3A_186 = tpu.memref_slice %arg2[%dma_start3A_184, %dma_start3A_185] : memref<320000x16xi32, #tpu.memory_space<hbm>> -> memref<320000x16xi32, #tpu.memory_space<hbm>>
          tpu.enqueue_indirect_dma source(%dma_start3A_186 : memref<320000x16xi32, #tpu.memory_space<hbm>>) target(%dma_start3A_182 : memref<128x16xi32, #tpu.memory_space<vmem>>) offsets(%dma_start3A_183 : memref<128xi32, #tpu.memory_space<vmem>>) semaphore(%arg17 : memref<!tpu.dma_semaphore, #tpu.memory_space<semaphore_mem>>)
        }
        %scan3A_171 = arith.constant 25 : i32
      } else {
      }
      %ge3A_109 = arith.constant 1 : i32
      %ge3A_110 = arith.cmpi sge, %mul3A_66, %ge3A_109 : i32
      %convert_element_type3A_111 = arith.extui %ge3A_110 : i1 to i32
      %cond3A_112 = arith.constant 0 : i32
      %cond3A_113 = arith.cmpi ne, %convert_element_type3A_111, %cond3A_112 : i32
      scf.if %cond3A_113 {
        %sub3A = arith.constant 1 : i32
        %sub3A_141 = arith.subi %mul3A_66, %sub3A : i32
        %mul3A_142 = arith.constant 25 : i32
        %mul3A_143 = arith.muli %sub3A_141, %mul3A_142 : i32
        %add3A_144 = arith.addi %mul3A_2, %mul3A_143 : i32
        %mul3A_145 = arith.constant 128 : i32
        %mul3A_146 = arith.muli %add3A_144, %mul3A_145 : i32
        %mul3A_147 = arith.constant 128 : i32
        %mul3A_148 = arith.muli %add3A_144, %mul3A_147 : i32
        %dma_wait3A_149 = tpu.memref_slice %arg5[%mul3A_146] : memref<5120000xf32, #tpu.memory_space<hbm>> -> memref<3200xf32, #tpu.memory_space<hbm>>
        %dma_wait3A_150 = tpu.memref_slice %arg5[%mul3A_146] : memref<5120000xf32, #tpu.memory_space<hbm>> -> memref<3200xf32, #tpu.memory_space<hbm>>
        tpu.wait_dma2 semaphore(%arg22 : memref<!tpu.dma_semaphore, #tpu.memory_space<semaphore_mem>>) src(%arg14 : memref<3200xf32, #tpu.memory_space<vmem>>) dst(%dma_wait3A_150 : memref<3200xf32, #tpu.memory_space<hbm>>)
        %dma_wait3A_151 = tpu.memref_slice %arg6[%mul3A_148] : memref<5120000xf32, #tpu.memory_space<hbm>> -> memref<3200xf32, #tpu.memory_space<hbm>>
        %dma_wait3A_152 = tpu.memref_slice %arg6[%mul3A_148] : memref<5120000xf32, #tpu.memory_space<hbm>> -> memref<3200xf32, #tpu.memory_space<hbm>>
        tpu.wait_dma2 semaphore(%arg22 : memref<!tpu.dma_semaphore, #tpu.memory_space<semaphore_mem>>) src(%arg16 : memref<3200xf32, #tpu.memory_space<vmem>>) dst(%dma_wait3A_152 : memref<3200xf32, #tpu.memory_space<hbm>>)
      } else {
      }
      %add3A_114 = arith.constant 1 : i32
      %add3A_115 = arith.addi %mul3A_66, %add3A_114 : i32
      %scan3A_116 = arith.constant 0 : i32
      %scan3A_117 = arith.constant 25 : i32
      %scan3A_118 = arith.addi %scan3A_116, %scan3A_117 : i32
      %scan3A_119 = arith.constant 1 : i32
      scf.for %scan3A_141 = %scan3A_116 to %scan3A_118 step %scan3A_119  : i32 {
        %mul3A_142 = arith.constant 1 : i32
        %mul3A_143 = arith.muli %scan3A_141, %mul3A_142 : i32
        %add3A_144 = arith.constant 0 : i32
        %add3A_145 = arith.addi %add3A_144, %mul3A_143 : i32
        %mul3A_146 = arith.constant 128 : i32
        %mul3A_147 = arith.muli %add3A_145, %mul3A_146 : i32
        %dma_wait3A_148 = arith.constant 0 : i32
        %dma_wait3A_149 = arith.constant 0 : i32
        %dma_wait3A_150 = tpu.memref_slice %arg12[%add3A_145, %dma_wait3A_148, %dma_wait3A_149] : memref<25x128x16xi32, #tpu.memory_space<vmem>> -> memref<1x128x16xi32, #tpu.memory_space<vmem>>
        %dma_wait3A_151 = tpu.memref_squeeze %dma_wait3A_150 : memref<1x128x16xi32, #tpu.memory_space<vmem>> -> memref<128x16xi32, #tpu.memory_space<vmem>>
        %dma_wait3A_152 = tpu.memref_slice %arg8[%mul3A_147] : memref<3200xi32, #tpu.memory_space<vmem>> -> memref<128xi32, #tpu.memory_space<vmem>>
        %dma_wait3A_153 = arith.constant 0 : i32
        %dma_wait3A_154 = arith.constant 0 : i32
        %dma_wait3A_155 = tpu.memref_slice %arg2[%dma_wait3A_153, %dma_wait3A_154] : memref<320000x16xi32, #tpu.memory_space<hbm>> -> memref<320000x16xi32, #tpu.memory_space<hbm>>
        tpu.wait_indirect_dma semaphore(%arg18 : memref<!tpu.dma_semaphore, #tpu.memory_space<semaphore_mem>>) src(%dma_wait3A_155 : memref<320000x16xi32, #tpu.memory_space<hbm>>) dst(%dma_wait3A_151 : memref<128x16xi32, #tpu.memory_space<vmem>>)
        %mul3A_156 = arith.constant 128 : i32
        %mul3A_157 = arith.muli %add3A_145, %mul3A_156 : i32
        %broadcast_in_dim3A = vector.broadcast %mul3A_157 : i32 to vector<16xi32>
        %scan3A_158 = arith.constant 0 : i32
        %scan3A_159 = arith.constant 4 : i32
        %scan3A_160 = arith.addi %scan3A_158, %scan3A_159 : i32
        %scan3A_161 = arith.constant 1 : i32
        scf.for %scan3A_168 = %scan3A_158 to %scan3A_160 step %scan3A_161  : i32 {
          %mul3A_169 = arith.constant 1 : i32
          %mul3A_170 = arith.muli %scan3A_168, %mul3A_169 : i32
          %add3A_171 = arith.constant 0 : i32
          %add3A_172 = arith.addi %add3A_171, %mul3A_170 : i32
          %broadcast_in_dim3A_173 = arith.constant 0.000000e+00 : f32
          %broadcast_in_dim3A_174 = vector.broadcast %broadcast_in_dim3A_173 : f32 to vector<16xf32>
          %broadcast_in_dim3A_175 = arith.constant 0.000000e+00 : f32
          %broadcast_in_dim3A_176 = vector.broadcast %broadcast_in_dim3A_175 : f32 to vector<16xf32>
          %broadcast_in_dim3A_177 = arith.constant 0.000000e+00 : f32
          %broadcast_in_dim3A_178 = vector.broadcast %broadcast_in_dim3A_177 : f32 to vector<16xf32>
          %broadcast_in_dim3A_179 = arith.constant 0.000000e+00 : f32
          %broadcast_in_dim3A_180 = vector.broadcast %broadcast_in_dim3A_179 : f32 to vector<16xf32>
          %mul3A_181 = arith.constant 4 : i32
          %mul3A_182 = arith.muli %add3A_172, %mul3A_181 : i32
          %add3A_183 = arith.constant 0 : i32
          %add3A_184 = arith.addi %add3A_183, %mul3A_182 : i32
          %add3A_185 = arith.constant 0 : i32
          %add3A_186 = arith.addi %add3A_184, %add3A_185 : i32
          %add3A_187 = vector.broadcast %add3A_186 : i32 to vector<16xi32>
          %add3A_188 = arith.addi %broadcast_in_dim3A, %add3A_187 : vector<16xi32>
          %gather3A = tpu.vector_load_idx %arg10[%add3A_188] : memref<3200xf32, #tpu.memory_space<vmem>>[vector<16xi32>], vector<16xf32>,
          %get3A = arith.index_cast %add3A_145 : i32 to index
          %get3A_189 = arith.index_cast %add3A_186 : i32 to index
          %get3A_190 = arith.constant 0 : index
          %get3A_191 = tpu.vector_load %arg12[%get3A, %get3A_189, %get3A_190] {strides = array<i32>} : memref<25x128x16xi32, #tpu.memory_space<vmem>>, vector<16xi32>,
          %shift_left3A = arith.constant 16 : i32
          %shift_left3A_192 = vector.broadcast %shift_left3A : i32 to vector<16xi32>
          %shift_left3A_193 = arith.shli %get3A_191, %shift_left3A_192 : vector<16xi32>
          %bitcast3A = vector.bitcast %shift_left3A_193 : vector<16xi32> to vector<16xf32>
          %bitcast3A_194 = vector.bitcast %get3A_191 : vector<16xi32> to vector<16xf32>
          %mul3A_195 = arith.mulf %gather3A, %bitcast3A : vector<16xf32>
          %add3A_196 = arith.addf %broadcast_in_dim3A_174, %mul3A_195 : vector<16xf32>
          %mul3A_197 = arith.mulf %gather3A, %bitcast3A_194 : vector<16xf32>
          %add3A_198 = arith.addf %broadcast_in_dim3A_176, %mul3A_197 : vector<16xf32>
          %mul3A_199 = arith.constant 4 : i32
          %mul3A_200 = arith.muli %add3A_172, %mul3A_199 : i32
          %add3A_201 = arith.constant 0 : i32
          %add3A_202 = arith.addi %add3A_201, %mul3A_200 : i32
          %add3A_203 = arith.constant 1 : i32
          %add3A_204 = arith.addi %add3A_202, %add3A_203 : i32
          %add3A_205 = vector.broadcast %add3A_204 : i32 to vector<16xi32>
          %add3A_206 = arith.addi %broadcast_in_dim3A, %add3A_205 : vector<16xi32>
          %gather3A_207 = tpu.vector_load_idx %arg10[%add3A_206] : memref<3200xf32, #tpu.memory_space<vmem>>[vector<16xi32>], vector<16xf32>,
          %get3A_208 = arith.index_cast %add3A_145 : i32 to index
          %get3A_209 = arith.index_cast %add3A_204 : i32 to index
          %get3A_210 = arith.constant 0 : index
          %get3A_211 = tpu.vector_load %arg12[%get3A_208, %get3A_209, %get3A_210] {strides = array<i32>} : memref<25x128x16xi32, #tpu.memory_space<vmem>>, vector<16xi32>,
          %shift_left3A_212 = arith.constant 16 : i32
          %shift_left3A_213 = vector.broadcast %shift_left3A_212 : i32 to vector<16xi32>
          %shift_left3A_214 = arith.shli %get3A_211, %shift_left3A_213 : vector<16xi32>
          %bitcast3A_215 = vector.bitcast %shift_left3A_214 : vector<16xi32> to vector<16xf32>
          %bitcast3A_216 = vector.bitcast %get3A_211 : vector<16xi32> to vector<16xf32>
          %mul3A_217 = arith.mulf %gather3A_207, %bitcast3A_215 : vector<16xf32>
          %add3A_218 = arith.addf %add3A_196, %mul3A_217 : vector<16xf32>
          %mul3A_219 = arith.mulf %gather3A_207, %bitcast3A_216 : vector<16xf32>
          %add3A_220 = arith.addf %add3A_198, %mul3A_219 : vector<16xf32>
          %mul3A_221 = arith.constant 4 : i32
          %mul3A_222 = arith.muli %add3A_172, %mul3A_221 : i32
          %add3A_223 = arith.constant 0 : i32
          %add3A_224 = arith.addi %add3A_223, %mul3A_222 : i32
          %add3A_225 = arith.constant 2 : i32
          %add3A_226 = arith.addi %add3A_224, %add3A_225 : i32
          %add3A_227 = vector.broadcast %add3A_226 : i32 to vector<16xi32>
          %add3A_228 = arith.addi %broadcast_in_dim3A, %add3A_227 : vector<16xi32>
          %gather3A_229 = tpu.vector_load_idx %arg10[%add3A_228] : memref<3200xf32, #tpu.memory_space<vmem>>[vector<16xi32>], vector<16xf32>,
          %get3A_230 = arith.index_cast %add3A_145 : i32 to index
          %get3A_231 = arith.index_cast %add3A_226 : i32 to index
          %get3A_232 = arith.constant 0 : index
          %get3A_233 = tpu.vector_load %arg12[%get3A_230, %get3A_231, %get3A_232] {strides = array<i32>} : memref<25x128x16xi32, #tpu.memory_space<vmem>>, vector<16xi32>,
          %shift_left3A_234 = arith.constant 16 : i32
          %shift_left3A_235 = vector.broadcast %shift_left3A_234 : i32 to vector<16xi32>
          %shift_left3A_236 = arith.shli %get3A_233, %shift_left3A_235 : vector<16xi32>
          %bitcast3A_237 = vector.bitcast %shift_left3A_236 : vector<16xi32> to vector<16xf32>
          %bitcast3A_238 = vector.bitcast %get3A_233 : vector<16xi32> to vector<16xf32>
          %mul3A_239 = arith.mulf %gather3A_229, %bitcast3A_237 : vector<16xf32>
          %add3A_240 = arith.addf %add3A_218, %mul3A_239 : vector<16xf32>
          %mul3A_241 = arith.mulf %gather3A_229, %bitcast3A_238 : vector<16xf32>
          %add3A_242 = arith.addf %add3A_220, %mul3A_241 : vector<16xf32>
          %mul3A_243 = arith.constant 4 : i32
          %mul3A_244 = arith.muli %add3A_172, %mul3A_243 : i32
          %add3A_245 = arith.constant 0 : i32
          %add3A_246 = arith.addi %add3A_245, %mul3A_244 : i32
          %add3A_247 = arith.constant 3 : i32
          %add3A_248 = arith.addi %add3A_246, %add3A_247 : i32
          %add3A_249 = vector.broadcast %add3A_248 : i32 to vector<16xi32>
          %add3A_250 = arith.addi %broadcast_in_dim3A, %add3A_249 : vector<16xi32>
          %gather3A_251 = tpu.vector_load_idx %arg10[%add3A_250] : memref<3200xf32, #tpu.memory_space<vmem>>[vector<16xi32>], vector<16xf32>,
          %get3A_252 = arith.index_cast %add3A_145 : i32 to index
          %get3A_253 = arith.index_cast %add3A_248 : i32 to index
          %get3A_254 = arith.constant 0 : index
          %get3A_255 = tpu.vector_load %arg12[%get3A_252, %get3A_253, %get3A_254] {strides = array<i32>} : memref<25x128x16xi32, #tpu.memory_space<vmem>>, vector<16xi32>,
          %shift_left3A_256 = arith.constant 16 : i32
          %shift_left3A_257 = vector.broadcast %shift_left3A_256 : i32 to vector<16xi32>
          %shift_left3A_258 = arith.shli %get3A_255, %shift_left3A_257 : vector<16xi32>
          %bitcast3A_259 = vector.bitcast %shift_left3A_258 : vector<16xi32> to vector<16xf32>
          %bitcast3A_260 = vector.bitcast %get3A_255 : vector<16xi32> to vector<16xf32>
          %mul3A_261 = arith.mulf %gather3A_251, %bitcast3A_259 : vector<16xf32>
          %add3A_262 = arith.addf %add3A_240, %mul3A_261 : vector<16xf32>
          %mul3A_263 = arith.mulf %gather3A_251, %bitcast3A_260 : vector<16xf32>
          %add3A_264 = arith.addf %add3A_242, %mul3A_263 : vector<16xf32>
          %mul3A_265 = arith.constant 4 : i32
          %mul3A_266 = arith.muli %add3A_172, %mul3A_265 : i32
          %add3A_267 = arith.constant 32 : i32
          %add3A_268 = arith.addi %add3A_267, %mul3A_266 : i32
          %add3A_269 = arith.constant 0 : i32
          %add3A_270 = arith.addi %add3A_268, %add3A_269 : i32
          %add3A_271 = vector.broadcast %add3A_270 : i32 to vector<16xi32>
          %add3A_272 = arith.addi %broadcast_in_dim3A, %add3A_271 : vector<16xi32>
          %gather3A_273 = tpu.vector_load_idx %arg10[%add3A_272] : memref<3200xf32, #tpu.memory_space<vmem>>[vector<16xi32>], vector<16xf32>,
          %get3A_274 = arith.index_cast %add3A_145 : i32 to index
          %get3A_275 = arith.index_cast %add3A_270 : i32 to index
          %get3A_276 = arith.constant 0 : index
          %get3A_277 = tpu.vector_load %arg12[%get3A_274, %get3A_275, %get3A_276] {strides = array<i32>} : memref<25x128x16xi32, #tpu.memory_space<vmem>>, vector<16xi32>,
          %shift_left3A_278 = arith.constant 16 : i32
          %shift_left3A_279 = vector.broadcast %shift_left3A_278 : i32 to vector<16xi32>
          %shift_left3A_280 = arith.shli %get3A_277, %shift_left3A_279 : vector<16xi32>
          %bitcast3A_281 = vector.bitcast %shift_left3A_280 : vector<16xi32> to vector<16xf32>
          %bitcast3A_282 = vector.bitcast %get3A_277 : vector<16xi32> to vector<16xf32>
          %mul3A_283 = arith.mulf %gather3A_273, %bitcast3A_281 : vector<16xf32>
          %add3A_284 = arith.addf %add3A_262, %mul3A_283 : vector<16xf32>
          %mul3A_285 = arith.mulf %gather3A_273, %bitcast3A_282 : vector<16xf32>
          %add3A_286 = arith.addf %add3A_264, %mul3A_285 : vector<16xf32>
          %mul3A_287 = arith.constant 4 : i32
          %mul3A_288 = arith.muli %add3A_172, %mul3A_287 : i32
          %add3A_289 = arith.constant 32 : i32
          %add3A_290 = arith.addi %add3A_289, %mul3A_288 : i32
          %add3A_291 = arith.constant 1 : i32
          %add3A_292 = arith.addi %add3A_290, %add3A_291 : i32
          %add3A_293 = vector.broadcast %add3A_292 : i32 to vector<16xi32>
          %add3A_294 = arith.addi %broadcast_in_dim3A, %add3A_293 : vector<16xi32>
          %gather3A_295 = tpu.vector_load_idx %arg10[%add3A_294] : memref<3200xf32, #tpu.memory_space<vmem>>[vector<16xi32>], vector<16xf32>,
          %get3A_296 = arith.index_cast %add3A_145 : i32 to index
          %get3A_297 = arith.index_cast %add3A_292 : i32 to index
          %get3A_298 = arith.constant 0 : index
          %get3A_299 = tpu.vector_load %arg12[%get3A_296, %get3A_297, %get3A_298] {strides = array<i32>} : memref<25x128x16xi32, #tpu.memory_space<vmem>>, vector<16xi32>,
          %shift_left3A_300 = arith.constant 16 : i32
          %shift_left3A_301 = vector.broadcast %shift_left3A_300 : i32 to vector<16xi32>
          %shift_left3A_302 = arith.shli %get3A_299, %shift_left3A_301 : vector<16xi32>
          %bitcast3A_303 = vector.bitcast %shift_left3A_302 : vector<16xi32> to vector<16xf32>
          %bitcast3A_304 = vector.bitcast %get3A_299 : vector<16xi32> to vector<16xf32>
          %mul3A_305 = arith.mulf %gather3A_295, %bitcast3A_303 : vector<16xf32>
          %add3A_306 = arith.addf %add3A_284, %mul3A_305 : vector<16xf32>
          %mul3A_307 = arith.mulf %gather3A_295, %bitcast3A_304 : vector<16xf32>
          %add3A_308 = arith.addf %add3A_286, %mul3A_307 : vector<16xf32>
          %mul3A_309 = arith.constant 4 : i32
          %mul3A_310 = arith.muli %add3A_172, %mul3A_309 : i32
          %add3A_311 = arith.constant 32 : i32
          %add3A_312 = arith.addi %add3A_311, %mul3A_310 : i32
          %add3A_313 = arith.constant 2 : i32
          %add3A_314 = arith.addi %add3A_312, %add3A_313 : i32
          %add3A_315 = vector.broadcast %add3A_314 : i32 to vector<16xi32>
          %add3A_316 = arith.addi %broadcast_in_dim3A, %add3A_315 : vector<16xi32>
          %gather3A_317 = tpu.vector_load_idx %arg10[%add3A_316] : memref<3200xf32, #tpu.memory_space<vmem>>[vector<16xi32>], vector<16xf32>,
          %get3A_318 = arith.index_cast %add3A_145 : i32 to index
          %get3A_319 = arith.index_cast %add3A_314 : i32 to index
          %get3A_320 = arith.constant 0 : index
          %get3A_321 = tpu.vector_load %arg12[%get3A_318, %get3A_319, %get3A_320] {strides = array<i32>} : memref<25x128x16xi32, #tpu.memory_space<vmem>>, vector<16xi32>,
          %shift_left3A_322 = arith.constant 16 : i32
          %shift_left3A_323 = vector.broadcast %shift_left3A_322 : i32 to vector<16xi32>
          %shift_left3A_324 = arith.shli %get3A_321, %shift_left3A_323 : vector<16xi32>
          %bitcast3A_325 = vector.bitcast %shift_left3A_324 : vector<16xi32> to vector<16xf32>
          %bitcast3A_326 = vector.bitcast %get3A_321 : vector<16xi32> to vector<16xf32>
          %mul3A_327 = arith.mulf %gather3A_317, %bitcast3A_325 : vector<16xf32>
          %add3A_328 = arith.addf %add3A_306, %mul3A_327 : vector<16xf32>
          %mul3A_329 = arith.mulf %gather3A_317, %bitcast3A_326 : vector<16xf32>
          %add3A_330 = arith.addf %add3A_308, %mul3A_329 : vector<16xf32>
          %mul3A_331 = arith.constant 4 : i32
          %mul3A_332 = arith.muli %add3A_172, %mul3A_331 : i32
          %add3A_333 = arith.constant 32 : i32
          %add3A_334 = arith.addi %add3A_333, %mul3A_332 : i32
          %add3A_335 = arith.constant 3 : i32
          %add3A_336 = arith.addi %add3A_334, %add3A_335 : i32
          %add3A_337 = vector.broadcast %add3A_336 : i32 to vector<16xi32>
          %add3A_338 = arith.addi %broadcast_in_dim3A, %add3A_337 : vector<16xi32>
          %gather3A_339 = tpu.vector_load_idx %arg10[%add3A_338] : memref<3200xf32, #tpu.memory_space<vmem>>[vector<16xi32>], vector<16xf32>,
          %get3A_340 = arith.index_cast %add3A_145 : i32 to index
          %get3A_341 = arith.index_cast %add3A_336 : i32 to index
          %get3A_342 = arith.constant 0 : index
          %get3A_343 = tpu.vector_load %arg12[%get3A_340, %get3A_341, %get3A_342] {strides = array<i32>} : memref<25x128x16xi32, #tpu.memory_space<vmem>>, vector<16xi32>,
          %shift_left3A_344 = arith.constant 16 : i32
          %shift_left3A_345 = vector.broadcast %shift_left3A_344 : i32 to vector<16xi32>
          %shift_left3A_346 = arith.shli %get3A_343, %shift_left3A_345 : vector<16xi32>
          %bitcast3A_347 = vector.bitcast %shift_left3A_346 : vector<16xi32> to vector<16xf32>
          %bitcast3A_348 = vector.bitcast %get3A_343 : vector<16xi32> to vector<16xf32>
          %mul3A_349 = arith.mulf %gather3A_339, %bitcast3A_347 : vector<16xf32>
          %add3A_350 = arith.addf %add3A_328, %mul3A_349 : vector<16xf32>
          %mul3A_351 = arith.mulf %gather3A_339, %bitcast3A_348 : vector<16xf32>
          %add3A_352 = arith.addf %add3A_330, %mul3A_351 : vector<16xf32>
          %mul3A_353 = arith.constant 4 : i32
          %mul3A_354 = arith.muli %add3A_172, %mul3A_353 : i32
          %add3A_355 = arith.constant 64 : i32
          %add3A_356 = arith.addi %add3A_355, %mul3A_354 : i32
          %add3A_357 = arith.constant 0 : i32
          %add3A_358 = arith.addi %add3A_356, %add3A_357 : i32
          %add3A_359 = vector.broadcast %add3A_358 : i32 to vector<16xi32>
          %add3A_360 = arith.addi %broadcast_in_dim3A, %add3A_359 : vector<16xi32>
          %gather3A_361 = tpu.vector_load_idx %arg10[%add3A_360] : memref<3200xf32, #tpu.memory_space<vmem>>[vector<16xi32>], vector<16xf32>,
          %get3A_362 = arith.index_cast %add3A_145 : i32 to index
          %get3A_363 = arith.index_cast %add3A_358 : i32 to index
          %get3A_364 = arith.constant 0 : index
          %get3A_365 = tpu.vector_load %arg12[%get3A_362, %get3A_363, %get3A_364] {strides = array<i32>} : memref<25x128x16xi32, #tpu.memory_space<vmem>>, vector<16xi32>,
          %shift_left3A_366 = arith.constant 16 : i32
          %shift_left3A_367 = vector.broadcast %shift_left3A_366 : i32 to vector<16xi32>
          %shift_left3A_368 = arith.shli %get3A_365, %shift_left3A_367 : vector<16xi32>
          %bitcast3A_369 = vector.bitcast %shift_left3A_368 : vector<16xi32> to vector<16xf32>
          %bitcast3A_370 = vector.bitcast %get3A_365 : vector<16xi32> to vector<16xf32>
          %mul3A_371 = arith.mulf %gather3A_361, %bitcast3A_369 : vector<16xf32>
          %add3A_372 = arith.addf %broadcast_in_dim3A_178, %mul3A_371 : vector<16xf32>
          %mul3A_373 = arith.mulf %gather3A_361, %bitcast3A_370 : vector<16xf32>
          %add3A_374 = arith.addf %broadcast_in_dim3A_180, %mul3A_373 : vector<16xf32>
          %mul3A_375 = arith.constant 4 : i32
          %mul3A_376 = arith.muli %add3A_172, %mul3A_375 : i32
          %add3A_377 = arith.constant 64 : i32
          %add3A_378 = arith.addi %add3A_377, %mul3A_376 : i32
          %add3A_379 = arith.constant 1 : i32
          %add3A_380 = arith.addi %add3A_378, %add3A_379 : i32
          %add3A_381 = vector.broadcast %add3A_380 : i32 to vector<16xi32>
          %add3A_382 = arith.addi %broadcast_in_dim3A, %add3A_381 : vector<16xi32>
          %gather3A_383 = tpu.vector_load_idx %arg10[%add3A_382] : memref<3200xf32, #tpu.memory_space<vmem>>[vector<16xi32>], vector<16xf32>,
          %get3A_384 = arith.index_cast %add3A_145 : i32 to index
          %get3A_385 = arith.index_cast %add3A_380 : i32 to index
          %get3A_386 = arith.constant 0 : index
          %get3A_387 = tpu.vector_load %arg12[%get3A_384, %get3A_385, %get3A_386] {strides = array<i32>} : memref<25x128x16xi32, #tpu.memory_space<vmem>>, vector<16xi32>,
          %shift_left3A_388 = arith.constant 16 : i32
          %shift_left3A_389 = vector.broadcast %shift_left3A_388 : i32 to vector<16xi32>
          %shift_left3A_390 = arith.shli %get3A_387, %shift_left3A_389 : vector<16xi32>
          %bitcast3A_391 = vector.bitcast %shift_left3A_390 : vector<16xi32> to vector<16xf32>
          %bitcast3A_392 = vector.bitcast %get3A_387 : vector<16xi32> to vector<16xf32>
          %mul3A_393 = arith.mulf %gather3A_383, %bitcast3A_391 : vector<16xf32>
          %add3A_394 = arith.addf %add3A_372, %mul3A_393 : vector<16xf32>
          %mul3A_395 = arith.mulf %gather3A_383, %bitcast3A_392 : vector<16xf32>
          %add3A_396 = arith.addf %add3A_374, %mul3A_395 : vector<16xf32>
          %mul3A_397 = arith.constant 4 : i32
          %mul3A_398 = arith.muli %add3A_172, %mul3A_397 : i32
          %add3A_399 = arith.constant 64 : i32
          %add3A_400 = arith.addi %add3A_399, %mul3A_398 : i32
          %add3A_401 = arith.constant 2 : i32
          %add3A_402 = arith.addi %add3A_400, %add3A_401 : i32
          %add3A_403 = vector.broadcast %add3A_402 : i32 to vector<16xi32>
          %add3A_404 = arith.addi %broadcast_in_dim3A, %add3A_403 : vector<16xi32>
          %gather3A_405 = tpu.vector_load_idx %arg10[%add3A_404] : memref<3200xf32, #tpu.memory_space<vmem>>[vector<16xi32>], vector<16xf32>,
          %get3A_406 = arith.index_cast %add3A_145 : i32 to index
          %get3A_407 = arith.index_cast %add3A_402 : i32 to index
          %get3A_408 = arith.constant 0 : index
          %get3A_409 = tpu.vector_load %arg12[%get3A_406, %get3A_407, %get3A_408] {strides = array<i32>} : memref<25x128x16xi32, #tpu.memory_space<vmem>>, vector<16xi32>,
          %shift_left3A_410 = arith.constant 16 : i32
          %shift_left3A_411 = vector.broadcast %shift_left3A_410 : i32 to vector<16xi32>
          %shift_left3A_412 = arith.shli %get3A_409, %shift_left3A_411 : vector<16xi32>
          %bitcast3A_413 = vector.bitcast %shift_left3A_412 : vector<16xi32> to vector<16xf32>
          %bitcast3A_414 = vector.bitcast %get3A_409 : vector<16xi32> to vector<16xf32>
          %mul3A_415 = arith.mulf %gather3A_405, %bitcast3A_413 : vector<16xf32>
          %add3A_416 = arith.addf %add3A_394, %mul3A_415 : vector<16xf32>
          %mul3A_417 = arith.mulf %gather3A_405, %bitcast3A_414 : vector<16xf32>
          %add3A_418 = arith.addf %add3A_396, %mul3A_417 : vector<16xf32>
          %mul3A_419 = arith.constant 4 : i32
          %mul3A_420 = arith.muli %add3A_172, %mul3A_419 : i32
          %add3A_421 = arith.constant 64 : i32
          %add3A_422 = arith.addi %add3A_421, %mul3A_420 : i32
          %add3A_423 = arith.constant 3 : i32
          %add3A_424 = arith.addi %add3A_422, %add3A_423 : i32
          %add3A_425 = vector.broadcast %add3A_424 : i32 to vector<16xi32>
          %add3A_426 = arith.addi %broadcast_in_dim3A, %add3A_425 : vector<16xi32>
          %gather3A_427 = tpu.vector_load_idx %arg10[%add3A_426] : memref<3200xf32, #tpu.memory_space<vmem>>[vector<16xi32>], vector<16xf32>,
          %get3A_428 = arith.index_cast %add3A_145 : i32 to index
          %get3A_429 = arith.index_cast %add3A_424 : i32 to index
          %get3A_430 = arith.constant 0 : index
          %get3A_431 = tpu.vector_load %arg12[%get3A_428, %get3A_429, %get3A_430] {strides = array<i32>} : memref<25x128x16xi32, #tpu.memory_space<vmem>>, vector<16xi32>,
          %shift_left3A_432 = arith.constant 16 : i32
          %shift_left3A_433 = vector.broadcast %shift_left3A_432 : i32 to vector<16xi32>
          %shift_left3A_434 = arith.shli %get3A_431, %shift_left3A_433 : vector<16xi32>
          %bitcast3A_435 = vector.bitcast %shift_left3A_434 : vector<16xi32> to vector<16xf32>
          %bitcast3A_436 = vector.bitcast %get3A_431 : vector<16xi32> to vector<16xf32>
          %mul3A_437 = arith.mulf %gather3A_427, %bitcast3A_435 : vector<16xf32>
          %add3A_438 = arith.addf %add3A_416, %mul3A_437 : vector<16xf32>
          %mul3A_439 = arith.mulf %gather3A_427, %bitcast3A_436 : vector<16xf32>
          %add3A_440 = arith.addf %add3A_418, %mul3A_439 : vector<16xf32>
          %mul3A_441 = arith.constant 4 : i32
          %mul3A_442 = arith.muli %add3A_172, %mul3A_441 : i32
          %add3A_443 = arith.constant 96 : i32
          %add3A_444 = arith.addi %add3A_443, %mul3A_442 : i32
          %add3A_445 = arith.constant 0 : i32
          %add3A_446 = arith.addi %add3A_444, %add3A_445 : i32
          %add3A_447 = vector.broadcast %add3A_446 : i32 to vector<16xi32>
          %add3A_448 = arith.addi %broadcast_in_dim3A, %add3A_447 : vector<16xi32>
          %gather3A_449 = tpu.vector_load_idx %arg10[%add3A_448] : memref<3200xf32, #tpu.memory_space<vmem>>[vector<16xi32>], vector<16xf32>,
          %get3A_450 = arith.index_cast %add3A_145 : i32 to index
          %get3A_451 = arith.index_cast %add3A_446 : i32 to index
          %get3A_452 = arith.constant 0 : index
          %get3A_453 = tpu.vector_load %arg12[%get3A_450, %get3A_451, %get3A_452] {strides = array<i32>} : memref<25x128x16xi32, #tpu.memory_space<vmem>>, vector<16xi32>,
          %shift_left3A_454 = arith.constant 16 : i32
          %shift_left3A_455 = vector.broadcast %shift_left3A_454 : i32 to vector<16xi32>
          %shift_left3A_456 = arith.shli %get3A_453, %shift_left3A_455 : vector<16xi32>
          %bitcast3A_457 = vector.bitcast %shift_left3A_456 : vector<16xi32> to vector<16xf32>
          %bitcast3A_458 = vector.bitcast %get3A_453 : vector<16xi32> to vector<16xf32>
          %mul3A_459 = arith.mulf %gather3A_449, %bitcast3A_457 : vector<16xf32>
          %add3A_460 = arith.addf %add3A_438, %mul3A_459 : vector<16xf32>
          %mul3A_461 = arith.mulf %gather3A_449, %bitcast3A_458 : vector<16xf32>
          %add3A_462 = arith.addf %add3A_440, %mul3A_461 : vector<16xf32>
          %mul3A_463 = arith.constant 4 : i32
          %mul3A_464 = arith.muli %add3A_172, %mul3A_463 : i32
          %add3A_465 = arith.constant 96 : i32
          %add3A_466 = arith.addi %add3A_465, %mul3A_464 : i32
          %add3A_467 = arith.constant 1 : i32
          %add3A_468 = arith.addi %add3A_466, %add3A_467 : i32
          %add3A_469 = vector.broadcast %add3A_468 : i32 to vector<16xi32>
          %add3A_470 = arith.addi %broadcast_in_dim3A, %add3A_469 : vector<16xi32>
          %gather3A_471 = tpu.vector_load_idx %arg10[%add3A_470] : memref<3200xf32, #tpu.memory_space<vmem>>[vector<16xi32>], vector<16xf32>,
          %get3A_472 = arith.index_cast %add3A_145 : i32 to index
          %get3A_473 = arith.index_cast %add3A_468 : i32 to index
          %get3A_474 = arith.constant 0 : index
          %get3A_475 = tpu.vector_load %arg12[%get3A_472, %get3A_473, %get3A_474] {strides = array<i32>} : memref<25x128x16xi32, #tpu.memory_space<vmem>>, vector<16xi32>,
          %shift_left3A_476 = arith.constant 16 : i32
          %shift_left3A_477 = vector.broadcast %shift_left3A_476 : i32 to vector<16xi32>
          %shift_left3A_478 = arith.shli %get3A_475, %shift_left3A_477 : vector<16xi32>
          %bitcast3A_479 = vector.bitcast %shift_left3A_478 : vector<16xi32> to vector<16xf32>
          %bitcast3A_480 = vector.bitcast %get3A_475 : vector<16xi32> to vector<16xf32>
          %mul3A_481 = arith.mulf %gather3A_471, %bitcast3A_479 : vector<16xf32>
          %add3A_482 = arith.addf %add3A_460, %mul3A_481 : vector<16xf32>
          %mul3A_483 = arith.mulf %gather3A_471, %bitcast3A_480 : vector<16xf32>
          %add3A_484 = arith.addf %add3A_462, %mul3A_483 : vector<16xf32>
          %mul3A_485 = arith.constant 4 : i32
          %mul3A_486 = arith.muli %add3A_172, %mul3A_485 : i32
          %add3A_487 = arith.constant 96 : i32
          %add3A_488 = arith.addi %add3A_487, %mul3A_486 : i32
          %add3A_489 = arith.constant 2 : i32
          %add3A_490 = arith.addi %add3A_488, %add3A_489 : i32
          %add3A_491 = vector.broadcast %add3A_490 : i32 to vector<16xi32>
          %add3A_492 = arith.addi %broadcast_in_dim3A, %add3A_491 : vector<16xi32>
          %gather3A_493 = tpu.vector_load_idx %arg10[%add3A_492] : memref<3200xf32, #tpu.memory_space<vmem>>[vector<16xi32>], vector<16xf32>,
          %get3A_494 = arith.index_cast %add3A_145 : i32 to index
          %get3A_495 = arith.index_cast %add3A_490 : i32 to index
          %get3A_496 = arith.constant 0 : index
          %get3A_497 = tpu.vector_load %arg12[%get3A_494, %get3A_495, %get3A_496] {strides = array<i32>} : memref<25x128x16xi32, #tpu.memory_space<vmem>>, vector<16xi32>,
          %shift_left3A_498 = arith.constant 16 : i32
          %shift_left3A_499 = vector.broadcast %shift_left3A_498 : i32 to vector<16xi32>
          %shift_left3A_500 = arith.shli %get3A_497, %shift_left3A_499 : vector<16xi32>
          %bitcast3A_501 = vector.bitcast %shift_left3A_500 : vector<16xi32> to vector<16xf32>
          %bitcast3A_502 = vector.bitcast %get3A_497 : vector<16xi32> to vector<16xf32>
          %mul3A_503 = arith.mulf %gather3A_493, %bitcast3A_501 : vector<16xf32>
          %add3A_504 = arith.addf %add3A_482, %mul3A_503 : vector<16xf32>
          %mul3A_505 = arith.mulf %gather3A_493, %bitcast3A_502 : vector<16xf32>
          %add3A_506 = arith.addf %add3A_484, %mul3A_505 : vector<16xf32>
          %mul3A_507 = arith.constant 4 : i32
          %mul3A_508 = arith.muli %add3A_172, %mul3A_507 : i32
          %add3A_509 = arith.constant 96 : i32
          %add3A_510 = arith.addi %add3A_509, %mul3A_508 : i32
          %add3A_511 = arith.constant 3 : i32
          %add3A_512 = arith.addi %add3A_510, %add3A_511 : i32
          %add3A_513 = vector.broadcast %add3A_512 : i32 to vector<16xi32>
          %add3A_514 = arith.addi %broadcast_in_dim3A, %add3A_513 : vector<16xi32>
          %gather3A_515 = tpu.vector_load_idx %arg10[%add3A_514] : memref<3200xf32, #tpu.memory_space<vmem>>[vector<16xi32>], vector<16xf32>,
          %get3A_516 = arith.index_cast %add3A_145 : i32 to index
          %get3A_517 = arith.index_cast %add3A_512 : i32 to index
          %get3A_518 = arith.constant 0 : index
          %get3A_519 = tpu.vector_load %arg12[%get3A_516, %get3A_517, %get3A_518] {strides = array<i32>} : memref<25x128x16xi32, #tpu.memory_space<vmem>>, vector<16xi32>,
          %shift_left3A_520 = arith.constant 16 : i32
          %shift_left3A_521 = vector.broadcast %shift_left3A_520 : i32 to vector<16xi32>
          %shift_left3A_522 = arith.shli %get3A_519, %shift_left3A_521 : vector<16xi32>
          %bitcast3A_523 = vector.bitcast %shift_left3A_522 : vector<16xi32> to vector<16xf32>
          %bitcast3A_524 = vector.bitcast %get3A_519 : vector<16xi32> to vector<16xf32>
          %mul3A_525 = arith.mulf %gather3A_515, %bitcast3A_523 : vector<16xf32>
          %add3A_526 = arith.addf %add3A_504, %mul3A_525 : vector<16xf32>
          %mul3A_527 = arith.mulf %gather3A_515, %bitcast3A_524 : vector<16xf32>
          %add3A_528 = arith.addf %add3A_506, %mul3A_527 : vector<16xf32>
          %add3A_529 = arith.addf %add3A_350, %add3A_526 : vector<16xf32>
          %mul3A_530 = arith.constant 128 : i32
          %mul3A_531 = arith.muli %add3A_145, %mul3A_530 : i32
          %mul3A_532 = arith.constant 32 : i32
          %mul3A_533 = arith.muli %add3A_172, %mul3A_532 : i32
          %add3A_534 = arith.addi %mul3A_531, %mul3A_533 : i32
          %swap3A = arith.index_cast %add3A_534 : i32 to index
          %swap3A_535 = tpu.vector_load %arg14[%swap3A] {strides = array<i32>} : memref<3200xf32, #tpu.memory_space<vmem>>, vector<16xf32>,
          tpu.vector_store %arg14[%swap3A], %add3A_529 {strides = array<i32>} : memref<3200xf32, #tpu.memory_space<vmem>>, vector<16xf32>,
          %add3A_536 = arith.addf %add3A_352, %add3A_528 : vector<16xf32>
          %mul3A_537 = arith.constant 128 : i32
          %mul3A_538 = arith.muli %add3A_145, %mul3A_537 : i32
          %mul3A_539 = arith.constant 32 : i32
          %mul3A_540 = arith.muli %add3A_172, %mul3A_539 : i32
          %add3A_541 = arith.addi %mul3A_538, %mul3A_540 : i32
          %add3A_542 = arith.constant 16 : i32
          %add3A_543 = arith.addi %add3A_541, %add3A_542 : i32
          %swap3A_544 = arith.index_cast %add3A_543 : i32 to index
          %swap3A_545 = tpu.vector_load %arg14[%swap3A_544] {strides = array<i32>} : memref<3200xf32, #tpu.memory_space<vmem>>, vector<16xf32>,
          tpu.vector_store %arg14[%swap3A_544], %add3A_536 {strides = array<i32>} : memref<3200xf32, #tpu.memory_space<vmem>>, vector<16xf32>,
        }
        %scan3A_162 = arith.constant 4 : i32
        %scan3A_163 = arith.constant 0 : i32
        %scan3A_164 = arith.constant 4 : i32
        %scan3A_165 = arith.addi %scan3A_163, %scan3A_164 : i32
        %scan3A_166 = arith.constant 1 : i32
        scf.for %scan3A_168 = %scan3A_163 to %scan3A_165 step %scan3A_166  : i32 {
          %mul3A_169 = arith.constant 1 : i32
          %mul3A_170 = arith.muli %scan3A_168, %mul3A_169 : i32
          %add3A_171 = arith.constant 0 : i32
          %add3A_172 = arith.addi %add3A_171, %mul3A_170 : i32
          %add3A_173 = arith.constant 4 : i32
          %add3A_174 = arith.addi %add3A_172, %add3A_173 : i32
          %broadcast_in_dim3A_175 = arith.constant 0.000000e+00 : f32
          %broadcast_in_dim3A_176 = vector.broadcast %broadcast_in_dim3A_175 : f32 to vector<16xf32>
          %broadcast_in_dim3A_177 = arith.constant 0.000000e+00 : f32
          %broadcast_in_dim3A_178 = vector.broadcast %broadcast_in_dim3A_177 : f32 to vector<16xf32>
          %broadcast_in_dim3A_179 = arith.constant 0.000000e+00 : f32
          %broadcast_in_dim3A_180 = vector.broadcast %broadcast_in_dim3A_179 : f32 to vector<16xf32>
          %broadcast_in_dim3A_181 = arith.constant 0.000000e+00 : f32
          %broadcast_in_dim3A_182 = vector.broadcast %broadcast_in_dim3A_181 : f32 to vector<16xf32>
          %mul3A_183 = arith.constant 4 : i32
          %mul3A_184 = arith.muli %add3A_174, %mul3A_183 : i32
          %add3A_185 = arith.constant 0 : i32
          %add3A_186 = arith.addi %add3A_185, %mul3A_184 : i32
          %add3A_187 = arith.constant 0 : i32
          %add3A_188 = arith.addi %add3A_186, %add3A_187 : i32
          %add3A_189 = vector.broadcast %add3A_188 : i32 to vector<16xi32>
          %add3A_190 = arith.addi %broadcast_in_dim3A, %add3A_189 : vector<16xi32>
          %gather3A = tpu.vector_load_idx %arg10[%add3A_190] : memref<3200xf32, #tpu.memory_space<vmem>>[vector<16xi32>], vector<16xf32>,
          %get3A = arith.index_cast %add3A_145 : i32 to index
          %get3A_191 = arith.index_cast %add3A_188 : i32 to index
          %get3A_192 = arith.constant 0 : index
          %get3A_193 = tpu.vector_load %arg12[%get3A, %get3A_191, %get3A_192] {strides = array<i32>} : memref<25x128x16xi32, #tpu.memory_space<vmem>>, vector<16xi32>,
          %shift_left3A = arith.constant 16 : i32
          %shift_left3A_194 = vector.broadcast %shift_left3A : i32 to vector<16xi32>
          %shift_left3A_195 = arith.shli %get3A_193, %shift_left3A_194 : vector<16xi32>
          %bitcast3A = vector.bitcast %shift_left3A_195 : vector<16xi32> to vector<16xf32>
          %bitcast3A_196 = vector.bitcast %get3A_193 : vector<16xi32> to vector<16xf32>
          %mul3A_197 = arith.mulf %gather3A, %bitcast3A : vector<16xf32>
          %add3A_198 = arith.addf %broadcast_in_dim3A_176, %mul3A_197 : vector<16xf32>
          %mul3A_199 = arith.mulf %gather3A, %bitcast3A_196 : vector<16xf32>
          %add3A_200 = arith.addf %broadcast_in_dim3A_178, %mul3A_199 : vector<16xf32>
          %mul3A_201 = arith.constant 4 : i32
          %mul3A_202 = arith.muli %add3A_174, %mul3A_201 : i32
          %add3A_203 = arith.constant 0 : i32
          %add3A_204 = arith.addi %add3A_203, %mul3A_202 : i32
          %add3A_205 = arith.constant 1 : i32
          %add3A_206 = arith.addi %add3A_204, %add3A_205 : i32
          %add3A_207 = vector.broadcast %add3A_206 : i32 to vector<16xi32>
          %add3A_208 = arith.addi %broadcast_in_dim3A, %add3A_207 : vector<16xi32>
          %gather3A_209 = tpu.vector_load_idx %arg10[%add3A_208] : memref<3200xf32, #tpu.memory_space<vmem>>[vector<16xi32>], vector<16xf32>,
          %get3A_210 = arith.index_cast %add3A_145 : i32 to index
          %get3A_211 = arith.index_cast %add3A_206 : i32 to index
          %get3A_212 = arith.constant 0 : index
          %get3A_213 = tpu.vector_load %arg12[%get3A_210, %get3A_211, %get3A_212] {strides = array<i32>} : memref<25x128x16xi32, #tpu.memory_space<vmem>>, vector<16xi32>,
          %shift_left3A_214 = arith.constant 16 : i32
          %shift_left3A_215 = vector.broadcast %shift_left3A_214 : i32 to vector<16xi32>
          %shift_left3A_216 = arith.shli %get3A_213, %shift_left3A_215 : vector<16xi32>
          %bitcast3A_217 = vector.bitcast %shift_left3A_216 : vector<16xi32> to vector<16xf32>
          %bitcast3A_218 = vector.bitcast %get3A_213 : vector<16xi32> to vector<16xf32>
          %mul3A_219 = arith.mulf %gather3A_209, %bitcast3A_217 : vector<16xf32>
          %add3A_220 = arith.addf %add3A_198, %mul3A_219 : vector<16xf32>
          %mul3A_221 = arith.mulf %gather3A_209, %bitcast3A_218 : vector<16xf32>
          %add3A_222 = arith.addf %add3A_200, %mul3A_221 : vector<16xf32>
          %mul3A_223 = arith.constant 4 : i32
          %mul3A_224 = arith.muli %add3A_174, %mul3A_223 : i32
          %add3A_225 = arith.constant 0 : i32
          %add3A_226 = arith.addi %add3A_225, %mul3A_224 : i32
          %add3A_227 = arith.constant 2 : i32
          %add3A_228 = arith.addi %add3A_226, %add3A_227 : i32
          %add3A_229 = vector.broadcast %add3A_228 : i32 to vector<16xi32>
          %add3A_230 = arith.addi %broadcast_in_dim3A, %add3A_229 : vector<16xi32>
          %gather3A_231 = tpu.vector_load_idx %arg10[%add3A_230] : memref<3200xf32, #tpu.memory_space<vmem>>[vector<16xi32>], vector<16xf32>,
          %get3A_232 = arith.index_cast %add3A_145 : i32 to index
          %get3A_233 = arith.index_cast %add3A_228 : i32 to index
          %get3A_234 = arith.constant 0 : index
          %get3A_235 = tpu.vector_load %arg12[%get3A_232, %get3A_233, %get3A_234] {strides = array<i32>} : memref<25x128x16xi32, #tpu.memory_space<vmem>>, vector<16xi32>,
          %shift_left3A_236 = arith.constant 16 : i32
          %shift_left3A_237 = vector.broadcast %shift_left3A_236 : i32 to vector<16xi32>
          %shift_left3A_238 = arith.shli %get3A_235, %shift_left3A_237 : vector<16xi32>
          %bitcast3A_239 = vector.bitcast %shift_left3A_238 : vector<16xi32> to vector<16xf32>
          %bitcast3A_240 = vector.bitcast %get3A_235 : vector<16xi32> to vector<16xf32>
          %mul3A_241 = arith.mulf %gather3A_231, %bitcast3A_239 : vector<16xf32>
          %add3A_242 = arith.addf %add3A_220, %mul3A_241 : vector<16xf32>
          %mul3A_243 = arith.mulf %gather3A_231, %bitcast3A_240 : vector<16xf32>
          %add3A_244 = arith.addf %add3A_222, %mul3A_243 : vector<16xf32>
          %mul3A_245 = arith.constant 4 : i32
          %mul3A_246 = arith.muli %add3A_174, %mul3A_245 : i32
          %add3A_247 = arith.constant 0 : i32
          %add3A_248 = arith.addi %add3A_247, %mul3A_246 : i32
          %add3A_249 = arith.constant 3 : i32
          %add3A_250 = arith.addi %add3A_248, %add3A_249 : i32
          %add3A_251 = vector.broadcast %add3A_250 : i32 to vector<16xi32>
          %add3A_252 = arith.addi %broadcast_in_dim3A, %add3A_251 : vector<16xi32>
          %gather3A_253 = tpu.vector_load_idx %arg10[%add3A_252] : memref<3200xf32, #tpu.memory_space<vmem>>[vector<16xi32>], vector<16xf32>,
          %get3A_254 = arith.index_cast %add3A_145 : i32 to index
          %get3A_255 = arith.index_cast %add3A_250 : i32 to index
          %get3A_256 = arith.constant 0 : index
          %get3A_257 = tpu.vector_load %arg12[%get3A_254, %get3A_255, %get3A_256] {strides = array<i32>} : memref<25x128x16xi32, #tpu.memory_space<vmem>>, vector<16xi32>,
          %shift_left3A_258 = arith.constant 16 : i32
          %shift_left3A_259 = vector.broadcast %shift_left3A_258 : i32 to vector<16xi32>
          %shift_left3A_260 = arith.shli %get3A_257, %shift_left3A_259 : vector<16xi32>
          %bitcast3A_261 = vector.bitcast %shift_left3A_260 : vector<16xi32> to vector<16xf32>
          %bitcast3A_262 = vector.bitcast %get3A_257 : vector<16xi32> to vector<16xf32>
          %mul3A_263 = arith.mulf %gather3A_253, %bitcast3A_261 : vector<16xf32>
          %add3A_264 = arith.addf %add3A_242, %mul3A_263 : vector<16xf32>
          %mul3A_265 = arith.mulf %gather3A_253, %bitcast3A_262 : vector<16xf32>
          %add3A_266 = arith.addf %add3A_244, %mul3A_265 : vector<16xf32>
          %mul3A_267 = arith.constant 4 : i32
          %mul3A_268 = arith.muli %add3A_174, %mul3A_267 : i32
          %add3A_269 = arith.constant 32 : i32
          %add3A_270 = arith.addi %add3A_269, %mul3A_268 : i32
          %add3A_271 = arith.constant 0 : i32
          %add3A_272 = arith.addi %add3A_270, %add3A_271 : i32
          %add3A_273 = vector.broadcast %add3A_272 : i32 to vector<16xi32>
          %add3A_274 = arith.addi %broadcast_in_dim3A, %add3A_273 : vector<16xi32>
          %gather3A_275 = tpu.vector_load_idx %arg10[%add3A_274] : memref<3200xf32, #tpu.memory_space<vmem>>[vector<16xi32>], vector<16xf32>,
          %get3A_276 = arith.index_cast %add3A_145 : i32 to index
          %get3A_277 = arith.index_cast %add3A_272 : i32 to index
          %get3A_278 = arith.constant 0 : index
          %get3A_279 = tpu.vector_load %arg12[%get3A_276, %get3A_277, %get3A_278] {strides = array<i32>} : memref<25x128x16xi32, #tpu.memory_space<vmem>>, vector<16xi32>,
          %shift_left3A_280 = arith.constant 16 : i32
          %shift_left3A_281 = vector.broadcast %shift_left3A_280 : i32 to vector<16xi32>
          %shift_left3A_282 = arith.shli %get3A_279, %shift_left3A_281 : vector<16xi32>
          %bitcast3A_283 = vector.bitcast %shift_left3A_282 : vector<16xi32> to vector<16xf32>
          %bitcast3A_284 = vector.bitcast %get3A_279 : vector<16xi32> to vector<16xf32>
          %mul3A_285 = arith.mulf %gather3A_275, %bitcast3A_283 : vector<16xf32>
          %add3A_286 = arith.addf %add3A_264, %mul3A_285 : vector<16xf32>
          %mul3A_287 = arith.mulf %gather3A_275, %bitcast3A_284 : vector<16xf32>
          %add3A_288 = arith.addf %add3A_266, %mul3A_287 : vector<16xf32>
          %mul3A_289 = arith.constant 4 : i32
          %mul3A_290 = arith.muli %add3A_174, %mul3A_289 : i32
          %add3A_291 = arith.constant 32 : i32
          %add3A_292 = arith.addi %add3A_291, %mul3A_290 : i32
          %add3A_293 = arith.constant 1 : i32
          %add3A_294 = arith.addi %add3A_292, %add3A_293 : i32
          %add3A_295 = vector.broadcast %add3A_294 : i32 to vector<16xi32>
          %add3A_296 = arith.addi %broadcast_in_dim3A, %add3A_295 : vector<16xi32>
          %gather3A_297 = tpu.vector_load_idx %arg10[%add3A_296] : memref<3200xf32, #tpu.memory_space<vmem>>[vector<16xi32>], vector<16xf32>,
          %get3A_298 = arith.index_cast %add3A_145 : i32 to index
          %get3A_299 = arith.index_cast %add3A_294 : i32 to index
          %get3A_300 = arith.constant 0 : index
          %get3A_301 = tpu.vector_load %arg12[%get3A_298, %get3A_299, %get3A_300] {strides = array<i32>} : memref<25x128x16xi32, #tpu.memory_space<vmem>>, vector<16xi32>,
          %shift_left3A_302 = arith.constant 16 : i32
          %shift_left3A_303 = vector.broadcast %shift_left3A_302 : i32 to vector<16xi32>
          %shift_left3A_304 = arith.shli %get3A_301, %shift_left3A_303 : vector<16xi32>
          %bitcast3A_305 = vector.bitcast %shift_left3A_304 : vector<16xi32> to vector<16xf32>
          %bitcast3A_306 = vector.bitcast %get3A_301 : vector<16xi32> to vector<16xf32>
          %mul3A_307 = arith.mulf %gather3A_297, %bitcast3A_305 : vector<16xf32>
          %add3A_308 = arith.addf %add3A_286, %mul3A_307 : vector<16xf32>
          %mul3A_309 = arith.mulf %gather3A_297, %bitcast3A_306 : vector<16xf32>
          %add3A_310 = arith.addf %add3A_288, %mul3A_309 : vector<16xf32>
          %mul3A_311 = arith.constant 4 : i32
          %mul3A_312 = arith.muli %add3A_174, %mul3A_311 : i32
          %add3A_313 = arith.constant 32 : i32
          %add3A_314 = arith.addi %add3A_313, %mul3A_312 : i32
          %add3A_315 = arith.constant 2 : i32
          %add3A_316 = arith.addi %add3A_314, %add3A_315 : i32
          %add3A_317 = vector.broadcast %add3A_316 : i32 to vector<16xi32>
          %add3A_318 = arith.addi %broadcast_in_dim3A, %add3A_317 : vector<16xi32>
          %gather3A_319 = tpu.vector_load_idx %arg10[%add3A_318] : memref<3200xf32, #tpu.memory_space<vmem>>[vector<16xi32>], vector<16xf32>,
          %get3A_320 = arith.index_cast %add3A_145 : i32 to index
          %get3A_321 = arith.index_cast %add3A_316 : i32 to index
          %get3A_322 = arith.constant 0 : index
          %get3A_323 = tpu.vector_load %arg12[%get3A_320, %get3A_321, %get3A_322] {strides = array<i32>} : memref<25x128x16xi32, #tpu.memory_space<vmem>>, vector<16xi32>,
          %shift_left3A_324 = arith.constant 16 : i32
          %shift_left3A_325 = vector.broadcast %shift_left3A_324 : i32 to vector<16xi32>
          %shift_left3A_326 = arith.shli %get3A_323, %shift_left3A_325 : vector<16xi32>
          %bitcast3A_327 = vector.bitcast %shift_left3A_326 : vector<16xi32> to vector<16xf32>
          %bitcast3A_328 = vector.bitcast %get3A_323 : vector<16xi32> to vector<16xf32>
          %mul3A_329 = arith.mulf %gather3A_319, %bitcast3A_327 : vector<16xf32>
          %add3A_330 = arith.addf %add3A_308, %mul3A_329 : vector<16xf32>
          %mul3A_331 = arith.mulf %gather3A_319, %bitcast3A_328 : vector<16xf32>
          %add3A_332 = arith.addf %add3A_310, %mul3A_331 : vector<16xf32>
          %mul3A_333 = arith.constant 4 : i32
          %mul3A_334 = arith.muli %add3A_174, %mul3A_333 : i32
          %add3A_335 = arith.constant 32 : i32
          %add3A_336 = arith.addi %add3A_335, %mul3A_334 : i32
          %add3A_337 = arith.constant 3 : i32
          %add3A_338 = arith.addi %add3A_336, %add3A_337 : i32
          %add3A_339 = vector.broadcast %add3A_338 : i32 to vector<16xi32>
          %add3A_340 = arith.addi %broadcast_in_dim3A, %add3A_339 : vector<16xi32>
          %gather3A_341 = tpu.vector_load_idx %arg10[%add3A_340] : memref<3200xf32, #tpu.memory_space<vmem>>[vector<16xi32>], vector<16xf32>,
          %get3A_342 = arith.index_cast %add3A_145 : i32 to index
          %get3A_343 = arith.index_cast %add3A_338 : i32 to index
          %get3A_344 = arith.constant 0 : index
          %get3A_345 = tpu.vector_load %arg12[%get3A_342, %get3A_343, %get3A_344] {strides = array<i32>} : memref<25x128x16xi32, #tpu.memory_space<vmem>>, vector<16xi32>,
          %shift_left3A_346 = arith.constant 16 : i32
          %shift_left3A_347 = vector.broadcast %shift_left3A_346 : i32 to vector<16xi32>
          %shift_left3A_348 = arith.shli %get3A_345, %shift_left3A_347 : vector<16xi32>
          %bitcast3A_349 = vector.bitcast %shift_left3A_348 : vector<16xi32> to vector<16xf32>
          %bitcast3A_350 = vector.bitcast %get3A_345 : vector<16xi32> to vector<16xf32>
          %mul3A_351 = arith.mulf %gather3A_341, %bitcast3A_349 : vector<16xf32>
          %add3A_352 = arith.addf %add3A_330, %mul3A_351 : vector<16xf32>
          %mul3A_353 = arith.mulf %gather3A_341, %bitcast3A_350 : vector<16xf32>
          %add3A_354 = arith.addf %add3A_332, %mul3A_353 : vector<16xf32>
          %mul3A_355 = arith.constant 4 : i32
          %mul3A_356 = arith.muli %add3A_174, %mul3A_355 : i32
          %add3A_357 = arith.constant 64 : i32
          %add3A_358 = arith.addi %add3A_357, %mul3A_356 : i32
          %add3A_359 = arith.constant 0 : i32
          %add3A_360 = arith.addi %add3A_358, %add3A_359 : i32
          %add3A_361 = vector.broadcast %add3A_360 : i32 to vector<16xi32>
          %add3A_362 = arith.addi %broadcast_in_dim3A, %add3A_361 : vector<16xi32>
          %gather3A_363 = tpu.vector_load_idx %arg10[%add3A_362] : memref<3200xf32, #tpu.memory_space<vmem>>[vector<16xi32>], vector<16xf32>,
          %get3A_364 = arith.index_cast %add3A_145 : i32 to index
          %get3A_365 = arith.index_cast %add3A_360 : i32 to index
          %get3A_366 = arith.constant 0 : index
          %get3A_367 = tpu.vector_load %arg12[%get3A_364, %get3A_365, %get3A_366] {strides = array<i32>} : memref<25x128x16xi32, #tpu.memory_space<vmem>>, vector<16xi32>,
          %shift_left3A_368 = arith.constant 16 : i32
          %shift_left3A_369 = vector.broadcast %shift_left3A_368 : i32 to vector<16xi32>
          %shift_left3A_370 = arith.shli %get3A_367, %shift_left3A_369 : vector<16xi32>
          %bitcast3A_371 = vector.bitcast %shift_left3A_370 : vector<16xi32> to vector<16xf32>
          %bitcast3A_372 = vector.bitcast %get3A_367 : vector<16xi32> to vector<16xf32>
          %mul3A_373 = arith.mulf %gather3A_363, %bitcast3A_371 : vector<16xf32>
          %add3A_374 = arith.addf %broadcast_in_dim3A_180, %mul3A_373 : vector<16xf32>
          %mul3A_375 = arith.mulf %gather3A_363, %bitcast3A_372 : vector<16xf32>
          %add3A_376 = arith.addf %broadcast_in_dim3A_182, %mul3A_375 : vector<16xf32>
          %mul3A_377 = arith.constant 4 : i32
          %mul3A_378 = arith.muli %add3A_174, %mul3A_377 : i32
          %add3A_379 = arith.constant 64 : i32
          %add3A_380 = arith.addi %add3A_379, %mul3A_378 : i32
          %add3A_381 = arith.constant 1 : i32
          %add3A_382 = arith.addi %add3A_380, %add3A_381 : i32
          %add3A_383 = vector.broadcast %add3A_382 : i32 to vector<16xi32>
          %add3A_384 = arith.addi %broadcast_in_dim3A, %add3A_383 : vector<16xi32>
          %gather3A_385 = tpu.vector_load_idx %arg10[%add3A_384] : memref<3200xf32, #tpu.memory_space<vmem>>[vector<16xi32>], vector<16xf32>,
          %get3A_386 = arith.index_cast %add3A_145 : i32 to index
          %get3A_387 = arith.index_cast %add3A_382 : i32 to index
          %get3A_388 = arith.constant 0 : index
          %get3A_389 = tpu.vector_load %arg12[%get3A_386, %get3A_387, %get3A_388] {strides = array<i32>} : memref<25x128x16xi32, #tpu.memory_space<vmem>>, vector<16xi32>,
          %shift_left3A_390 = arith.constant 16 : i32
          %shift_left3A_391 = vector.broadcast %shift_left3A_390 : i32 to vector<16xi32>
          %shift_left3A_392 = arith.shli %get3A_389, %shift_left3A_391 : vector<16xi32>
          %bitcast3A_393 = vector.bitcast %shift_left3A_392 : vector<16xi32> to vector<16xf32>
          %bitcast3A_394 = vector.bitcast %get3A_389 : vector<16xi32> to vector<16xf32>
          %mul3A_395 = arith.mulf %gather3A_385, %bitcast3A_393 : vector<16xf32>
          %add3A_396 = arith.addf %add3A_374, %mul3A_395 : vector<16xf32>
          %mul3A_397 = arith.mulf %gather3A_385, %bitcast3A_394 : vector<16xf32>
          %add3A_398 = arith.addf %add3A_376, %mul3A_397 : vector<16xf32>
          %mul3A_399 = arith.constant 4 : i32
          %mul3A_400 = arith.muli %add3A_174, %mul3A_399 : i32
          %add3A_401 = arith.constant 64 : i32
          %add3A_402 = arith.addi %add3A_401, %mul3A_400 : i32
          %add3A_403 = arith.constant 2 : i32
          %add3A_404 = arith.addi %add3A_402, %add3A_403 : i32
          %add3A_405 = vector.broadcast %add3A_404 : i32 to vector<16xi32>
          %add3A_406 = arith.addi %broadcast_in_dim3A, %add3A_405 : vector<16xi32>
          %gather3A_407 = tpu.vector_load_idx %arg10[%add3A_406] : memref<3200xf32, #tpu.memory_space<vmem>>[vector<16xi32>], vector<16xf32>,
          %get3A_408 = arith.index_cast %add3A_145 : i32 to index
          %get3A_409 = arith.index_cast %add3A_404 : i32 to index
          %get3A_410 = arith.constant 0 : index
          %get3A_411 = tpu.vector_load %arg12[%get3A_408, %get3A_409, %get3A_410] {strides = array<i32>} : memref<25x128x16xi32, #tpu.memory_space<vmem>>, vector<16xi32>,
          %shift_left3A_412 = arith.constant 16 : i32
          %shift_left3A_413 = vector.broadcast %shift_left3A_412 : i32 to vector<16xi32>
          %shift_left3A_414 = arith.shli %get3A_411, %shift_left3A_413 : vector<16xi32>
          %bitcast3A_415 = vector.bitcast %shift_left3A_414 : vector<16xi32> to vector<16xf32>
          %bitcast3A_416 = vector.bitcast %get3A_411 : vector<16xi32> to vector<16xf32>
          %mul3A_417 = arith.mulf %gather3A_407, %bitcast3A_415 : vector<16xf32>
          %add3A_418 = arith.addf %add3A_396, %mul3A_417 : vector<16xf32>
          %mul3A_419 = arith.mulf %gather3A_407, %bitcast3A_416 : vector<16xf32>
          %add3A_420 = arith.addf %add3A_398, %mul3A_419 : vector<16xf32>
          %mul3A_421 = arith.constant 4 : i32
          %mul3A_422 = arith.muli %add3A_174, %mul3A_421 : i32
          %add3A_423 = arith.constant 64 : i32
          %add3A_424 = arith.addi %add3A_423, %mul3A_422 : i32
          %add3A_425 = arith.constant 3 : i32
          %add3A_426 = arith.addi %add3A_424, %add3A_425 : i32
          %add3A_427 = vector.broadcast %add3A_426 : i32 to vector<16xi32>
          %add3A_428 = arith.addi %broadcast_in_dim3A, %add3A_427 : vector<16xi32>
          %gather3A_429 = tpu.vector_load_idx %arg10[%add3A_428] : memref<3200xf32, #tpu.memory_space<vmem>>[vector<16xi32>], vector<16xf32>,
          %get3A_430 = arith.index_cast %add3A_145 : i32 to index
          %get3A_431 = arith.index_cast %add3A_426 : i32 to index
          %get3A_432 = arith.constant 0 : index
          %get3A_433 = tpu.vector_load %arg12[%get3A_430, %get3A_431, %get3A_432] {strides = array<i32>} : memref<25x128x16xi32, #tpu.memory_space<vmem>>, vector<16xi32>,
          %shift_left3A_434 = arith.constant 16 : i32
          %shift_left3A_435 = vector.broadcast %shift_left3A_434 : i32 to vector<16xi32>
          %shift_left3A_436 = arith.shli %get3A_433, %shift_left3A_435 : vector<16xi32>
          %bitcast3A_437 = vector.bitcast %shift_left3A_436 : vector<16xi32> to vector<16xf32>
          %bitcast3A_438 = vector.bitcast %get3A_433 : vector<16xi32> to vector<16xf32>
          %mul3A_439 = arith.mulf %gather3A_429, %bitcast3A_437 : vector<16xf32>
          %add3A_440 = arith.addf %add3A_418, %mul3A_439 : vector<16xf32>
          %mul3A_441 = arith.mulf %gather3A_429, %bitcast3A_438 : vector<16xf32>
          %add3A_442 = arith.addf %add3A_420, %mul3A_441 : vector<16xf32>
          %mul3A_443 = arith.constant 4 : i32
          %mul3A_444 = arith.muli %add3A_174, %mul3A_443 : i32
          %add3A_445 = arith.constant 96 : i32
          %add3A_446 = arith.addi %add3A_445, %mul3A_444 : i32
          %add3A_447 = arith.constant 0 : i32
          %add3A_448 = arith.addi %add3A_446, %add3A_447 : i32
          %add3A_449 = vector.broadcast %add3A_448 : i32 to vector<16xi32>
          %add3A_450 = arith.addi %broadcast_in_dim3A, %add3A_449 : vector<16xi32>
          %gather3A_451 = tpu.vector_load_idx %arg10[%add3A_450] : memref<3200xf32, #tpu.memory_space<vmem>>[vector<16xi32>], vector<16xf32>,
          %get3A_452 = arith.index_cast %add3A_145 : i32 to index
          %get3A_453 = arith.index_cast %add3A_448 : i32 to index
          %get3A_454 = arith.constant 0 : index
          %get3A_455 = tpu.vector_load %arg12[%get3A_452, %get3A_453, %get3A_454] {strides = array<i32>} : memref<25x128x16xi32, #tpu.memory_space<vmem>>, vector<16xi32>,
          %shift_left3A_456 = arith.constant 16 : i32
          %shift_left3A_457 = vector.broadcast %shift_left3A_456 : i32 to vector<16xi32>
          %shift_left3A_458 = arith.shli %get3A_455, %shift_left3A_457 : vector<16xi32>
          %bitcast3A_459 = vector.bitcast %shift_left3A_458 : vector<16xi32> to vector<16xf32>
          %bitcast3A_460 = vector.bitcast %get3A_455 : vector<16xi32> to vector<16xf32>
          %mul3A_461 = arith.mulf %gather3A_451, %bitcast3A_459 : vector<16xf32>
          %add3A_462 = arith.addf %add3A_440, %mul3A_461 : vector<16xf32>
          %mul3A_463 = arith.mulf %gather3A_451, %bitcast3A_460 : vector<16xf32>
          %add3A_464 = arith.addf %add3A_442, %mul3A_463 : vector<16xf32>
          %mul3A_465 = arith.constant 4 : i32
          %mul3A_466 = arith.muli %add3A_174, %mul3A_465 : i32
          %add3A_467 = arith.constant 96 : i32
          %add3A_468 = arith.addi %add3A_467, %mul3A_466 : i32
          %add3A_469 = arith.constant 1 : i32
          %add3A_470 = arith.addi %add3A_468, %add3A_469 : i32
          %add3A_471 = vector.broadcast %add3A_470 : i32 to vector<16xi32>
          %add3A_472 = arith.addi %broadcast_in_dim3A, %add3A_471 : vector<16xi32>
          %gather3A_473 = tpu.vector_load_idx %arg10[%add3A_472] : memref<3200xf32, #tpu.memory_space<vmem>>[vector<16xi32>], vector<16xf32>,
          %get3A_474 = arith.index_cast %add3A_145 : i32 to index
          %get3A_475 = arith.index_cast %add3A_470 : i32 to index
          %get3A_476 = arith.constant 0 : index
          %get3A_477 = tpu.vector_load %arg12[%get3A_474, %get3A_475, %get3A_476] {strides = array<i32>} : memref<25x128x16xi32, #tpu.memory_space<vmem>>, vector<16xi32>,
          %shift_left3A_478 = arith.constant 16 : i32
          %shift_left3A_479 = vector.broadcast %shift_left3A_478 : i32 to vector<16xi32>
          %shift_left3A_480 = arith.shli %get3A_477, %shift_left3A_479 : vector<16xi32>
          %bitcast3A_481 = vector.bitcast %shift_left3A_480 : vector<16xi32> to vector<16xf32>
          %bitcast3A_482 = vector.bitcast %get3A_477 : vector<16xi32> to vector<16xf32>
          %mul3A_483 = arith.mulf %gather3A_473, %bitcast3A_481 : vector<16xf32>
          %add3A_484 = arith.addf %add3A_462, %mul3A_483 : vector<16xf32>
          %mul3A_485 = arith.mulf %gather3A_473, %bitcast3A_482 : vector<16xf32>
          %add3A_486 = arith.addf %add3A_464, %mul3A_485 : vector<16xf32>
          %mul3A_487 = arith.constant 4 : i32
          %mul3A_488 = arith.muli %add3A_174, %mul3A_487 : i32
          %add3A_489 = arith.constant 96 : i32
          %add3A_490 = arith.addi %add3A_489, %mul3A_488 : i32
          %add3A_491 = arith.constant 2 : i32
          %add3A_492 = arith.addi %add3A_490, %add3A_491 : i32
          %add3A_493 = vector.broadcast %add3A_492 : i32 to vector<16xi32>
          %add3A_494 = arith.addi %broadcast_in_dim3A, %add3A_493 : vector<16xi32>
          %gather3A_495 = tpu.vector_load_idx %arg10[%add3A_494] : memref<3200xf32, #tpu.memory_space<vmem>>[vector<16xi32>], vector<16xf32>,
          %get3A_496 = arith.index_cast %add3A_145 : i32 to index
          %get3A_497 = arith.index_cast %add3A_492 : i32 to index
          %get3A_498 = arith.constant 0 : index
          %get3A_499 = tpu.vector_load %arg12[%get3A_496, %get3A_497, %get3A_498] {strides = array<i32>} : memref<25x128x16xi32, #tpu.memory_space<vmem>>, vector<16xi32>,
          %shift_left3A_500 = arith.constant 16 : i32
          %shift_left3A_501 = vector.broadcast %shift_left3A_500 : i32 to vector<16xi32>
          %shift_left3A_502 = arith.shli %get3A_499, %shift_left3A_501 : vector<16xi32>
          %bitcast3A_503 = vector.bitcast %shift_left3A_502 : vector<16xi32> to vector<16xf32>
          %bitcast3A_504 = vector.bitcast %get3A_499 : vector<16xi32> to vector<16xf32>
          %mul3A_505 = arith.mulf %gather3A_495, %bitcast3A_503 : vector<16xf32>
          %add3A_506 = arith.addf %add3A_484, %mul3A_505 : vector<16xf32>
          %mul3A_507 = arith.mulf %gather3A_495, %bitcast3A_504 : vector<16xf32>
          %add3A_508 = arith.addf %add3A_486, %mul3A_507 : vector<16xf32>
          %mul3A_509 = arith.constant 4 : i32
          %mul3A_510 = arith.muli %add3A_174, %mul3A_509 : i32
          %add3A_511 = arith.constant 96 : i32
          %add3A_512 = arith.addi %add3A_511, %mul3A_510 : i32
          %add3A_513 = arith.constant 3 : i32
          %add3A_514 = arith.addi %add3A_512, %add3A_513 : i32
          %add3A_515 = vector.broadcast %add3A_514 : i32 to vector<16xi32>
          %add3A_516 = arith.addi %broadcast_in_dim3A, %add3A_515 : vector<16xi32>
          %gather3A_517 = tpu.vector_load_idx %arg10[%add3A_516] : memref<3200xf32, #tpu.memory_space<vmem>>[vector<16xi32>], vector<16xf32>,
          %get3A_518 = arith.index_cast %add3A_145 : i32 to index
          %get3A_519 = arith.index_cast %add3A_514 : i32 to index
          %get3A_520 = arith.constant 0 : index
          %get3A_521 = tpu.vector_load %arg12[%get3A_518, %get3A_519, %get3A_520] {strides = array<i32>} : memref<25x128x16xi32, #tpu.memory_space<vmem>>, vector<16xi32>,
          %shift_left3A_522 = arith.constant 16 : i32
          %shift_left3A_523 = vector.broadcast %shift_left3A_522 : i32 to vector<16xi32>
          %shift_left3A_524 = arith.shli %get3A_521, %shift_left3A_523 : vector<16xi32>
          %bitcast3A_525 = vector.bitcast %shift_left3A_524 : vector<16xi32> to vector<16xf32>
          %bitcast3A_526 = vector.bitcast %get3A_521 : vector<16xi32> to vector<16xf32>
          %mul3A_527 = arith.mulf %gather3A_517, %bitcast3A_525 : vector<16xf32>
          %add3A_528 = arith.addf %add3A_506, %mul3A_527 : vector<16xf32>
          %mul3A_529 = arith.mulf %gather3A_517, %bitcast3A_526 : vector<16xf32>
          %add3A_530 = arith.addf %add3A_508, %mul3A_529 : vector<16xf32>
          %add3A_531 = arith.addf %add3A_352, %add3A_528 : vector<16xf32>
          %mul3A_532 = arith.constant 128 : i32
          %mul3A_533 = arith.muli %add3A_145, %mul3A_532 : i32
          %mul3A_534 = arith.constant 32 : i32
          %mul3A_535 = arith.muli %add3A_172, %mul3A_534 : i32
          %add3A_536 = arith.addi %mul3A_533, %mul3A_535 : i32
          %swap3A = arith.index_cast %add3A_536 : i32 to index
          %swap3A_537 = tpu.vector_load %arg16[%swap3A] {strides = array<i32>} : memref<3200xf32, #tpu.memory_space<vmem>>, vector<16xf32>,
          tpu.vector_store %arg16[%swap3A], %add3A_531 {strides = array<i32>} : memref<3200xf32, #tpu.memory_space<vmem>>, vector<16xf32>,
          %add3A_538 = arith.addf %add3A_354, %add3A_530 : vector<16xf32>
          %mul3A_539 = arith.constant 128 : i32
          %mul3A_540 = arith.muli %add3A_145, %mul3A_539 : i32
          %mul3A_541 = arith.constant 32 : i32
          %mul3A_542 = arith.muli %add3A_172, %mul3A_541 : i32
          %add3A_543 = arith.addi %mul3A_540, %mul3A_542 : i32
          %add3A_544 = arith.constant 16 : i32
          %add3A_545 = arith.addi %add3A_543, %add3A_544 : i32
          %swap3A_546 = arith.index_cast %add3A_545 : i32 to index
          %swap3A_547 = tpu.vector_load %arg16[%swap3A_546] {strides = array<i32>} : memref<3200xf32, #tpu.memory_space<vmem>>, vector<16xf32>,
          tpu.vector_store %arg16[%swap3A_546], %add3A_538 {strides = array<i32>} : memref<3200xf32, #tpu.memory_space<vmem>>, vector<16xf32>,
        }
        %scan3A_167 = arith.constant 4 : i32
      }
      %scan3A_120 = arith.constant 25 : i32
      %add3A_121 = arith.constant 1 : i32
      %add3A_122 = arith.addi %mul3A_66, %add3A_121 : i32
      %mul3A_123 = arith.constant 25 : i32
      %mul3A_124 = arith.muli %add3A_122, %mul3A_123 : i32
      %add3A_125 = arith.addi %mul3A_2, %mul3A_124 : i32
      %mul3A_126 = arith.constant 128 : i32
      %mul3A_127 = arith.muli %add3A_125, %mul3A_126 : i32
      %mul3A_128 = arith.constant 128 : i32
      %mul3A_129 = arith.muli %add3A_125, %mul3A_128 : i32
      %dma_start3A_130 = tpu.memref_slice %arg5[%mul3A_127] : memref<5120000xf32, #tpu.memory_space<hbm>> -> memref<3200xf32, #tpu.memory_space<hbm>>
      %dma_start3A_131 = tpu.memref_slice %arg5[%mul3A_127] : memref<5120000xf32, #tpu.memory_space<hbm>> -> memref<3200xf32, #tpu.memory_space<hbm>>
      tpu.enqueue_dma source(%arg14 : memref<3200xf32, #tpu.memory_space<vmem>>) target(%dma_start3A_131 : memref<3200xf32, #tpu.memory_space<hbm>>) target_semaphore(%arg22 : memref<!tpu.dma_semaphore, #tpu.memory_space<semaphore_mem>>)
      %dma_start3A_132 = tpu.memref_slice %arg6[%mul3A_129] : memref<5120000xf32, #tpu.memory_space<hbm>> -> memref<3200xf32, #tpu.memory_space<hbm>>
      %dma_start3A_133 = tpu.memref_slice %arg6[%mul3A_129] : memref<5120000xf32, #tpu.memory_space<hbm>> -> memref<3200xf32, #tpu.memory_space<hbm>>
      tpu.enqueue_dma source(%arg16 : memref<3200xf32, #tpu.memory_space<vmem>>) target(%dma_start3A_133 : memref<3200xf32, #tpu.memory_space<hbm>>) target_semaphore(%arg22 : memref<!tpu.dma_semaphore, #tpu.memory_space<semaphore_mem>>)
      %add3A_134 = arith.constant 3 : i32
      %add3A_135 = arith.addi %mul3A_66, %add3A_134 : i32
      %lt3A_136 = arith.constant 50 : i32
      %lt3A_137 = arith.cmpi slt, %add3A_135, %lt3A_136 : i32
      %convert_element_type3A_138 = arith.extui %lt3A_137 : i1 to i32
      %cond3A_139 = arith.constant 0 : i32
      %cond3A_140 = arith.cmpi ne, %convert_element_type3A_138, %cond3A_139 : i32
      scf.if %cond3A_140 {
        %add3A_141 = arith.constant 3 : i32
        %add3A_142 = arith.addi %mul3A_66, %add3A_141 : i32
        %mul3A_143 = arith.constant 25 : i32
        %mul3A_144 = arith.muli %add3A_142, %mul3A_143 : i32
        %add3A_145 = arith.addi %mul3A_2, %mul3A_144 : i32
        %mul3A_146 = arith.constant 128 : i32
        %mul3A_147 = arith.muli %add3A_145, %mul3A_146 : i32
        %mul3A_148 = arith.constant 128 : i32
        %mul3A_149 = arith.muli %add3A_145, %mul3A_148 : i32
        %dma_start3A_150 = tpu.memref_slice %arg3[%mul3A_147] : memref<5120000xi32, #tpu.memory_space<hbm>> -> memref<3200xi32, #tpu.memory_space<hbm>>
        %dma_start3A_151 = tpu.memref_slice %arg3[%mul3A_147] : memref<5120000xi32, #tpu.memory_space<hbm>> -> memref<3200xi32, #tpu.memory_space<hbm>>
        tpu.enqueue_dma source(%dma_start3A_151 : memref<3200xi32, #tpu.memory_space<hbm>>) target(%arg8 : memref<3200xi32, #tpu.memory_space<vmem>>) target_semaphore(%arg20 : memref<!tpu.dma_semaphore, #tpu.memory_space<semaphore_mem>>)
        %dma_start3A_152 = tpu.memref_slice %arg4[%mul3A_149] : memref<5120000xf32, #tpu.memory_space<hbm>> -> memref<3200xf32, #tpu.memory_space<hbm>>
        %dma_start3A_153 = tpu.memref_slice %arg4[%mul3A_149] : memref<5120000xf32, #tpu.memory_space<hbm>> -> memref<3200xf32, #tpu.memory_space<hbm>>
        tpu.enqueue_dma source(%dma_start3A_153 : memref<3200xf32, #tpu.memory_space<hbm>>) target(%arg10 : memref<3200xf32, #tpu.memory_space<vmem>>) target_semaphore(%arg20 : memref<!tpu.dma_semaphore, #tpu.memory_space<semaphore_mem>>)
      } else {
      }
    }
    %scan3A_39 = arith.constant 25 : i32
    %add3A_40 = arith.constant 1200 : i32
    %add3A_41 = arith.addi %mul3A_2, %add3A_40 : i32
    %mul3A_42 = arith.constant 128 : i32
    %mul3A_43 = arith.muli %add3A_41, %mul3A_42 : i32
    %mul3A_44 = arith.constant 128 : i32
    %mul3A_45 = arith.muli %add3A_41, %mul3A_44 : i32
    %dma_wait3A_46 = tpu.memref_slice %arg5[%mul3A_43] : memref<5120000xf32, #tpu.memory_space<hbm>> -> memref<3200xf32, #tpu.memory_space<hbm>>
    %dma_wait3A_47 = tpu.memref_slice %arg5[%mul3A_43] : memref<5120000xf32, #tpu.memory_space<hbm>> -> memref<3200xf32, #tpu.memory_space<hbm>>
    tpu.wait_dma2 semaphore(%arg21 : memref<!tpu.dma_semaphore, #tpu.memory_space<semaphore_mem>>) src(%arg13 : memref<3200xf32, #tpu.memory_space<vmem>>) dst(%dma_wait3A_47 : memref<3200xf32, #tpu.memory_space<hbm>>)
    %dma_wait3A_48 = tpu.memref_slice %arg6[%mul3A_45] : memref<5120000xf32, #tpu.memory_space<hbm>> -> memref<3200xf32, #tpu.memory_space<hbm>>
    %dma_wait3A_49 = tpu.memref_slice %arg6[%mul3A_45] : memref<5120000xf32, #tpu.memory_space<hbm>> -> memref<3200xf32, #tpu.memory_space<hbm>>
    tpu.wait_dma2 semaphore(%arg21 : memref<!tpu.dma_semaphore, #tpu.memory_space<semaphore_mem>>) src(%arg15 : memref<3200xf32, #tpu.memory_space<vmem>>) dst(%dma_wait3A_49 : memref<3200xf32, #tpu.memory_space<hbm>>)
    %add3A_50 = arith.constant 1225 : i32
    %add3A_51 = arith.addi %mul3A_2, %add3A_50 : i32
    %mul3A_52 = arith.constant 128 : i32
    %mul3A_53 = arith.muli %add3A_51, %mul3A_52 : i32
    %mul3A_54 = arith.constant 128 : i32
    %mul3A_55 = arith.muli %add3A_51, %mul3A_54 : i32
    %dma_wait3A_56 = tpu.memref_slice %arg5[%mul3A_53] : memref<5120000xf32, #tpu.memory_space<hbm>> -> memref<3200xf32, #tpu.memory_space<hbm>>
    %dma_wait3A_57 = tpu.memref_slice %arg5[%mul3A_53] : memref<5120000xf32, #tpu.memory_space<hbm>> -> memref<3200xf32, #tpu.memory_space<hbm>>
    tpu.wait_dma2 semaphore(%arg22 : memref<!tpu.dma_semaphore, #tpu.memory_space<semaphore_mem>>) src(%arg14 : memref<3200xf32, #tpu.memory_space<vmem>>) dst(%dma_wait3A_57 : memref<3200xf32, #tpu.memory_space<hbm>>)
    %dma_wait3A_58 = tpu.memref_slice %arg6[%mul3A_55] : memref<5120000xf32, #tpu.memory_space<hbm>> -> memref<3200xf32, #tpu.memory_space<hbm>>
    %dma_wait3A_59 = tpu.memref_slice %arg6[%mul3A_55] : memref<5120000xf32, #tpu.memory_space<hbm>> -> memref<3200xf32, #tpu.memory_space<hbm>>
    tpu.wait_dma2 semaphore(%arg22 : memref<!tpu.dma_semaphore, #tpu.memory_space<semaphore_mem>>) src(%arg16 : memref<3200xf32, #tpu.memory_space<vmem>>) dst(%dma_wait3A_59 : memref<3200xf32, #tpu.memory_space<hbm>>)
    return
  }
}

module attributes {stable_mosaic.version = 14 : i64} {
  func.func @_proj_kernel(%arg0: i32, %arg1: memref<2000x256xf32, #tpu.memory_space<vmem>>, %arg2: memref<2000x256xf32, #tpu.memory_space<vmem>>, %arg3: memref<256x128xf32, #tpu.memory_space<vmem>>, %arg4: memref<1x128xf32, #tpu.memory_space<vmem>>, %arg5: memref<256x128xf32, #tpu.memory_space<vmem>>, %arg6: memref<1x128xf32, #tpu.memory_space<vmem>>, %arg7: memref<256x32xf32, #tpu.memory_space<vmem>>, %arg8: memref<1x32xf32, #tpu.memory_space<vmem>>, %arg9: memref<256x32xf32, #tpu.memory_space<vmem>>, %arg10: memref<1x32xf32, #tpu.memory_space<vmem>>, %arg11: memref<256x32xf32, #tpu.memory_space<vmem>>, %arg12: memref<1x32xf32, #tpu.memory_space<vmem>>, %arg13: memref<32x32xf32, #tpu.memory_space<vmem>>, %arg14: memref<2000x128xi32, #tpu.memory_space<vmem>>, %arg15: memref<2000x128xi32, #tpu.memory_space<vmem>>, %arg16: memref<2000x128xf32, #tpu.memory_space<vmem>>) attributes {dimension_semantics = [#tpu.dimension_semantics<arbitrary>], iteration_bounds = array<i64: 20>, scalar_prefetch = 0 : i64, scratch_operands = 0 : i64, tpu.core_type = #tpu.core_type<tc>, window_params = [{transform_indices = @transform_0, window_bounds = array<i64: 2000, 256>}, {transform_indices = @transform_1, window_bounds = array<i64: 2000, 256>}, {pipeline_mode = #tpu.pipeline_mode<synchronous>, transform_indices = @transform_2, window_bounds = array<i64: 256, 128>}, {pipeline_mode = #tpu.pipeline_mode<synchronous>, transform_indices = @transform_3, window_bounds = array<i64: 1, 128>}, {pipeline_mode = #tpu.pipeline_mode<synchronous>, transform_indices = @transform_4, window_bounds = array<i64: 256, 128>}, {pipeline_mode = #tpu.pipeline_mode<synchronous>, transform_indices = @transform_5, window_bounds = array<i64: 1, 128>}, {pipeline_mode = #tpu.pipeline_mode<synchronous>, transform_indices = @transform_6, window_bounds = array<i64: 256, 32>}, {pipeline_mode = #tpu.pipeline_mode<synchronous>, transform_indices = @transform_7, window_bounds = array<i64: 1, 32>}, {pipeline_mode = #tpu.pipeline_mode<synchronous>, transform_indices = @transform_8, window_bounds = array<i64: 256, 32>}, {pipeline_mode = #tpu.pipeline_mode<synchronous>, transform_indices = @transform_9, window_bounds = array<i64: 1, 32>}, {pipeline_mode = #tpu.pipeline_mode<synchronous>, transform_indices = @transform_10, window_bounds = array<i64: 256, 32>}, {pipeline_mode = #tpu.pipeline_mode<synchronous>, transform_indices = @transform_11, window_bounds = array<i64: 1, 32>}, {pipeline_mode = #tpu.pipeline_mode<synchronous>, transform_indices = @transform_12, window_bounds = array<i64: 32, 32>}, {transform_indices = @transform_13, window_bounds = array<i64: 2000, 128>}, {transform_indices = @transform_14, window_bounds = array<i64: 2000, 128>}, {transform_indices = @transform_15, window_bounds = array<i64: 2000, 128>}]} {
    %get3A = arith.constant 0 : index
    %get3A_0 = arith.constant 0 : index
    %get3A_1 = vector.load %arg1[%get3A, %get3A_0] : memref<2000x256xf32, #tpu.memory_space<vmem>>, vector<2000x256xf32>
    %get3A_2 = arith.constant 0 : index
    %get3A_3 = arith.constant 0 : index
    %get3A_4 = vector.load %arg2[%get3A_2, %get3A_3] : memref<2000x256xf32, #tpu.memory_space<vmem>>, vector<2000x256xf32>
    %add3A = arith.addf %get3A_1, %get3A_4 : vector<2000x256xf32>
    %get3A_5 = arith.constant 0 : index
    %get3A_6 = arith.constant 0 : index
    %get3A_7 = vector.load %arg3[%get3A_5, %get3A_6] : memref<256x128xf32, #tpu.memory_space<vmem>>, vector<256x128xf32>
    %dot_general3A = arith.constant dense<0.000000e+00> : vector<2000x128xf32>
    %dot_general3A_8 = tpu.matmul %get3A_1, %get3A_7, %dot_general3A {dimension_numbers = #tpu.dot_dimension_numbers<[1], [0], [0], [1], [0, 0, 1, 1], [], []>, transpose_lhs_hint = false} : vector<2000x256xf32>, vector<256x128xf32>, vector<2000x128xf32> -> vector<2000x128xf32>
    %get3A_9 = arith.constant 0 : index
    %get3A_10 = arith.constant 0 : index
    %get3A_11 = vector.load %arg4[%get3A_9, %get3A_10] : memref<1x128xf32, #tpu.memory_space<vmem>>, vector<1x128xf32>
    %add3A_12 = vector.broadcast %get3A_11 : vector<1x128xf32> to vector<2000x128xf32>
    %add3A_13 = arith.addf %dot_general3A_8, %add3A_12 : vector<2000x128xf32>
    %get3A_14 = arith.constant 0 : index
    %get3A_15 = arith.constant 0 : index
    %get3A_16 = vector.load %arg5[%get3A_14, %get3A_15] : memref<256x128xf32, #tpu.memory_space<vmem>>, vector<256x128xf32>
    %dot_general3A_17 = arith.constant dense<0.000000e+00> : vector<2000x128xf32>
    %dot_general3A_18 = tpu.matmul %get3A_1, %get3A_16, %dot_general3A_17 {dimension_numbers = #tpu.dot_dimension_numbers<[1], [0], [0], [1], [0, 0, 1, 1], [], []>, transpose_lhs_hint = false} : vector<2000x256xf32>, vector<256x128xf32>, vector<2000x128xf32> -> vector<2000x128xf32>
    %get3A_19 = arith.constant 0 : index
    %get3A_20 = arith.constant 0 : index
    %get3A_21 = vector.load %arg6[%get3A_19, %get3A_20] : memref<1x128xf32, #tpu.memory_space<vmem>>, vector<1x128xf32>
    %add3A_22 = vector.broadcast %get3A_21 : vector<1x128xf32> to vector<2000x128xf32>
    %add3A_23 = arith.addf %dot_general3A_18, %add3A_22 : vector<2000x128xf32>
    %bitcast_convert_type3A = tpu.bitcast %add3A_13 : vector<2000x128xf32> -> vector<2000x128xi32>
    %add3A_24 = arith.constant 32767 : i32
    %add3A_25 = vector.broadcast %add3A_24 : i32 to vector<2000x128xi32>
    %add3A_26 = arith.addi %bitcast_convert_type3A, %add3A_25 : vector<2000x128xi32>
    %shift_right_logical3A = arith.constant 16 : i32
    %shift_right_logical3A_27 = vector.broadcast %shift_right_logical3A : i32 to vector<2000x128xi32>
    %shift_right_logical3A_28 = arith.shrui %bitcast_convert_type3A, %shift_right_logical3A_27 : vector<2000x128xi32>
    %and3A = arith.constant 1 : i32
    %and3A_29 = vector.broadcast %and3A : i32 to vector<2000x128xi32>
    %and3A_30 = arith.andi %shift_right_logical3A_28, %and3A_29 : vector<2000x128xi32>
    %add3A_31 = arith.addi %add3A_26, %and3A_30 : vector<2000x128xi32>
    %shift_right_logical3A_32 = arith.constant 16 : i32
    %shift_right_logical3A_33 = vector.broadcast %shift_right_logical3A_32 : i32 to vector<2000x128xi32>
    %shift_right_logical3A_34 = arith.shrui %add3A_31, %shift_right_logical3A_33 : vector<2000x128xi32>
    %bitcast_convert_type3A_35 = tpu.bitcast %add3A_23 : vector<2000x128xf32> -> vector<2000x128xi32>
    %add3A_36 = arith.constant 32767 : i32
    %add3A_37 = vector.broadcast %add3A_36 : i32 to vector<2000x128xi32>
    %add3A_38 = arith.addi %bitcast_convert_type3A_35, %add3A_37 : vector<2000x128xi32>
    %shift_right_logical3A_39 = arith.constant 16 : i32
    %shift_right_logical3A_40 = vector.broadcast %shift_right_logical3A_39 : i32 to vector<2000x128xi32>
    %shift_right_logical3A_41 = arith.shrui %bitcast_convert_type3A_35, %shift_right_logical3A_40 : vector<2000x128xi32>
    %and3A_42 = arith.constant 1 : i32
    %and3A_43 = vector.broadcast %and3A_42 : i32 to vector<2000x128xi32>
    %and3A_44 = arith.andi %shift_right_logical3A_41, %and3A_43 : vector<2000x128xi32>
    %add3A_45 = arith.addi %add3A_38, %and3A_44 : vector<2000x128xi32>
    %shift_right_logical3A_46 = arith.constant 16 : i32
    %shift_right_logical3A_47 = vector.broadcast %shift_right_logical3A_46 : i32 to vector<2000x128xi32>
    %shift_right_logical3A_48 = arith.shrui %add3A_45, %shift_right_logical3A_47 : vector<2000x128xi32>
    %shift_left3A = arith.constant 16 : i32
    %shift_left3A_49 = vector.broadcast %shift_left3A : i32 to vector<2000x128xi32>
    %shift_left3A_50 = arith.shli %shift_right_logical3A_48, %shift_left3A_49 : vector<2000x128xi32>
    %or3A = arith.ori %shift_right_logical3A_34, %shift_left3A_50 : vector<2000x128xi32>
    %swap3A = arith.constant 0 : index
    %swap3A_51 = arith.constant 0 : index
    %swap3A_52 = vector.load %arg14[%swap3A, %swap3A_51] : memref<2000x128xi32, #tpu.memory_space<vmem>>, vector<2000x128xi32>
    tpu.vector_store %arg14[%swap3A, %swap3A_51], %or3A {strides = array<i32>} : memref<2000x128xi32, #tpu.memory_space<vmem>>, vector<2000x128xi32>,
    %get3A_53 = arith.constant 0 : index
    %get3A_54 = arith.constant 0 : index
    %get3A_55 = vector.load %arg7[%get3A_53, %get3A_54] : memref<256x32xf32, #tpu.memory_space<vmem>>, vector<256x32xf32>
    %dot_general3A_56 = arith.constant dense<0.000000e+00> : vector<2000x32xf32>
    %dot_general3A_57 = tpu.matmul %add3A, %get3A_55, %dot_general3A_56 {dimension_numbers = #tpu.dot_dimension_numbers<[1], [0], [0], [1], [0, 0, 1, 1], [], []>, transpose_lhs_hint = false} : vector<2000x256xf32>, vector<256x32xf32>, vector<2000x32xf32> -> vector<2000x32xf32>
    %get3A_58 = arith.constant 0 : index
    %get3A_59 = arith.constant 0 : index
    %get3A_60 = vector.load %arg8[%get3A_58, %get3A_59] : memref<1x32xf32, #tpu.memory_space<vmem>>, vector<1x32xf32>
    %add3A_61 = vector.broadcast %get3A_60 : vector<1x32xf32> to vector<2000x32xf32>
    %add3A_62 = arith.addf %dot_general3A_57, %add3A_61 : vector<2000x32xf32>
    %get3A_63 = arith.constant 0 : index
    %get3A_64 = arith.constant 0 : index
    %get3A_65 = vector.load %arg9[%get3A_63, %get3A_64] : memref<256x32xf32, #tpu.memory_space<vmem>>, vector<256x32xf32>
    %dot_general3A_66 = arith.constant dense<0.000000e+00> : vector<2000x32xf32>
    %dot_general3A_67 = tpu.matmul %add3A, %get3A_65, %dot_general3A_66 {dimension_numbers = #tpu.dot_dimension_numbers<[1], [0], [0], [1], [0, 0, 1, 1], [], []>, transpose_lhs_hint = false} : vector<2000x256xf32>, vector<256x32xf32>, vector<2000x32xf32> -> vector<2000x32xf32>
    %get3A_68 = arith.constant 0 : index
    %get3A_69 = arith.constant 0 : index
    %get3A_70 = vector.load %arg10[%get3A_68, %get3A_69] : memref<1x32xf32, #tpu.memory_space<vmem>>, vector<1x32xf32>
    %add3A_71 = vector.broadcast %get3A_70 : vector<1x32xf32> to vector<2000x32xf32>
    %add3A_72 = arith.addf %dot_general3A_67, %add3A_71 : vector<2000x32xf32>
    %get3A_73 = arith.constant 0 : index
    %get3A_74 = arith.constant 0 : index
    %get3A_75 = vector.load %arg11[%get3A_73, %get3A_74] : memref<256x32xf32, #tpu.memory_space<vmem>>, vector<256x32xf32>
    %dot_general3A_76 = arith.constant dense<0.000000e+00> : vector<2000x32xf32>
    %dot_general3A_77 = tpu.matmul %add3A, %get3A_75, %dot_general3A_76 {dimension_numbers = #tpu.dot_dimension_numbers<[1], [0], [0], [1], [0, 0, 1, 1], [], []>, transpose_lhs_hint = false} : vector<2000x256xf32>, vector<256x32xf32>, vector<2000x32xf32> -> vector<2000x32xf32>
    %get3A_78 = arith.constant 0 : index
    %get3A_79 = arith.constant 0 : index
    %get3A_80 = vector.load %arg12[%get3A_78, %get3A_79] : memref<1x32xf32, #tpu.memory_space<vmem>>, vector<1x32xf32>
    %add3A_81 = vector.broadcast %get3A_80 : vector<1x32xf32> to vector<2000x32xf32>
    %add3A_82 = arith.addf %dot_general3A_77, %add3A_81 : vector<2000x32xf32>
    %exp3A = math.exp %add3A_82 : vector<2000x32xf32>
    %get3A_83 = arith.constant 0 : index
    %get3A_84 = arith.constant 0 : index
    %get3A_85 = vector.load %arg13[%get3A_83, %get3A_84] : memref<32x32xf32, #tpu.memory_space<vmem>>, vector<32x32xf32>
    %dot_general3A_86 = arith.constant dense<0.000000e+00> : vector<2000x32xf32>
    %dot_general3A_87 = tpu.matmul %exp3A, %get3A_85, %dot_general3A_86 {dimension_numbers = #tpu.dot_dimension_numbers<[1], [0], [0], [1], [0, 0, 1, 1], [], []>, transpose_lhs_hint = false} : vector<2000x32xf32>, vector<32x32xf32>, vector<2000x32xf32> -> vector<2000x32xf32>
    %div3A = arith.divf %exp3A, %dot_general3A_87 : vector<2000x32xf32>
    %mul3A = arith.constant 2000 : i32
    %mul3A_88 = arith.muli %arg0, %mul3A : i32
    %iota3A = tpu.iota {dimensions = array<i32: 0>} : vector<2000x32xi32>
    %add3A_89 = vector.broadcast %mul3A_88 : i32 to vector<2000x32xi32>
    %add3A_90 = arith.addi %add3A_89, %iota3A : vector<2000x32xi32>
    %jit3A = arith.constant 200 : i32
    %div3A_91 = vector.broadcast %jit3A : i32 to vector<2000x32xi32>
    %div3A_92 = arith.divsi %add3A_90, %div3A_91 : vector<2000x32xi32>
    %sign3A = arith.constant 0 : i32
    %sign3A_93 = vector.broadcast %sign3A : i32 to vector<2000x32xi32>
    %sign3A_94 = arith.cmpi sgt, %add3A_90, %sign3A_93 : vector<2000x32xi32>
    %sign3A_95 = arith.extui %sign3A_94 : vector<2000x32xi1> to vector<2000x32xi32>
    %sign3A_96 = arith.constant 0 : i32
    %sign3A_97 = vector.broadcast %sign3A_96 : i32 to vector<2000x32xi32>
    %sign3A_98 = arith.cmpi slt, %add3A_90, %sign3A_97 : vector<2000x32xi32>
    %sign3A_99 = arith.extui %sign3A_98 : vector<2000x32xi1> to vector<2000x32xi32>
    %sign3A_100 = arith.subi %sign3A_95, %sign3A_99 : vector<2000x32xi32>
    %sign3A_101 = arith.constant 0 : i32
    %sign3A_102 = arith.cmpi sgt, %jit3A, %sign3A_101 : i32
    %sign3A_103 = arith.extui %sign3A_102 : i1 to i32
    %sign3A_104 = arith.constant 0 : i32
    %sign3A_105 = arith.cmpi slt, %jit3A, %sign3A_104 : i32
    %sign3A_106 = arith.extui %sign3A_105 : i1 to i32
    %sign3A_107 = arith.subi %sign3A_103, %sign3A_106 : i32
    %ne3A = vector.broadcast %sign3A_107 : i32 to vector<2000x32xi32>
    %ne3A_108 = arith.cmpi ne, %sign3A_100, %ne3A : vector<2000x32xi32>
    %rem3A = vector.broadcast %jit3A : i32 to vector<2000x32xi32>
    %rem3A_109 = arith.remsi %add3A_90, %rem3A : vector<2000x32xi32>
    %ne3A_110 = arith.constant 0 : i32
    %ne3A_111 = vector.broadcast %ne3A_110 : i32 to vector<2000x32xi32>
    %ne3A_112 = arith.cmpi ne, %rem3A_109, %ne3A_111 : vector<2000x32xi32>
    %and3A_113 = arith.andi %ne3A_108, %ne3A_112 : vector<2000x32xi1>
    %sub3A = arith.constant 1 : i32
    %sub3A_114 = vector.broadcast %sub3A : i32 to vector<2000x32xi32>
    %sub3A_115 = arith.subi %div3A_92, %sub3A_114 : vector<2000x32xi32>
    %select_n3A = arith.select %and3A_113, %sub3A_115, %div3A_92 : vector<2000x32xi1>, vector<2000x32xi32>
    %convert_element_type3A = arith.sitofp %select_n3A : vector<2000x32xi32> to vector<2000x32xf32>
    %jit3A_116 = arith.constant 200 : i32
    %eq3A = arith.constant 0 : i32
    %eq3A_117 = arith.cmpi eq, %jit3A_116, %eq3A : i32
    %jit3A_118 = arith.constant 1 : i32
    %select_n3A_119 = arith.select %eq3A_117, %jit3A_118, %jit3A_116 : i32
    %rem3A_120 = vector.broadcast %select_n3A_119 : i32 to vector<2000x32xi32>
    %rem3A_121 = arith.remsi %add3A_90, %rem3A_120 : vector<2000x32xi32>
    %ne3A_122 = arith.constant 0 : i32
    %ne3A_123 = vector.broadcast %ne3A_122 : i32 to vector<2000x32xi32>
    %ne3A_124 = arith.cmpi ne, %rem3A_121, %ne3A_123 : vector<2000x32xi32>
    %lt3A = arith.constant 0 : i32
    %lt3A_125 = vector.broadcast %lt3A : i32 to vector<2000x32xi32>
    %lt3A_126 = arith.cmpi slt, %rem3A_121, %lt3A_125 : vector<2000x32xi32>
    %lt3A_127 = arith.constant 0 : i32
    %lt3A_128 = arith.cmpi slt, %select_n3A_119, %lt3A_127 : i32
    %ne3A_129 = vector.broadcast %lt3A_128 : i1 to vector<2000x32xi1>
    %ne3A_130 = vector.broadcast %ne3A_129 : vector<2000x32xi1> to vector<2000x32xi1>
    %ne3A_131 = arith.xori %lt3A_126, %ne3A_130 : vector<2000x32xi1>
    %and3A_132 = arith.andi %ne3A_131, %ne3A_124 : vector<2000x32xi1>
    %add3A_133 = vector.broadcast %select_n3A_119 : i32 to vector<2000x32xi32>
    %add3A_134 = arith.addi %rem3A_121, %add3A_133 : vector<2000x32xi32>
    %select_n3A_135 = arith.select %and3A_132, %add3A_134, %rem3A_121 : vector<2000x32xi1>, vector<2000x32xi32>
    %convert_element_type3A_136 = arith.sitofp %select_n3A_135 : vector<2000x32xi32> to vector<2000x32xf32>
    %add3A_137 = arith.addf %convert_element_type3A_136, %add3A_62 : vector<2000x32xf32>
    %add3A_138 = arith.addf %convert_element_type3A, %add3A_72 : vector<2000x32xf32>
    %floor3A = math.floor %add3A_137 : vector<2000x32xf32>
    %floor3A_139 = math.floor %add3A_138 : vector<2000x32xf32>
    %sub3A_140 = arith.subf %add3A_137, %floor3A : vector<2000x32xf32>
    %sub3A_141 = arith.subf %add3A_138, %floor3A_139 : vector<2000x32xf32>
    %convert_element_type3A_142 = arith.fptosi %floor3A : vector<2000x32xf32> to vector<2000x32xi32>
    %convert_element_type3A_143 = arith.fptosi %floor3A_139 : vector<2000x32xf32> to vector<2000x32xi32>
    %add3A_144 = arith.constant 1 : i32
    %add3A_145 = vector.broadcast %add3A_144 : i32 to vector<2000x32xi32>
    %add3A_146 = arith.addi %convert_element_type3A_142, %add3A_145 : vector<2000x32xi32>
    %add3A_147 = arith.constant 1 : i32
    %add3A_148 = vector.broadcast %add3A_147 : i32 to vector<2000x32xi32>
    %add3A_149 = arith.addi %convert_element_type3A_143, %add3A_148 : vector<2000x32xi32>
    %iota3A_150 = tpu.iota {dimensions = array<i32: 1>} : vector<2000x32xi32>
    %jit3A_151 = arith.constant 4 : i32
    %div3A_152 = vector.broadcast %jit3A_151 : i32 to vector<2000x32xi32>
    %div3A_153 = arith.divsi %iota3A_150, %div3A_152 : vector<2000x32xi32>
    %sign3A_154 = arith.constant 0 : i32
    %sign3A_155 = vector.broadcast %sign3A_154 : i32 to vector<2000x32xi32>
    %sign3A_156 = arith.cmpi sgt, %iota3A_150, %sign3A_155 : vector<2000x32xi32>
    %sign3A_157 = arith.extui %sign3A_156 : vector<2000x32xi1> to vector<2000x32xi32>
    %sign3A_158 = arith.constant 0 : i32
    %sign3A_159 = vector.broadcast %sign3A_158 : i32 to vector<2000x32xi32>
    %sign3A_160 = arith.cmpi slt, %iota3A_150, %sign3A_159 : vector<2000x32xi32>
    %sign3A_161 = arith.extui %sign3A_160 : vector<2000x32xi1> to vector<2000x32xi32>
    %sign3A_162 = arith.subi %sign3A_157, %sign3A_161 : vector<2000x32xi32>
    %sign3A_163 = arith.constant 0 : i32
    %sign3A_164 = arith.cmpi sgt, %jit3A_151, %sign3A_163 : i32
    %sign3A_165 = arith.extui %sign3A_164 : i1 to i32
    %sign3A_166 = arith.constant 0 : i32
    %sign3A_167 = arith.cmpi slt, %jit3A_151, %sign3A_166 : i32
    %sign3A_168 = arith.extui %sign3A_167 : i1 to i32
    %sign3A_169 = arith.subi %sign3A_165, %sign3A_168 : i32
    %ne3A_170 = vector.broadcast %sign3A_169 : i32 to vector<2000x32xi32>
    %ne3A_171 = arith.cmpi ne, %sign3A_162, %ne3A_170 : vector<2000x32xi32>
    %rem3A_172 = vector.broadcast %jit3A_151 : i32 to vector<2000x32xi32>
    %rem3A_173 = arith.remsi %iota3A_150, %rem3A_172 : vector<2000x32xi32>
    %ne3A_174 = arith.constant 0 : i32
    %ne3A_175 = vector.broadcast %ne3A_174 : i32 to vector<2000x32xi32>
    %ne3A_176 = arith.cmpi ne, %rem3A_173, %ne3A_175 : vector<2000x32xi32>
    %and3A_177 = arith.andi %ne3A_171, %ne3A_176 : vector<2000x32xi1>
    %sub3A_178 = arith.constant 1 : i32
    %sub3A_179 = vector.broadcast %sub3A_178 : i32 to vector<2000x32xi32>
    %sub3A_180 = arith.subi %div3A_153, %sub3A_179 : vector<2000x32xi32>
    %select_n3A_181 = arith.select %and3A_177, %sub3A_180, %div3A_153 : vector<2000x32xi1>, vector<2000x32xi32>
    %sub3A_182 = arith.constant 1.000000e+00 : f32
    %sub3A_183 = vector.broadcast %sub3A_182 : f32 to vector<2000x32xf32>
    %sub3A_184 = arith.subf %sub3A_183, %sub3A_140 : vector<2000x32xf32>
    %sub3A_185 = arith.constant 1.000000e+00 : f32
    %sub3A_186 = vector.broadcast %sub3A_185 : f32 to vector<2000x32xf32>
    %sub3A_187 = arith.subf %sub3A_186, %sub3A_141 : vector<2000x32xf32>
    %mul3A_188 = arith.mulf %sub3A_184, %sub3A_187 : vector<2000x32xf32>
    %ge3A = arith.constant 0 : i32
    %ge3A_189 = vector.broadcast %ge3A : i32 to vector<2000x32xi32>
    %ge3A_190 = arith.cmpi sge, %convert_element_type3A_142, %ge3A_189 : vector<2000x32xi32>
    %lt3A_191 = arith.constant 200 : i32
    %lt3A_192 = vector.broadcast %lt3A_191 : i32 to vector<2000x32xi32>
    %lt3A_193 = arith.cmpi slt, %convert_element_type3A_142, %lt3A_192 : vector<2000x32xi32>
    %and3A_194 = arith.andi %ge3A_190, %lt3A_193 : vector<2000x32xi1>
    %ge3A_195 = arith.constant 0 : i32
    %ge3A_196 = vector.broadcast %ge3A_195 : i32 to vector<2000x32xi32>
    %ge3A_197 = arith.cmpi sge, %convert_element_type3A_143, %ge3A_196 : vector<2000x32xi32>
    %and3A_198 = arith.andi %and3A_194, %ge3A_197 : vector<2000x32xi1>
    %lt3A_199 = arith.constant 200 : i32
    %lt3A_200 = vector.broadcast %lt3A_199 : i32 to vector<2000x32xi32>
    %lt3A_201 = arith.cmpi slt, %convert_element_type3A_143, %lt3A_200 : vector<2000x32xi32>
    %and3A_202 = arith.andi %and3A_198, %lt3A_201 : vector<2000x32xi1>
    %jit3A_203 = arith.constant 0 : i32
    %jit3A_204 = arith.constant 199 : i32
    %max3A = vector.broadcast %jit3A_203 : i32 to vector<2000x32xi32>
    %max3A_205 = arith.maxsi %max3A, %convert_element_type3A_142 : vector<2000x32xi32>
    %min3A = vector.broadcast %jit3A_204 : i32 to vector<2000x32xi32>
    %min3A_206 = arith.minsi %min3A, %max3A_205 : vector<2000x32xi32>
    %jit3A_207 = arith.constant 0 : i32
    %jit3A_208 = arith.constant 199 : i32
    %max3A_209 = vector.broadcast %jit3A_207 : i32 to vector<2000x32xi32>
    %max3A_210 = arith.maxsi %max3A_209, %convert_element_type3A_143 : vector<2000x32xi32>
    %min3A_211 = vector.broadcast %jit3A_208 : i32 to vector<2000x32xi32>
    %min3A_212 = arith.minsi %min3A_211, %max3A_210 : vector<2000x32xi32>
    %mul3A_213 = arith.constant 200 : i32
    %mul3A_214 = vector.broadcast %mul3A_213 : i32 to vector<2000x32xi32>
    %mul3A_215 = arith.muli %min3A_212, %mul3A_214 : vector<2000x32xi32>
    %add3A_216 = arith.addi %mul3A_215, %min3A_206 : vector<2000x32xi32>
    %mul3A_217 = arith.constant 8 : i32
    %mul3A_218 = vector.broadcast %mul3A_217 : i32 to vector<2000x32xi32>
    %mul3A_219 = arith.muli %add3A_216, %mul3A_218 : vector<2000x32xi32>
    %add3A_220 = arith.addi %mul3A_219, %select_n3A_181 : vector<2000x32xi32>
    %mul3A_221 = arith.mulf %div3A, %mul3A_188 : vector<2000x32xf32>
    %convert_element_type3A_222 = arith.extui %and3A_202 : vector<2000x32xi1> to vector<2000x32xi32>
    %convert_element_type3A_223 = arith.sitofp %convert_element_type3A_222 : vector<2000x32xi32> to vector<2000x32xf32>
    %mul3A_224 = arith.mulf %mul3A_221, %convert_element_type3A_223 : vector<2000x32xf32>
    %sub3A_225 = arith.constant 1.000000e+00 : f32
    %sub3A_226 = vector.broadcast %sub3A_225 : f32 to vector<2000x32xf32>
    %sub3A_227 = arith.subf %sub3A_226, %sub3A_141 : vector<2000x32xf32>
    %mul3A_228 = arith.mulf %sub3A_140, %sub3A_227 : vector<2000x32xf32>
    %ge3A_229 = arith.constant 0 : i32
    %ge3A_230 = vector.broadcast %ge3A_229 : i32 to vector<2000x32xi32>
    %ge3A_231 = arith.cmpi sge, %add3A_146, %ge3A_230 : vector<2000x32xi32>
    %lt3A_232 = arith.constant 200 : i32
    %lt3A_233 = vector.broadcast %lt3A_232 : i32 to vector<2000x32xi32>
    %lt3A_234 = arith.cmpi slt, %add3A_146, %lt3A_233 : vector<2000x32xi32>
    %and3A_235 = arith.andi %ge3A_231, %lt3A_234 : vector<2000x32xi1>
    %ge3A_236 = arith.constant 0 : i32
    %ge3A_237 = vector.broadcast %ge3A_236 : i32 to vector<2000x32xi32>
    %ge3A_238 = arith.cmpi sge, %convert_element_type3A_143, %ge3A_237 : vector<2000x32xi32>
    %and3A_239 = arith.andi %and3A_235, %ge3A_238 : vector<2000x32xi1>
    %lt3A_240 = arith.constant 200 : i32
    %lt3A_241 = vector.broadcast %lt3A_240 : i32 to vector<2000x32xi32>
    %lt3A_242 = arith.cmpi slt, %convert_element_type3A_143, %lt3A_241 : vector<2000x32xi32>
    %and3A_243 = arith.andi %and3A_239, %lt3A_242 : vector<2000x32xi1>
    %jit3A_244 = arith.constant 0 : i32
    %jit3A_245 = arith.constant 199 : i32
    %max3A_246 = vector.broadcast %jit3A_244 : i32 to vector<2000x32xi32>
    %max3A_247 = arith.maxsi %max3A_246, %add3A_146 : vector<2000x32xi32>
    %min3A_248 = vector.broadcast %jit3A_245 : i32 to vector<2000x32xi32>
    %min3A_249 = arith.minsi %min3A_248, %max3A_247 : vector<2000x32xi32>
    %jit3A_250 = arith.constant 0 : i32
    %jit3A_251 = arith.constant 199 : i32
    %max3A_252 = vector.broadcast %jit3A_250 : i32 to vector<2000x32xi32>
    %max3A_253 = arith.maxsi %max3A_252, %convert_element_type3A_143 : vector<2000x32xi32>
    %min3A_254 = vector.broadcast %jit3A_251 : i32 to vector<2000x32xi32>
    %min3A_255 = arith.minsi %min3A_254, %max3A_253 : vector<2000x32xi32>
    %mul3A_256 = arith.constant 200 : i32
    %mul3A_257 = vector.broadcast %mul3A_256 : i32 to vector<2000x32xi32>
    %mul3A_258 = arith.muli %min3A_255, %mul3A_257 : vector<2000x32xi32>
    %add3A_259 = arith.addi %mul3A_258, %min3A_249 : vector<2000x32xi32>
    %mul3A_260 = arith.constant 8 : i32
    %mul3A_261 = vector.broadcast %mul3A_260 : i32 to vector<2000x32xi32>
    %mul3A_262 = arith.muli %add3A_259, %mul3A_261 : vector<2000x32xi32>
    %add3A_263 = arith.addi %mul3A_262, %select_n3A_181 : vector<2000x32xi32>
    %mul3A_264 = arith.mulf %div3A, %mul3A_228 : vector<2000x32xf32>
    %convert_element_type3A_265 = arith.extui %and3A_243 : vector<2000x32xi1> to vector<2000x32xi32>
    %convert_element_type3A_266 = arith.sitofp %convert_element_type3A_265 : vector<2000x32xi32> to vector<2000x32xf32>
    %mul3A_267 = arith.mulf %mul3A_264, %convert_element_type3A_266 : vector<2000x32xf32>
    %sub3A_268 = arith.constant 1.000000e+00 : f32
    %sub3A_269 = vector.broadcast %sub3A_268 : f32 to vector<2000x32xf32>
    %sub3A_270 = arith.subf %sub3A_269, %sub3A_140 : vector<2000x32xf32>
    %mul3A_271 = arith.mulf %sub3A_270, %sub3A_141 : vector<2000x32xf32>
    %ge3A_272 = arith.constant 0 : i32
    %ge3A_273 = vector.broadcast %ge3A_272 : i32 to vector<2000x32xi32>
    %ge3A_274 = arith.cmpi sge, %convert_element_type3A_142, %ge3A_273 : vector<2000x32xi32>
    %lt3A_275 = arith.constant 200 : i32
    %lt3A_276 = vector.broadcast %lt3A_275 : i32 to vector<2000x32xi32>
    %lt3A_277 = arith.cmpi slt, %convert_element_type3A_142, %lt3A_276 : vector<2000x32xi32>
    %and3A_278 = arith.andi %ge3A_274, %lt3A_277 : vector<2000x32xi1>
    %ge3A_279 = arith.constant 0 : i32
    %ge3A_280 = vector.broadcast %ge3A_279 : i32 to vector<2000x32xi32>
    %ge3A_281 = arith.cmpi sge, %add3A_149, %ge3A_280 : vector<2000x32xi32>
    %and3A_282 = arith.andi %and3A_278, %ge3A_281 : vector<2000x32xi1>
    %lt3A_283 = arith.constant 200 : i32
    %lt3A_284 = vector.broadcast %lt3A_283 : i32 to vector<2000x32xi32>
    %lt3A_285 = arith.cmpi slt, %add3A_149, %lt3A_284 : vector<2000x32xi32>
    %and3A_286 = arith.andi %and3A_282, %lt3A_285 : vector<2000x32xi1>
    %jit3A_287 = arith.constant 0 : i32
    %jit3A_288 = arith.constant 199 : i32
    %max3A_289 = vector.broadcast %jit3A_287 : i32 to vector<2000x32xi32>
    %max3A_290 = arith.maxsi %max3A_289, %convert_element_type3A_142 : vector<2000x32xi32>
    %min3A_291 = vector.broadcast %jit3A_288 : i32 to vector<2000x32xi32>
    %min3A_292 = arith.minsi %min3A_291, %max3A_290 : vector<2000x32xi32>
    %jit3A_293 = arith.constant 0 : i32
    %jit3A_294 = arith.constant 199 : i32
    %max3A_295 = vector.broadcast %jit3A_293 : i32 to vector<2000x32xi32>
    %max3A_296 = arith.maxsi %max3A_295, %add3A_149 : vector<2000x32xi32>
    %min3A_297 = vector.broadcast %jit3A_294 : i32 to vector<2000x32xi32>
    %min3A_298 = arith.minsi %min3A_297, %max3A_296 : vector<2000x32xi32>
    %mul3A_299 = arith.constant 200 : i32
    %mul3A_300 = vector.broadcast %mul3A_299 : i32 to vector<2000x32xi32>
    %mul3A_301 = arith.muli %min3A_298, %mul3A_300 : vector<2000x32xi32>
    %add3A_302 = arith.addi %mul3A_301, %min3A_292 : vector<2000x32xi32>
    %mul3A_303 = arith.constant 8 : i32
    %mul3A_304 = vector.broadcast %mul3A_303 : i32 to vector<2000x32xi32>
    %mul3A_305 = arith.muli %add3A_302, %mul3A_304 : vector<2000x32xi32>
    %add3A_306 = arith.addi %mul3A_305, %select_n3A_181 : vector<2000x32xi32>
    %mul3A_307 = arith.mulf %div3A, %mul3A_271 : vector<2000x32xf32>
    %convert_element_type3A_308 = arith.extui %and3A_286 : vector<2000x32xi1> to vector<2000x32xi32>
    %convert_element_type3A_309 = arith.sitofp %convert_element_type3A_308 : vector<2000x32xi32> to vector<2000x32xf32>
    %mul3A_310 = arith.mulf %mul3A_307, %convert_element_type3A_309 : vector<2000x32xf32>
    %mul3A_311 = arith.mulf %sub3A_140, %sub3A_141 : vector<2000x32xf32>
    %ge3A_312 = arith.constant 0 : i32
    %ge3A_313 = vector.broadcast %ge3A_312 : i32 to vector<2000x32xi32>
    %ge3A_314 = arith.cmpi sge, %add3A_146, %ge3A_313 : vector<2000x32xi32>
    %lt3A_315 = arith.constant 200 : i32
    %lt3A_316 = vector.broadcast %lt3A_315 : i32 to vector<2000x32xi32>
    %lt3A_317 = arith.cmpi slt, %add3A_146, %lt3A_316 : vector<2000x32xi32>
    %and3A_318 = arith.andi %ge3A_314, %lt3A_317 : vector<2000x32xi1>
    %ge3A_319 = arith.constant 0 : i32
    %ge3A_320 = vector.broadcast %ge3A_319 : i32 to vector<2000x32xi32>
    %ge3A_321 = arith.cmpi sge, %add3A_149, %ge3A_320 : vector<2000x32xi32>
    %and3A_322 = arith.andi %and3A_318, %ge3A_321 : vector<2000x32xi1>
    %lt3A_323 = arith.constant 200 : i32
    %lt3A_324 = vector.broadcast %lt3A_323 : i32 to vector<2000x32xi32>
    %lt3A_325 = arith.cmpi slt, %add3A_149, %lt3A_324 : vector<2000x32xi32>
    %and3A_326 = arith.andi %and3A_322, %lt3A_325 : vector<2000x32xi1>
    %jit3A_327 = arith.constant 0 : i32
    %jit3A_328 = arith.constant 199 : i32
    %max3A_329 = vector.broadcast %jit3A_327 : i32 to vector<2000x32xi32>
    %max3A_330 = arith.maxsi %max3A_329, %add3A_146 : vector<2000x32xi32>
    %min3A_331 = vector.broadcast %jit3A_328 : i32 to vector<2000x32xi32>
    %min3A_332 = arith.minsi %min3A_331, %max3A_330 : vector<2000x32xi32>
    %jit3A_333 = arith.constant 0 : i32
    %jit3A_334 = arith.constant 199 : i32
    %max3A_335 = vector.broadcast %jit3A_333 : i32 to vector<2000x32xi32>
    %max3A_336 = arith.maxsi %max3A_335, %add3A_149 : vector<2000x32xi32>
    %min3A_337 = vector.broadcast %jit3A_334 : i32 to vector<2000x32xi32>
    %min3A_338 = arith.minsi %min3A_337, %max3A_336 : vector<2000x32xi32>
    %mul3A_339 = arith.constant 200 : i32
    %mul3A_340 = vector.broadcast %mul3A_339 : i32 to vector<2000x32xi32>
    %mul3A_341 = arith.muli %min3A_338, %mul3A_340 : vector<2000x32xi32>
    %add3A_342 = arith.addi %mul3A_341, %min3A_332 : vector<2000x32xi32>
    %mul3A_343 = arith.constant 8 : i32
    %mul3A_344 = vector.broadcast %mul3A_343 : i32 to vector<2000x32xi32>
    %mul3A_345 = arith.muli %add3A_342, %mul3A_344 : vector<2000x32xi32>
    %add3A_346 = arith.addi %mul3A_345, %select_n3A_181 : vector<2000x32xi32>
    %mul3A_347 = arith.mulf %div3A, %mul3A_311 : vector<2000x32xf32>
    %convert_element_type3A_348 = arith.extui %and3A_326 : vector<2000x32xi1> to vector<2000x32xi32>
    %convert_element_type3A_349 = arith.sitofp %convert_element_type3A_348 : vector<2000x32xi32> to vector<2000x32xf32>
    %mul3A_350 = arith.mulf %mul3A_347, %convert_element_type3A_349 : vector<2000x32xf32>
    %concatenate3A = tpu.concatenate %add3A_220, %add3A_263, %add3A_306, %add3A_346 in 1 : vector<2000x32xi32>, vector<2000x32xi32>, vector<2000x32xi32>, vector<2000x32xi32> -> vector<2000x128xi32>
    %swap3A_351 = arith.constant 0 : index
    %swap3A_352 = arith.constant 0 : index
    %swap3A_353 = vector.load %arg15[%swap3A_351, %swap3A_352] : memref<2000x128xi32, #tpu.memory_space<vmem>>, vector<2000x128xi32>
    tpu.vector_store %arg15[%swap3A_351, %swap3A_352], %concatenate3A {strides = array<i32>} : memref<2000x128xi32, #tpu.memory_space<vmem>>, vector<2000x128xi32>,
    %concatenate3A_354 = tpu.concatenate %mul3A_224, %mul3A_267, %mul3A_310, %mul3A_350 in 1 : vector<2000x32xf32>, vector<2000x32xf32>, vector<2000x32xf32>, vector<2000x32xf32> -> vector<2000x128xf32>
    %swap3A_355 = arith.constant 0 : index
    %swap3A_356 = arith.constant 0 : index
    %swap3A_357 = vector.load %arg16[%swap3A_355, %swap3A_356] : memref<2000x128xf32, #tpu.memory_space<vmem>>, vector<2000x128xf32>
    tpu.vector_store %arg16[%swap3A_355, %swap3A_356], %concatenate3A_354 {strides = array<i32>} : memref<2000x128xf32, #tpu.memory_space<vmem>>, vector<2000x128xf32>,
    return
  }
  func.func @transform_0(%arg0: i32) -> (i32, i32) {
    %c0_i32 = arith.constant 0 : i32
    %c0_i32_0 = arith.constant 0 : i32
    return %arg0, %c0_i32 : i32, i32
  }
  func.func @transform_1(%arg0: i32) -> (i32, i32) {
    %c0_i32 = arith.constant 0 : i32
    %c0_i32_0 = arith.constant 0 : i32
    return %arg0, %c0_i32 : i32, i32
  }
  func.func @transform_2(%arg0: i32) -> (i32, i32) {
    %c0_i32 = arith.constant 0 : i32
    %c0_i32_0 = arith.constant 0 : i32
    %c0_i32_1 = arith.constant 0 : i32
    return %c0_i32, %c0_i32_0 : i32, i32
  }
  func.func @transform_3(%arg0: i32) -> (i32, i32) {
    %c0_i32 = arith.constant 0 : i32
    %c0_i32_0 = arith.constant 0 : i32
    %c0_i32_1 = arith.constant 0 : i32
    return %c0_i32, %c0_i32_0 : i32, i32
  }
  func.func @transform_4(%arg0: i32) -> (i32, i32) {
    %c0_i32 = arith.constant 0 : i32
    %c0_i32_0 = arith.constant 0 : i32
    %c0_i32_1 = arith.constant 0 : i32
    return %c0_i32, %c0_i32_0 : i32, i32
  }
  func.func @transform_5(%arg0: i32) -> (i32, i32) {
    %c0_i32 = arith.constant 0 : i32
    %c0_i32_0 = arith.constant 0 : i32
    %c0_i32_1 = arith.constant 0 : i32
    return %c0_i32, %c0_i32_0 : i32, i32
  }
  func.func @transform_6(%arg0: i32) -> (i32, i32) {
    %c0_i32 = arith.constant 0 : i32
    %c0_i32_0 = arith.constant 0 : i32
    %c0_i32_1 = arith.constant 0 : i32
    return %c0_i32, %c0_i32_0 : i32, i32
  }
  func.func @transform_7(%arg0: i32) -> (i32, i32) {
    %c0_i32 = arith.constant 0 : i32
    %c0_i32_0 = arith.constant 0 : i32
    %c0_i32_1 = arith.constant 0 : i32
    return %c0_i32, %c0_i32_0 : i32, i32
  }
  func.func @transform_8(%arg0: i32) -> (i32, i32) {
    %c0_i32 = arith.constant 0 : i32
    %c0_i32_0 = arith.constant 0 : i32
    %c0_i32_1 = arith.constant 0 : i32
    return %c0_i32, %c0_i32_0 : i32, i32
  }
  func.func @transform_9(%arg0: i32) -> (i32, i32) {
    %c0_i32 = arith.constant 0 : i32
    %c0_i32_0 = arith.constant 0 : i32
    %c0_i32_1 = arith.constant 0 : i32
    return %c0_i32, %c0_i32_0 : i32, i32
  }
  func.func @transform_10(%arg0: i32) -> (i32, i32) {
    %c0_i32 = arith.constant 0 : i32
    %c0_i32_0 = arith.constant 0 : i32
    %c0_i32_1 = arith.constant 0 : i32
    return %c0_i32, %c0_i32_0 : i32, i32
  }
  func.func @transform_11(%arg0: i32) -> (i32, i32) {
    %c0_i32 = arith.constant 0 : i32
    %c0_i32_0 = arith.constant 0 : i32
    %c0_i32_1 = arith.constant 0 : i32
    return %c0_i32, %c0_i32_0 : i32, i32
  }
  func.func @transform_12(%arg0: i32) -> (i32, i32) {
    %c0_i32 = arith.constant 0 : i32
    %c0_i32_0 = arith.constant 0 : i32
    %c0_i32_1 = arith.constant 0 : i32
    return %c0_i32, %c0_i32_0 : i32, i32
  }
  func.func @transform_13(%arg0: i32) -> (i32, i32) {
    %c0_i32 = arith.constant 0 : i32
    %c0_i32_0 = arith.constant 0 : i32
    return %arg0, %c0_i32 : i32, i32
  }
  func.func @transform_14(%arg0: i32) -> (i32, i32) {
    %c0_i32 = arith.constant 0 : i32
    %c0_i32_0 = arith.constant 0 : i32
    return %arg0, %c0_i32 : i32, i32
  }
  func.func @transform_15(%arg0: i32) -> (i32, i32) {
    %c0_i32 = arith.constant 0 : i32
    %c0_i32_0 = arith.constant 0 : i32
    return %arg0, %c0_i32 : i32, i32
  }
}

module attributes {stable_mosaic.version = 14 : i64} {
  func.func @_out_kernel(%arg0: i32, %arg1: memref<2000x128xf32, #tpu.memory_space<vmem>>, %arg2: memref<2000x128xf32, #tpu.memory_space<vmem>>, %arg3: memref<2000x256xf32, #tpu.memory_space<vmem>>, %arg4: memref<128x256xf32, #tpu.memory_space<vmem>>, %arg5: memref<128x256xf32, #tpu.memory_space<vmem>>, %arg6: memref<1x256xf32, #tpu.memory_space<vmem>>, %arg7: memref<2000x256xf32, #tpu.memory_space<vmem>>) attributes {dimension_semantics = [#tpu.dimension_semantics<arbitrary>], iteration_bounds = array<i64: 20>, scalar_prefetch = 0 : i64, scratch_operands = 0 : i64, tpu.core_type = #tpu.core_type<tc>, window_params = [{transform_indices = @transform_0, window_bounds = array<i64: 2000, 128>}, {transform_indices = @transform_1, window_bounds = array<i64: 2000, 128>}, {transform_indices = @transform_2, window_bounds = array<i64: 2000, 256>}, {pipeline_mode = #tpu.pipeline_mode<synchronous>, transform_indices = @transform_3, window_bounds = array<i64: 128, 256>}, {pipeline_mode = #tpu.pipeline_mode<synchronous>, transform_indices = @transform_4, window_bounds = array<i64: 128, 256>}, {pipeline_mode = #tpu.pipeline_mode<synchronous>, transform_indices = @transform_5, window_bounds = array<i64: 1, 256>}, {transform_indices = @transform_6, window_bounds = array<i64: 2000, 256>}]} {
    %get3A = arith.constant 0 : index
    %get3A_0 = arith.constant 0 : index
    %get3A_1 = vector.load %arg1[%get3A, %get3A_0] : memref<2000x128xf32, #tpu.memory_space<vmem>>, vector<2000x128xf32>
    %get3A_2 = arith.constant 0 : index
    %get3A_3 = arith.constant 0 : index
    %get3A_4 = vector.load %arg4[%get3A_2, %get3A_3] : memref<128x256xf32, #tpu.memory_space<vmem>>, vector<128x256xf32>
    %dot_general3A = arith.constant dense<0.000000e+00> : vector<2000x256xf32>
    %dot_general3A_5 = tpu.matmul %get3A_1, %get3A_4, %dot_general3A {dimension_numbers = #tpu.dot_dimension_numbers<[1], [0], [0], [1], [0, 0, 1, 1], [], []>, transpose_lhs_hint = false} : vector<2000x128xf32>, vector<128x256xf32>, vector<2000x256xf32> -> vector<2000x256xf32>
    %get3A_6 = arith.constant 0 : index
    %get3A_7 = arith.constant 0 : index
    %get3A_8 = vector.load %arg2[%get3A_6, %get3A_7] : memref<2000x128xf32, #tpu.memory_space<vmem>>, vector<2000x128xf32>
    %get3A_9 = arith.constant 0 : index
    %get3A_10 = arith.constant 0 : index
    %get3A_11 = vector.load %arg5[%get3A_9, %get3A_10] : memref<128x256xf32, #tpu.memory_space<vmem>>, vector<128x256xf32>
    %dot_general3A_12 = arith.constant dense<0.000000e+00> : vector<2000x256xf32>
    %dot_general3A_13 = tpu.matmul %get3A_8, %get3A_11, %dot_general3A_12 {dimension_numbers = #tpu.dot_dimension_numbers<[1], [0], [0], [1], [0, 0, 1, 1], [], []>, transpose_lhs_hint = false} : vector<2000x128xf32>, vector<128x256xf32>, vector<2000x256xf32> -> vector<2000x256xf32>
    %add3A = arith.addf %dot_general3A_5, %dot_general3A_13 : vector<2000x256xf32>
    %get3A_14 = arith.constant 0 : index
    %get3A_15 = arith.constant 0 : index
    %get3A_16 = vector.load %arg6[%get3A_14, %get3A_15] : memref<1x256xf32, #tpu.memory_space<vmem>>, vector<1x256xf32>
    %add3A_17 = vector.broadcast %get3A_16 : vector<1x256xf32> to vector<2000x256xf32>
    %add3A_18 = arith.addf %add3A, %add3A_17 : vector<2000x256xf32>
    %get3A_19 = arith.constant 0 : index
    %get3A_20 = arith.constant 0 : index
    %get3A_21 = vector.load %arg3[%get3A_19, %get3A_20] : memref<2000x256xf32, #tpu.memory_space<vmem>>, vector<2000x256xf32>
    %add3A_22 = arith.addf %add3A_18, %get3A_21 : vector<2000x256xf32>
    %swap3A = arith.constant 0 : index
    %swap3A_23 = arith.constant 0 : index
    %swap3A_24 = vector.load %arg7[%swap3A, %swap3A_23] : memref<2000x256xf32, #tpu.memory_space<vmem>>, vector<2000x256xf32>
    tpu.vector_store %arg7[%swap3A, %swap3A_23], %add3A_22 {strides = array<i32>} : memref<2000x256xf32, #tpu.memory_space<vmem>>, vector<2000x256xf32>,
    return
  }
  func.func @transform_0(%arg0: i32) -> (i32, i32) {
    %c0_i32 = arith.constant 0 : i32
    %c0_i32_0 = arith.constant 0 : i32
    return %arg0, %c0_i32 : i32, i32
  }
  func.func @transform_1(%arg0: i32) -> (i32, i32) {
    %c0_i32 = arith.constant 0 : i32
    %c0_i32_0 = arith.constant 0 : i32
    return %arg0, %c0_i32 : i32, i32
  }
  func.func @transform_2(%arg0: i32) -> (i32, i32) {
    %c0_i32 = arith.constant 0 : i32
    %c0_i32_0 = arith.constant 0 : i32
    return %arg0, %c0_i32 : i32, i32
  }
  func.func @transform_3(%arg0: i32) -> (i32, i32) {
    %c0_i32 = arith.constant 0 : i32
    %c0_i32_0 = arith.constant 0 : i32
    %c0_i32_1 = arith.constant 0 : i32
    return %c0_i32, %c0_i32_0 : i32, i32
  }
  func.func @transform_4(%arg0: i32) -> (i32, i32) {
    %c0_i32 = arith.constant 0 : i32
    %c0_i32_0 = arith.constant 0 : i32
    %c0_i32_1 = arith.constant 0 : i32
    return %c0_i32, %c0_i32_0 : i32, i32
  }
  func.func @transform_5(%arg0: i32) -> (i32, i32) {
    %c0_i32 = arith.constant 0 : i32
    %c0_i32_0 = arith.constant 0 : i32
    %c0_i32_1 = arith.constant 0 : i32
    return %c0_i32, %c0_i32_0 : i32, i32
  }
  func.func @transform_6(%arg0: i32) -> (i32, i32) {
    %c0_i32 = arith.constant 0 : i32
    %c0_i32_0 = arith.constant 0 : i32
    return %arg0, %c0_i32 : i32, i32
  }
}

</mosaic_0001>

<sc_bundles>
// kernel: kernel.5.cloned.1.call-start
scs
__scs_entry_jumppad:
0x0: {  	(pc) =	sbr.rel $0x88, $3  }
0x1: {  	(tag) =	ssettag $0x0;
	lr =	simm.s32 $0x1  }
0x2: {  	[smem:$0x3F97] =	sst lr;
	_ =	strace $0xD0000000  }
0x3: {  	_ = 	snop  }
0x4: {  	_ = 	snop  }
0x5: {  	_ = 	snop  }
0x6: {  	_ = 	snop  }
0x7: {  	_ = 	snop  }
__scs_overlays_trampoline_lowered:
0x8: {  	[smem:$0x3FA6] =	sst s0  }
0x9: {  	[smem:$0x3FA7] =	sst s1  }
0xa: {  	[smem:$0x3FA8] =	sst s2  }
0xb: {  	[smem:$0x3FA9] =	sst s3  }
0xc: {  	[smem:$0x3FAA] =	sst s4  }
0xd: {  	[smem:$0x3FAB] =	sst s5  }
0xe: {  	[smem:$0x3FAC] =	sst s6  }
0xf: {  	[smem:$0x3FAD] =	sst s7  }
0x10: {  	[smem:$0x3FAE] =	sst s8  }
0x11: {  	[smem:$0x3FAF] =	sst s9;
	s0 =	simm.s32 @!p0 $0x0  }
0x12: {  	s1 =	sld [smem:$0x3F95];
	s0 =	simm.s32 @p0 $0x1  }
0x13: {  	[smem:$0x3FB0] =	sst s0;
	s0 =	simm.s32 @!p1 $0x0  }
0x14: {  	s2 =	sld [smem:$0x3F94];
	s0 =	simm.s32 @p1 $0x1  }
0x15: {  	[smem:$0x3FB1] =	sst s0;
	s0 =	simm.s32 @!p2 $0x0  }
0x16: {  	s3 =	sld [smem:$0x3FDB];
	s0 =	simm.s32 @p2 $0x1  }
0x17: {  	s4 =	simm.s32 $0x1BF5;
	[smem:$0x3FB3] =	sst s0  }
0x18: {  	s0 =	sld [smem:$0x3F96];
	_ =	swait.ge [sflag:s4], $0x0  }
0x19: {  	s7 =	sld [smem:$0x3F97]  }
0x1a: {  	s8 =	sadd.s32 $0xFFFFE003, lr  }
0x1b: {  	s9 =	sadd.s32 $0xFFFFFEF7, lr;
	s5 =	simm.s32 $0xFFFFFFFF;
	p2 =	slt.u32 s8, $0xFFFFF086  }
0x1c: {  	p1 =	slt.u32 s9, $0xF7A;
	s5 =	simm.s32 @!p2 $0x0  }
0x1d: {  	s5 =	simm.s32 @p1 $0x1;
	p0 =	seq.s32 s7, s2  }
0x1e: {  	s7 =	smul.u32 @!p0 $0xF7A, s2;
	p2 =	seq.s32 @!p0 s5, $0x0  }
0x1f: {  	s9 =	smul.u32 $0xF7A, s1;
	s8 =	simm.s32 @!p0 $0x1BF5;
	p2 =	por !p2, p0  }
0x20: {  	[sflag:s8] =	ssyncset.s32 @!p0 $0xFFFFF086;
	s6 =	sadd.s32 @!p0 s3, s7;
	s7 =	simm.s32 @!p0 $0x108  }
0x21: {  	s3 =	sadd.s32 s3, s9;
	s6 =	sadd.s32 @!p0 $0x88, s6;
	s7 =	simm.s32 @p2 $0x1082  }
0x22: {  	[simem:s7], [sflag:s8] =	dma.local @!p0 [hbm:s6], $0xF7A  }
0x23: {  	s9 =	sor.u32 $0xD0000000, s2;
	s6 =	simm.s32 $0x108;
	_ =	swait.ge @!p0 [sflag:s8], $0x0  }
0x24: {  	s3 =	sadd.s32 $0x88, s3;
	s6 =	simm.s32 @!p1 $0x1082;
	[sflag:s4] =	ssyncset.s32 $0xFFFFF086  }
0x25: {  	[simem:s6], [sflag:s4] =	dma.local [hbm:s3], $0xF7A  }
0x26: {  	[smem:$0x3F97] =	sst s1;
	(tag) =	ssettag s2;
	_ =	strace s9  }
0x27: {  	s1 =	sld [smem:$0x3FA7]  }
0x28: {  	s2 =	sld [smem:$0x3FA8]  }
0x29: {  	s4 =	sld [smem:$0x3FAA]  }
0x2a: {  	p0 =	seq.s32 s5, $0x0;
	s5 =	sld [smem:$0x3FAB]  }
0x2b: {  	s6 =	sld [smem:$0x3FAC]  }
0x2c: {  	s7 =	sld [smem:$0x3FAD]  }
0x2d: {  	s3 =	simm.s32 $0x108;
	s8 =	sld [smem:$0x3FAE]  }
0x2e: {  	s3 =	simm.s32 @!p0 $0x1082;
	s9 =	sld [smem:$0x3FAF]  }
0x2f: {  	lr =	sadd.s32 s0, s3;
	s0 =	sld [smem:$0x3FA6]  }
0x30: {  	s3 =	sld [smem:$0x3FA9]  }
0x31: {  	[smem:$0x3FB2] =	sst s10  }
0x32: {  	s10 =	sld [smem:$0x3FB0];
	_ =	sdelay $0x3  }
0x33: {  	p0 =	seq.s32 s10, $0x1;
	s10 =	sld [smem:$0x3FB2];
	_ =	sdelay $0x3  }
0x34: {  	[smem:$0x3FB2] =	sst s10  }
0x35: {  	s10 =	sld [smem:$0x3FB1];
	_ =	sdelay $0x3  }
0x36: {  	p1 =	seq.s32 s10, $0x1;
	s10 =	sld [smem:$0x3FB2];
	_ =	sdelay $0x3  }
0x37: {  	[smem:$0x3FB2] =	sst s10  }
0x38: {  	s10 =	sld [smem:$0x3FB3]  }
0x39: {  	_ = 	snop;
	(pc) =	sbr.ind lr, $3  }
0x3a: {  	_ = 	snop  }
0x3b: {  	_ = 	snop  }
0x3c: {  	p2 =	seq.s32 s10, $0x1;
	s10 =	sld [smem:$0x3FB2]  }
0x3d: {  	_ =	shalt  }
0x3e: {  	_ =	shalt  }
0x3f: {  	_ =	shalt  }
0x40: {  	_ =	shalt  }
0x41: {  	_ =	shalt  }
0x42: {  	_ =	shalt  }
0x43: {  	_ =	shalt  }
0x44: {  	_ =	shalt  }
0x45: {  	_ =	shalt  }
0x46: {  	_ =	shalt  }
0x47: {  	_ =	shalt  }
0x48: {  	_ =	shalt  }
0x49: {  	_ =	shalt  }
0x4a: {  	_ =	shalt  }
0x4b: {  	_ =	shalt  }
0x4c: {  	_ =	shalt  }
0x4d: {  	_ =	shalt  }
0x4e: {  	_ =	shalt  }
0x4f: {  	_ =	shalt  }
0x50: {  	_ =	shalt  }
0x51: {  	_ =	shalt  }
0x52: {  	_ =	shalt  }
0x53: {  	_ =	shalt  }
0x54: {  	_ =	shalt  }
0x55: {  	_ =	shalt  }
0x56: {  	_ =	shalt  }
0x57: {  	_ =	shalt  }
0x58: {  	_ =	shalt  }
0x59: {  	_ =	shalt  }
0x5a: {  	_ =	shalt  }
0x5b: {  	_ =	shalt  }
0x5c: {  	_ =	shalt  }
0x5d: {  	_ =	shalt  }
0x5e: {  	_ =	shalt  }
0x5f: {  	_ =	shalt  }
0x60: {  	_ =	shalt  }
0x61: {  	_ =	shalt  }
0x62: {  	_ =	shalt  }
0x63: {  	_ =	shalt  }
0x64: {  	_ =	shalt  }
0x65: {  	_ =	shalt  }
0x66: {  	_ =	shalt  }
0x67: {  	_ =	shalt  }
0x68: {  	_ =	shalt  }
0x69: {  	_ =	shalt  }
0x6a: {  	_ =	shalt  }
0x6b: {  	_ =	shalt  }
0x6c: {  	_ =	shalt  }
0x6d: {  	_ =	shalt  }
0x6e: {  	_ =	shalt  }
0x6f: {  	_ =	shalt  }
0x70: {  	_ =	shalt  }
0x71: {  	_ =	shalt  }
0x72: {  	_ =	shalt  }
0x73: {  	_ =	shalt  }
0x74: {  	_ =	shalt  }
0x75: {  	_ =	shalt  }
0x76: {  	_ =	shalt  }
0x77: {  	_ =	shalt  }
0x78: {  	_ =	shalt  }
0x79: {  	_ =	shalt  }
0x7a: {  	_ =	shalt  }
0x7b: {  	_ =	shalt  }
0x7c: {  	_ =	shalt  }
0x7d: {  	_ =	shalt  }
0x7e: {  	_ =	shalt  }
0x7f: {  	_ =	shalt  }
0x80: {  	_ =	shalt  }
0x81: {  	_ =	shalt  }
0x82: {  	_ =	shalt  }
0x83: {  	_ =	shalt  }
0x84: {  	_ =	shalt  }
0x85: {  	_ =	shalt  }
0x86: {  	_ =	shalt  }
0x87: {  	_ =	shalt  }
.Lfunc_end0:
.L_simem_size_0:
called_computation_lowered:
.L_overlay_start_0:
0x88: {  	s2 =	sld [smem:$0x3FD9]  }
0x89: {  	s3 =	sld [smem:$0x3FFE];
	_ =	sdelay $0x1  }
0x8a: {  	s1 =	srdreg.scid  }
0x8b: {  	s0 =	sand.u32 $0x1, s1  }
0x8c: {  	s17 =	sshll.u32 s0, $0xA;
	s2 =	sadd.s32 s3, s2  }
0x8d: {  	s2 =	sadd.s32 s2, s17  }
0x8e: {  	[smem:$0x3FBE] =	sst s2  }
0x8f: {  	_ = 	snop  }
0x90: {  	s2 =	sld [smem:$0x3FD0];
	(tm) =	ssettm $0x1  }
0x91: {  	s18 =	sld [smem:$0x3FFB];
	_ =	sdelay $0x3  }
0x92: {  	_ =	strace s18  }
0x93: {  	s3 =	sld [smem:$0x3FFC];
	_ =	sdelay $0x3  }
0x94: {  	_ =	strace s3  }
0x95: {  	s3 =	sld [smem:$0x3FFD];
	_ =	sdelay $0x3  }
0x96: {  	_ =	strace s3  }
0x97: {  	_ =	strace $0x8FFFFFFF  }
0x98: {  	s19 =	sld [smem:$0x3FDB];
	_ =	sdelay $0x1  }
0x99: {  	s4 =	simm.s32 $_scs_section_size  }
0x9a: {  	s5 =	simm.s32 $_size__tile_overlayer_lowered;
	s6 =	simm.s32 $_tile_overlayer_lowered  }
0x9b: {  	s22 =	simm.s32 $0x1BFF;
	s21 =	sshll.u32 s6, $0x1;
	s3 =	sadd.s32 s4, s19  }
0x9c: {  	s7 =	simm.s32 $0x0;
	s20 =	sshll.u32 s5, $0x1;
	s5 =	sadd.s32 s21, s3  }
0x9d: {  	[timem:s7], [sflag:s22] =	dma.local [hbm:s5], s20  }
0x9e: {  	_ =	swait.ge [sflag:s22], s20  }
0x9f: {  	s4 =	ssub.s32 $0x0, s20;
	[sflag:s22] =	ssyncset.done $0x0  }
0xa0: {  	[sflag:s22] =	ssyncadd.s32 s4;
	_ =	sdelay $0x1  }
0xa1: {  	s23 =	simm.s32 $0x1B8B  }
0xa2: {  	_ =	swait.ge [sflag:s23], $0x1  }
0xa3: {  	[sflag:s23] =	ssyncset.done $0x0  }
0xa4: {  	s25 =	simm.s32 $0x1B8E;
	s24 =	sld [smem:$0x3FFE];
	[sflag:s23] =	ssyncadd.s32 $0xFFFFFFFF  }
0xa5: {  	s26 =	simm.s32 $execute0_lowered;
	[smem:$0x3FD2] =	sst s25  }
0xa6: {  	s5 =	sshll.u32 s26, $0x1;
	_ =	strace $0x80000046;
	[dreg:$0x1] =	wrdreg $0xFFFFFFFF  }
0xa7: {  	s28 =	simm.s32 $_size_execute0_lowered;
	s3 =	sadd.s32 s3, s5;
	[dreg:$0x0] =	wrdreg $0x0  }
0xa8: {  	s5 =	sshll.u32 s28, $0x1;
	[dreg:$0x2] =	wrdreg s3  }
0xa9: {  	[dreg:$0x3] =	wrdreg s5  }
0xaa: {  	[dreg:$0x4] =	wrdreg $0xC0  }
0xab: {  	_ =	task [dreg:s7], $0x5FFFF  }
0xac: {  	[dreg:$0x1] =	wrdreg $0xFFFFFFFF  }
0xad: {  	[dreg:$0x0] =	wrdreg $0x60  }
0xae: {  	[dreg:$0x2] =	wrdreg s24  }
0xaf: {  	[dreg:$0x3] =	wrdreg s2  }
0xb0: {  	[dreg:$0x4] =	wrdreg $0x9  }
0xb1: {  	_ =	task.clear_ibuf [dreg:s7], $0x5FFFF;
	_ =	strace $0x90000046  }
0xb2: {  	s29 =	simm.s32 $0x9;
	_ =	strace $0x80000048  }
0xb3: {  	_ =	swait.ge [sflag:s29], $0x1  }
0xb4: {  	[sflag:s29] =	ssyncadd.s32 $0xFFFFFFFF  }
0xb5: {  	_ =	strace $0x90000048  }
0xb6: {  	_ =	sfence  }
0xb7: {  	s30 =	sld [smem:$0x0];
	_ =	sdelay $0x2  }
0xb8: {  	s31 =	sshll.u32 s1, $0xD;
	s1 =	sshrl.u32 s1, $0x2  }
0xb9: {  	s3 =	sand.u32 $0x4000, s31;
	s1 =	sadd.s32 s1, s30  }
0xba: {  	s0 =	sor.u32 s3, s0;
	s1 =	sshll.u32 s1, $0x11  }
0xbb: {  	s0 =	sor.u32 s1, s0  }
0xbc: {  	s0 =	sadd.s32 $0x8F2B, s0  }
0xbd: {  	[sflag:s0] =	ssyncadd.remote.s32 $0x1  }
0xbe: {  	_ =	sfence.sel $0xFFFF  }
0xbf: {  	[dreg:$0x0] =	wrdreg $0xFFFFFFFF;
	(pc) =	sbr.abs _section_cstart, $3  }
0xc0: {  	[dreg:$0x1] =	wrdreg $0xFFFFFFFF  }
0xc1: {  	_ =	task.clear_ibuf [dreg:s7], $0x2FFFF;
	_ =	strace $0x9FFFFFFF  }
0xc2: {  	(tm) =	ssettm $0x7FFFFFFF  }
0xc3: {  	_ =	shalt  }
tec
execute0_lowered:
.L_overlay_start_1:
0x0: {  	(tag) =	ssettag $0x1  }
0x1: {  	s0 =	rddreg [dreg:$0x0]  }
0x2: {  	s5 =	rddreg [dreg:$0x1];
	s3 =	simm.s32 $0x0;
	s1 =	srdreg.scid  }
0x3: {  	s2 =	stileid.u32;
	s17 =	simm.s32 $0x1900;
	s19 =	simm.s32 $0x80  }
0x4: {  	s31 =	simm.s32 $0x2580;
	s20 =	simm.s32 $0x1;
	[smem:$0x7FF] =	sst s3  }
0x5: {  	s1 =	sand.u32 $0x1, s1;
	s4 =	sshll.u32 s2, $0x1;
	s22 =	sadd.s32 $0x1A00, s0  }
0x6: {  	s6 =	sadd.s32 $0x13A200, s0;
	_ =	strace $0x80000047;
	s8 =	sor.u32 s1, s4  }
0x7: {  	s4 =	sadd.s32 $0x9DE00, s0;
	[dreg:$0x4] =	wrdreg s6;
	s10 =	smul.u32 $0x4E20, s8  }
0x8: {  	s0 =	sadd.s32 $0x1D6600, s0;
	[dreg:$0x3] =	wrdreg s22;
	s24 =	smul.u32 $0x4E2, s8  }
0x9: {  	s2 =	simm.s32 $0x0;
	s23 =	ssub.s32 $0x2, s1;
	[dreg:$0x5] =	wrdreg s0  }
0xa: {  	s9 =	smul.u32 $0x27100, s8;
	s7 =	sadd.s32 s5, s10;
	[dreg:$0x6] =	wrdreg s24  }
0xb: {  	s1 =	sshrl.u32 s23, $0x1;
	s26 =	sadd.s32 s22, s10;
	[dreg:$0x7] =	wrdreg s7  }
0xc: {  	s0 =	ssub.s32 s23, s1;
	s28 =	sadd.s32 $0x19, s24;
	[dreg:$0x8] =	wrdreg s26  }
0xd: {  	s9 =	sshrl.u32 s9, $0x3;
	s29 =	sadd.s32 $0x32, s24;
	[dreg:$0xb] =	wrdreg s28  }
.Ltmp0:
0xe: {  	s30 =	sadd.s32 $0x4B, s24;
	[dreg:$0xc] =	wrdreg s29;
	(pc) =	sbr.rel .LBB2_1-.Ltmp0, $4  }
0xf: {  	s0 =	smax.u32 s0, $0x1;
	s25 =	sadd.s32 $0x190, s9;
	[dreg:$0xd] =	wrdreg s30  }
0x10: {  	s23 =	simm.s32 $0x2;
	[dreg:$0xe] =	wrdreg s0;
	s5 =	sadd.s32 s5, s25  }
0x11: {  	s0 =	simm.s32 $0x4;
	s1 =	sadd.s32 s22, s25;
	[dreg:$0x9] =	wrdreg s5  }
0x12: {  	s26 =	simm.s32 $0x6;
	[dreg:$0xa] =	wrdreg s1;
	s5 =	simm.s32 $0xC80  }
.LBB2_16:
0x13: {  	s1 =	simm.s32 $0x5  }
0x14: {  	_ =	swait.ge [sflag:s1], $0xC80  }
0x15: {  	[sflag:s1] =	ssyncset.done $0x0  }
0x16: {  	[sflag:s1] =	ssyncadd.s32 $0xFFFFF380  }
0x17: {  	_ =	swait.ge [sflag:s1], $0xC80  }
0x18: {  	[sflag:s1] =	ssyncset.done $0x0  }
0x19: {  	[sflag:s1] =	ssyncadd.s32 $0xFFFFF380  }
0x1a: {  	_ =	swait.ge [sflag:s26], $0xC80  }
0x1b: {  	[sflag:s26] =	ssyncset.done $0x0  }
0x1c: {  	[sflag:s26] =	ssyncadd.s32 $0xFFFFF380  }
0x1d: {  	_ =	swait.ge [sflag:s26], $0xC80  }
0x1e: {  	s2 =	rddreg [dreg:$0xf]  }
0x1f: {  	s30 =	rddreg [dreg:$0xe];
	s2 =	sadd.s32 $0x1, s2  }
0x20: {  	p0 =	sne.s32 s2, s30  }
.Ltmp1:
0x21: {  	_ = 	snop;
	(pc) =	sbr.rel @!p0 .LBB2_17-.Ltmp1, $3  }
0x22: {  	_ =	sdelay $0x1  }
0x23: {  	[sflag:s26] =	ssyncset.done $0x0  }
0x24: {  	s5 =	simm.s32 $0xC80;
	[sflag:s26] =	ssyncadd.s32 $0xFFFFF380  }
.LBB2_1:
0x25: {  	[dreg:$0xf] =	wrdreg s2  }
0x26: {  	s1 =	rddreg [dreg:$0x7]  }
0x27: {  	[tilespmem:s3], [sflag:$0x3] =	stream.linear.gather [hbm4b:s1+s3], $0xC80, $0x38;
	[tilespmem:$0x1F400] =	vst v63  }
0x28: {  	s8 =	rddreg [dreg:$0x8];
	s9 =	simm.s32 $0x3  }
0x29: {  	[tilespmem:s17], [sflag:$0x3] =	stream.linear.gather [hbm4b:s8+s3], $0xC80, $0x38;
	[tilespmem:$0x1F400] =	vst v63  }
0x2a: {  	_ =	swait.ge [sflag:s9], $0xC80  }
0x2b: {  	[sflag:s9] =	ssyncset.done $0x0  }
0x2c: {  	[sflag:s9] =	ssyncadd.s32 $0xFFFFF380  }
0x2d: {  	_ =	swait.ge [sflag:s9], $0xC80  }
0x2e: {  	[sflag:s9] =	ssyncset.done $0x0  }
0x2f: {  	s10 =	simm.s32 $0x3200;
	[sflag:s9] =	ssyncadd.s32 $0xFFFFF380  }
0x30: {  	[tilespmem:s10], [sflag:$0x1] =	stream.indirect.gather [hbm4b:s4+s19], $0x10, s3, s19, $0xb8;
	[tilespmem:$0x1F400] =	vst v63  }
0x31: {  	s11 =	simm.s32 $0x3A00  }
0x32: {  	[tilespmem:s11], [sflag:$0x1] =	stream.indirect.gather [hbm4b:s4+s19], $0x10, s19, s19, $0xb8;
	[tilespmem:$0x1F400] =	vst v63  }
0x33: {  	s12 =	simm.s32 $0x100;
	s13 =	simm.s32 $0x4200  }
0x34: {  	[tilespmem:s13], [sflag:$0x1] =	stream.indirect.gather [hbm4b:s4+s19], $0x10, s12, s19, $0xb8;
	[tilespmem:$0x1F400] =	vst v63  }
0x35: {  	s14 =	simm.s32 $0x180;
	s15 =	simm.s32 $0x4A00  }
0x36: {  	[tilespmem:s15], [sflag:$0x1] =	stream.indirect.gather [hbm4b:s4+s19], $0x10, s14, s19, $0xb8;
	[tilespmem:$0x1F400] =	vst v63  }
0x37: {  	s16 =	simm.s32 $0x200;
	s18 =	simm.s32 $0x5200  }
0x38: {  	[tilespmem:s18], [sflag:$0x1] =	stream.indirect.gather [hbm4b:s4+s19], $0x10, s16, s19, $0xb8;
	[tilespmem:$0x1F400] =	vst v63  }
0x39: {  	s21 =	simm.s32 $0x280;
	s22 =	simm.s32 $0x5A00  }
0x3a: {  	[tilespmem:s22], [sflag:$0x1] =	stream.indirect.gather [hbm4b:s4+s19], $0x10, s21, s19, $0xb8;
	[tilespmem:$0x1F400] =	vst v63  }
0x3b: {  	s24 =	simm.s32 $0x300;
	s25 =	simm.s32 $0x6200  }
0x3c: {  	[tilespmem:s25], [sflag:$0x1] =	stream.indirect.gather [hbm4b:s4+s19], $0x10, s24, s19, $0xb8;
	[tilespmem:$0x1F400] =	vst v63  }
0x3d: {  	s29 =	simm.s32 $0x380;
	s30 =	simm.s32 $0x6A00  }
0x3e: {  	[tilespmem:s30], [sflag:$0x1] =	stream.indirect.gather [hbm4b:s4+s19], $0x10, s29, s19, $0xb8;
	[tilespmem:$0x1F400] =	vst v63  }
0x3f: {  	s6 =	simm.s32 $0x400;
	s7 =	simm.s32 $0x7200  }
0x40: {  	[tilespmem:s7], [sflag:$0x1] =	stream.indirect.gather [hbm4b:s4+s19], $0x10, s6, s19, $0xb8;
	[tilespmem:$0x1F400] =	vst v63  }
0x41: {  	s8 =	simm.s32 $0x480;
	s9 =	simm.s32 $0x7A00  }
0x42: {  	[tilespmem:s9], [sflag:$0x1] =	stream.indirect.gather [hbm4b:s4+s19], $0x10, s8, s19, $0xb8;
	[tilespmem:$0x1F400] =	vst v63  }
0x43: {  	s10 =	simm.s32 $0x500;
	s11 =	simm.s32 $0x8200  }
0x44: {  	[tilespmem:s11], [sflag:$0x1] =	stream.indirect.gather [hbm4b:s4+s19], $0x10, s10, s19, $0xb8;
	[tilespmem:$0x1F400] =	vst v63  }
0x45: {  	s12 =	simm.s32 $0x580;
	s13 =	simm.s32 $0x8A00  }
0x46: {  	[tilespmem:s13], [sflag:$0x1] =	stream.indirect.gather [hbm4b:s4+s19], $0x10, s12, s19, $0xb8;
	[tilespmem:$0x1F400] =	vst v63  }
0x47: {  	s14 =	simm.s32 $0x600;
	s15 =	simm.s32 $0x9200  }
0x48: {  	[tilespmem:s15], [sflag:$0x1] =	stream.indirect.gather [hbm4b:s4+s19], $0x10, s14, s19, $0xb8;
	[tilespmem:$0x1F400] =	vst v63  }
0x49: {  	s16 =	simm.s32 $0x680;
	s18 =	simm.s32 $0x9A00  }
0x4a: {  	[tilespmem:s18], [sflag:$0x1] =	stream.indirect.gather [hbm4b:s4+s19], $0x10, s16, s19, $0xb8;
	[tilespmem:$0x1F400] =	vst v63  }
0x4b: {  	s21 =	simm.s32 $0x700;
	s22 =	simm.s32 $0xA200  }
0x4c: {  	[tilespmem:s22], [sflag:$0x1] =	stream.indirect.gather [hbm4b:s4+s19], $0x10, s21, s19, $0xb8;
	[tilespmem:$0x1F400] =	vst v63  }
0x4d: {  	s24 =	simm.s32 $0x780;
	s25 =	simm.s32 $0xAA00  }
0x4e: {  	[tilespmem:s25], [sflag:$0x1] =	stream.indirect.gather [hbm4b:s4+s19], $0x10, s24, s19, $0xb8;
	[tilespmem:$0x1F400] =	vst v63  }
0x4f: {  	s29 =	simm.s32 $0x800;
	s30 =	simm.s32 $0xB200  }
0x50: {  	[tilespmem:s30], [sflag:$0x1] =	stream.indirect.gather [hbm4b:s4+s19], $0x10, s29, s19, $0xb8;
	[tilespmem:$0x1F400] =	vst v63  }
0x51: {  	s6 =	simm.s32 $0x880;
	s7 =	simm.s32 $0xBA00  }
0x52: {  	[tilespmem:s7], [sflag:$0x1] =	stream.indirect.gather [hbm4b:s4+s19], $0x10, s6, s19, $0xb8;
	[tilespmem:$0x1F400] =	vst v63  }
0x53: {  	s8 =	simm.s32 $0x900;
	s9 =	simm.s32 $0xC200  }
0x54: {  	[tilespmem:s9], [sflag:$0x1] =	stream.indirect.gather [hbm4b:s4+s19], $0x10, s8, s19, $0xb8;
	[tilespmem:$0x1F400] =	vst v63  }
0x55: {  	s10 =	simm.s32 $0x980;
	s11 =	simm.s32 $0xCA00  }
0x56: {  	[tilespmem:s11], [sflag:$0x1] =	stream.indirect.gather [hbm4b:s4+s19], $0x10, s10, s19, $0xb8;
	[tilespmem:$0x1F400] =	vst v63  }
0x57: {  	s12 =	simm.s32 $0xA00;
	s13 =	simm.s32 $0xD200  }
0x58: {  	[tilespmem:s13], [sflag:$0x1] =	stream.indirect.gather [hbm4b:s4+s19], $0x10, s12, s19, $0xb8;
	[tilespmem:$0x1F400] =	vst v63  }
0x59: {  	s14 =	simm.s32 $0xA80;
	s15 =	simm.s32 $0xDA00  }
0x5a: {  	[tilespmem:s15], [sflag:$0x1] =	stream.indirect.gather [hbm4b:s4+s19], $0x10, s14, s19, $0xb8;
	[tilespmem:$0x1F400] =	vst v63  }
0x5b: {  	s16 =	simm.s32 $0xB00;
	s18 =	simm.s32 $0xE200  }
0x5c: {  	[tilespmem:s18], [sflag:$0x1] =	stream.indirect.gather [hbm4b:s4+s19], $0x10, s16, s19, $0xb8;
	[tilespmem:$0x1F400] =	vst v63  }
0x5d: {  	s21 =	simm.s32 $0xB80;
	s22 =	simm.s32 $0xEA00  }
0x5e: {  	[tilespmem:s22], [sflag:$0x1] =	stream.indirect.gather [hbm4b:s4+s19], $0x10, s21, s19, $0xb8;
	[tilespmem:$0x1F400] =	vst v63  }
0x5f: {  	s24 =	simm.s32 $0xC00;
	s25 =	simm.s32 $0xF200  }
0x60: {  	[tilespmem:s25], [sflag:$0x1] =	stream.indirect.gather [hbm4b:s4+s19], $0x10, s24, s19, $0xb8;
	[tilespmem:$0x1F400] =	vst v63  }
0x61: {  	s29 =	rddreg [dreg:$0x9]  }
0x62: {  	[tilespmem:s5], [sflag:$0x4] =	stream.linear.gather [hbm4b:s29+s3], $0xC80, $0x38;
	[tilespmem:$0x1F400] =	vst v63  }
0x63: {  	s28 =	simm.s32 $0x0;
	s30 =	rddreg [dreg:$0xa]  }
0x64: {  	[tilespmem:s31], [sflag:$0x4] =	stream.linear.gather [hbm4b:s30+s3], $0xC80, $0x38;
	[tilespmem:$0x1F400] =	vst v63  }
.LBB2_2:
0x65: {  	_ =	swait.ge [sflag:s0], $0xC80  }
0x66: {  	[sflag:s0] =	ssyncset.done $0x0  }
0x67: {  	[sflag:s0] =	ssyncadd.s32 $0xFFFFF380  }
0x68: {  	_ =	swait.ge [sflag:s0], $0xC80  }
0x69: {  	[sflag:s0] =	ssyncset.done $0x0  }
0x6a: {  	s1 =	simm.s32 $0xFA00;
	[sflag:s0] =	ssyncadd.s32 $0xFFFFF380  }
0x6b: {  	[tilespmem:s1], [sflag:$0x2] =	stream.indirect.gather [hbm4b:s4+s19], $0x10, s5, s19, $0xb8;
	[tilespmem:$0x1F400] =	vst v63  }
0x6c: {  	s12 =	simm.s32 $0xD00;
	s2 =	simm.s32 $0x10200  }
0x6d: {  	[tilespmem:s2], [sflag:$0x2] =	stream.indirect.gather [hbm4b:s4+s19], $0x10, s12, s19, $0xb8;
	[tilespmem:$0x1F400] =	vst v63  }
0x6e: {  	s13 =	simm.s32 $0xD80;
	s14 =	simm.s32 $0x10A00  }
0x6f: {  	[tilespmem:s14], [sflag:$0x2] =	stream.indirect.gather [hbm4b:s4+s19], $0x10, s13, s19, $0xb8;
	[tilespmem:$0x1F400] =	vst v63  }
0x70: {  	s15 =	simm.s32 $0xE00;
	s16 =	simm.s32 $0x11200  }
0x71: {  	[tilespmem:s16], [sflag:$0x2] =	stream.indirect.gather [hbm4b:s4+s19], $0x10, s15, s19, $0xb8;
	[tilespmem:$0x1F400] =	vst v63  }
0x72: {  	s18 =	simm.s32 $0xE80;
	s21 =	simm.s32 $0x11A00  }
0x73: {  	[tilespmem:s21], [sflag:$0x2] =	stream.indirect.gather [hbm4b:s4+s19], $0x10, s18, s19, $0xb8;
	[tilespmem:$0x1F400] =	vst v63  }
0x74: {  	s22 =	simm.s32 $0xF00;
	s24 =	simm.s32 $0x12200  }
0x75: {  	[tilespmem:s24], [sflag:$0x2] =	stream.indirect.gather [hbm4b:s4+s19], $0x10, s22, s19, $0xb8;
	[tilespmem:$0x1F400] =	vst v63  }
0x76: {  	s25 =	simm.s32 $0xF80;
	s30 =	simm.s32 $0x12A00  }
0x77: {  	[tilespmem:s30], [sflag:$0x2] =	stream.indirect.gather [hbm4b:s4+s19], $0x10, s25, s19, $0xb8;
	[tilespmem:$0x1F400] =	vst v63  }
0x78: {  	s6 =	simm.s32 $0x13200;
	s5 =	simm.s32 $0x1000  }
0x79: {  	[tilespmem:s6], [sflag:$0x2] =	stream.indirect.gather [hbm4b:s4+s19], $0x10, s5, s19, $0xb8;
	[tilespmem:$0x1F400] =	vst v63  }
0x7a: {  	s7 =	simm.s32 $0x1080;
	s8 =	simm.s32 $0x13A00  }
0x7b: {  	[tilespmem:s8], [sflag:$0x2] =	stream.indirect.gather [hbm4b:s4+s19], $0x10, s7, s19, $0xb8;
	[tilespmem:$0x1F400] =	vst v63  }
0x7c: {  	s9 =	simm.s32 $0x1100;
	s10 =	simm.s32 $0x14200  }
0x7d: {  	[tilespmem:s10], [sflag:$0x2] =	stream.indirect.gather [hbm4b:s4+s19], $0x10, s9, s19, $0xb8;
	[tilespmem:$0x1F400] =	vst v63  }
0x7e: {  	s11 =	simm.s32 $0x1180;
	s12 =	simm.s32 $0x14A00  }
0x7f: {  	[tilespmem:s12], [sflag:$0x2] =	stream.indirect.gather [hbm4b:s4+s19], $0x10, s11, s19, $0xb8;
	[tilespmem:$0x1F400] =	vst v63  }
0x80: {  	s13 =	simm.s32 $0x1200;
	s14 =	simm.s32 $0x15200  }
0x81: {  	[tilespmem:s14], [sflag:$0x2] =	stream.indirect.gather [hbm4b:s4+s19], $0x10, s13, s19, $0xb8;
	[tilespmem:$0x1F400] =	vst v63  }
0x82: {  	s15 =	simm.s32 $0x1280;
	s16 =	simm.s32 $0x15A00  }
0x83: {  	[tilespmem:s16], [sflag:$0x2] =	stream.indirect.gather [hbm4b:s4+s19], $0x10, s15, s19, $0xb8;
	[tilespmem:$0x1F400] =	vst v63  }
0x84: {  	s18 =	simm.s32 $0x1300;
	s21 =	simm.s32 $0x16200  }
0x85: {  	[tilespmem:s21], [sflag:$0x2] =	stream.indirect.gather [hbm4b:s4+s19], $0x10, s18, s19, $0xb8;
	[tilespmem:$0x1F400] =	vst v63  }
0x86: {  	s22 =	simm.s32 $0x1380;
	s24 =	simm.s32 $0x16A00  }
0x87: {  	[tilespmem:s24], [sflag:$0x2] =	stream.indirect.gather [hbm4b:s4+s19], $0x10, s22, s19, $0xb8;
	[tilespmem:$0x1F400] =	vst v63  }
0x88: {  	s25 =	simm.s32 $0x1400;
	s30 =	simm.s32 $0x17200  }
0x89: {  	[tilespmem:s30], [sflag:$0x2] =	stream.indirect.gather [hbm4b:s4+s19], $0x10, s25, s19, $0xb8;
	[tilespmem:$0x1F400] =	vst v63  }
0x8a: {  	s2 =	simm.s32 $0x1480;
	s5 =	simm.s32 $0x17A00  }
0x8b: {  	[tilespmem:s5], [sflag:$0x2] =	stream.indirect.gather [hbm4b:s4+s19], $0x10, s2, s19, $0xb8;
	[tilespmem:$0x1F400] =	vst v63  }
0x8c: {  	s6 =	simm.s32 $0x1500;
	s7 =	simm.s32 $0x18200  }
0x8d: {  	[tilespmem:s7], [sflag:$0x2] =	stream.indirect.gather [hbm4b:s4+s19], $0x10, s6, s19, $0xb8;
	[tilespmem:$0x1F400] =	vst v63  }
0x8e: {  	s8 =	simm.s32 $0x1580;
	s9 =	simm.s32 $0x18A00  }
0x8f: {  	[tilespmem:s9], [sflag:$0x2] =	stream.indirect.gather [hbm4b:s4+s19], $0x10, s8, s19, $0xb8;
	[tilespmem:$0x1F400] =	vst v63  }
0x90: {  	s10 =	simm.s32 $0x1600;
	s11 =	simm.s32 $0x19200  }
0x91: {  	[tilespmem:s11], [sflag:$0x2] =	stream.indirect.gather [hbm4b:s4+s19], $0x10, s10, s19, $0xb8;
	[tilespmem:$0x1F400] =	vst v63  }
0x92: {  	s12 =	simm.s32 $0x1680;
	s13 =	simm.s32 $0x19A00  }
0x93: {  	[tilespmem:s13], [sflag:$0x2] =	stream.indirect.gather [hbm4b:s4+s19], $0x10, s12, s19, $0xb8;
	[tilespmem:$0x1F400] =	vst v63  }
0x94: {  	s14 =	simm.s32 $0x1700;
	s15 =	simm.s32 $0x1A200  }
0x95: {  	[tilespmem:s15], [sflag:$0x2] =	stream.indirect.gather [hbm4b:s4+s19], $0x10, s14, s19, $0xb8;
	[tilespmem:$0x1F400] =	vst v63  }
0x96: {  	s16 =	simm.s32 $0x1780;
	s18 =	simm.s32 $0x1AA00  }
0x97: {  	[tilespmem:s18], [sflag:$0x2] =	stream.indirect.gather [hbm4b:s4+s19], $0x10, s16, s19, $0xb8;
	[tilespmem:$0x1F400] =	vst v63  }
0x98: {  	p0 =	seq.s32 s28, $0x0;
	s21 =	simm.s32 $0x1800;
	s22 =	simm.s32 $0x1B200  }
0x99: {  	[tilespmem:s22], [sflag:$0x2] =	stream.indirect.gather [hbm4b:s4+s19], $0x10, s21, s19, $0xb8;
	[tilespmem:$0x1F400] =	vst v63  }
0x9a: {  	s1 =	simm.s32 @!p0 $0x5;
	s24 =	simm.s32 $0x1880;
	s25 =	simm.s32 $0x1BA00  }
0x9b: {  	[tilespmem:s25], [sflag:$0x2] =	stream.indirect.gather [hbm4b:s4+s19], $0x10, s24, s19, $0xb8;
	[tilespmem:$0x1F400] =	vst v63  }
0x9c: {  	_ =	swait.ge @!p0 [sflag:s1], $0xC80  }
0x9d: {  	[sflag:s1] =	ssyncset.done @!p0 $0x0  }
0x9e: {  	s29 =	smul.u32 $0x32, s28;
	s10 =	simm.s32 $0x0;
	[sflag:s1] =	ssyncadd.s32 @!p0 $0xFFFFF380  }
0x9f: {  	s11 =	simm.s32 $0x1C210;
	s12 =	simm.s32 $0x3600;
	_ =	swait.ge @!p0 [sflag:s1], $0xC80  }
0xa0: {  	s24 =	simm.s32 $0x1DB10;
	s30 =	rddreg [dreg:$0xb];
	[sflag:s1] =	ssyncset.done @!p0 $0x0  }
0xa1: {  	s25 =	simm.s32 $0x3700;
	s9 =	sadd.s32 s29, s30;
	[sflag:s1] =	ssyncadd.s32 @!p0 $0xFFFFF380  }
.LBB2_3:
0xa2: {  	s1 =	sshll.u32 s10, $0x7;
	_ =	swait.ge [sflag:s20], $0x800  }
0xa3: {  	s16 =	sadd.s32 $0x63, s1;
	[sflag:s20] =	ssyncset.done $0x0  }
0xa4: {  	s18 =	sadd.s32 $0xFFFFFF9D, s16;
	[sflag:s20] =	ssyncadd.s32 $0xFFFFF800  }
0xa5: {  	s30 =	sadd.s32 $0xFFFFFFDD, s16;
	s21 =	sadd.s32 $0xFFFFFFFE, s16;
	s2 =	sadd.s32 $0xFFFFFF9F, s16;
	v0 =	vmov s18;
	v1 =	vld [tilespmem:s12+$0x200]  }
0xa6: {  	s5 =	sadd.s32 $0xFFFFFFDE, s16;
	s22 =	sadd.s32 $0xFFFFFFBD, s16;
	s6 =	sadd.s32 $0xFFFFFFFD, s16;
	v2 =	vmov s30;
	v7 =	vld [tilespmem:s12+$0x30];
	v4 =	vmov s21;
	v5 =	vmov s2  }
0xa7: {  	s7 =	sadd.s32 $0xFFFFFFDF, s16;
	s8 =	sadd.s32 $0xFFFFFF9E, s16;
	v6 =	vld [tilespmem:s12+$0xFFFFFE10];
	v9 =	vmov s22;
	v10 =	vmov s5;
	v12 =	vmov s6  }
0xa8: {  	s13 =	sadd.s32 $0xFFFFFFBE, s16;
	v8 =	vld [tilespmem:s12+$0xFFFFFE00];
	v14 =	vmov s7;
	v16 =	vmov s8;
	v0 =	vand.u32 $0xFFFFFFFC, v0  }
0xa9: {  	s14 =	sadd.s32 $0xFFFFFFBF, s16;
	v11 =	vld [tilespmem:s12+$0x10];
	v17 =	vmov s13;
	v16 =	vand.u32 $0xFFFFFFFD, v16;
	v3 =	vbroadcast v0, $0x0  }
0xaa: {  	s15 =	sadd.s32 $0xFFFFFFE0, s16;
	v13 =	vld [tilespmem:s12+$0xFFFFFC10];
	v19 =	vmov s14;
	v2 =	vand.u32 $0xFFFFFFFC, v2;
	v16 =	vbroadcast v16, $0x0  }
0xab: {  	v18 =	vld [tilespmem:s12+$0x0];
	v21 =	vmov s15;
	v4 =	vand.u32 $0xFFFFFFFD, v4;
	v2 =	vbroadcast v2, $0x0  }
0xac: {  	v20 =	vld [tilespmem:s12+$0xFFFFFC20];
	v5 =	vand.u32 $0xFFFFFFFE, v5;
	v10 =	vand.u32 $0xFFFFFFFD, v10;
	v14 =	vand.u32 $0xFFFFFFFE, v14  }
0xad: {  	v26 =	vld [tilespmem:s12+$0x20];
	v9 =	vand.u32 $0xFFFFFFFC, v9;
	v17 =	vand.u32 $0xFFFFFFFD, v17;
	v5 =	vbroadcast v5, $0x0  }
0xae: {  	s22 =	sadd.s32 $0xFFFFFFA0, s16;
	v12 =	vand.u32 $0xFFFFFFFC, v12;
	v15 =	vbroadcast v4, $0x0;
	v4 =	vld [tilespmem:s12+$0xFFFFFC00];
	v10 =	vbroadcast v10, $0x0  }
0xaf: {  	s30 =	sadd.s32 $0xFFFFFFFF, s16;
	v19 =	vand.u32 $0xFFFFFFFE, v19;
	v22 =	vmov s22;
	v14 =	vbroadcast v14, $0x0;
	v3 =	vld.idx.msk [tilespmem:v3+s17+$0x0], $0xffff  }
0xb0: {  	v23 =	vmov s30;
	v0 =	vmov s16;
	v9 =	vbroadcast v9, $0x0;
	v16 =	vld.idx.msk [tilespmem:v16+s17+$0x0], $0xffff  }
0xb1: {  	v17 =	vbroadcast v17, $0x0;
	v12 =	vbroadcast v12, $0x0;
	s16 =	sadd.s32 $0xFFFFFFC0, s16;
	v23 =	vand.u32 $0xFFFFFFFE, v23;
	v2 =	vld.idx.msk [tilespmem:v2+s17+$0x0], $0xffff  }
0xb2: {  	v31 =	vld [tilespmem:s12+$0xFFFFFC30];
	v19 =	vbroadcast v19, $0x0;
	v24 =	vmov s16;
	v23 =	vbroadcast v23, $0x0  }
0xb3: {  	v27 =	vshll.u32 v13, $0x10;
	v30 =	vshll.u32 v6, $0x10;
	v25 =	vshll.u32 v4, $0x10;
	v5 =	vld.idx.msk [tilespmem:v5+s17+$0x0], $0xffff  }
0xb4: {  	v32 =	vshll.u32 v8, $0x10;
	v10 =	vld.idx.msk [tilespmem:v10+s17+$0x0], $0xffff;
	v25 =	vmul.f32 v25, v3;
	v3 =	vmul.f32 v4, v3  }
0xb5: {  	v14 =	vld.idx.msk [tilespmem:v14+s17+$0x0], $0xffff;
	v4 =	vshll.u32 v18, $0x10;
	v13 =	vmul.f32 v13, v16;
	v16 =	vmul.f32 v27, v16  }
0xb6: {  	v9 =	vld.idx.msk [tilespmem:v9+s17+$0x0], $0xffff;
	v4 =	vmul.f32 v4, v2;
	v2 =	vmul.f32 v18, v2;
	v18 =	vshll.u32 v1, $0x10  }
0xb7: {  	v21 =	vld.idx.msk [tilespmem:v21+s17+$0x0], $0xffff;
	v25 =	vadd.f32 $0.0e+00, v25;
	v28 =	vadd.f32 $0.0e+00, v3;
	v3 =	vshll.u32 v20, $0x10  }
0xb8: {  	v20 =	vmul.f32 v20, v5;
	v29 =	vmul.f32 v3, v5;
	v3 =	vld.idx.msk [tilespmem:v17+s17+$0x0], $0xffff;
	v17 =	vshll.u32 v11, $0x10  }
0xb9: {  	v4 =	vadd.f32 $0.0e+00, v4;
	v17 =	vmul.f32 v17, v10;
	v10 =	vmul.f32 v11, v10;
	v11 =	vld.idx.msk [tilespmem:v12+s17+$0x0], $0xffff  }
0xba: {  	v22 =	vld.idx.msk [tilespmem:v22+s17+$0x0], $0xffff;
	v2 =	vadd.f32 $0.0e+00, v2;
	v5 =	vshll.u32 v26, $0x10;
	v26 =	vmul.f32 v26, v14  }
0xbb: {  	v12 =	vld [tilespmem:s12+$0xFFFFFE20];
	v14 =	vmul.f32 v5, v14;
	v5 =	vmul.f32 v32, v9;
	v17 =	vadd.f32 v17, v4  }
0xbc: {  	v19 =	vld.idx.msk [tilespmem:v19+s17+$0x0], $0xffff;
	v2 =	vadd.f32 v10, v2;
	v10 =	vmul.f32 v7, v21;
	v7 =	vshll.u32 v7, $0x10  }
0xbd: {  	v4 =	vmul.f32 v30, v3;
	v3 =	vmul.f32 v6, v3;
	v14 =	vadd.f32 v14, v17;
	v17 =	vld.idx.msk [tilespmem:v15+s17+$0x0], $0xffff  }
0xbe: {  	v6 =	vmul.f32 v8, v9;
	v26 =	vadd.f32 v26, v2;
	v9 =	vmul.f32 v18, v11;
	v18 =	vld [tilespmem:s12+$0x210]  }
0xbf: {  	v61 =	vadd.f32 v13, v28;
	v13 =	vmul.f32 v31, v22;
	v21 =	vmul.f32 v7, v21;
	v8 =	vld.idx.msk [tilespmem:v23+s17+$0x0], $0xffff  }
0xc0: {  	v15 =	vshll.u32 v12, $0x10;
	v62 =	vmul.f32 v1, v11;
	v11 =	vld [tilespmem:s12+$0x220];
	v10 =	vadd.f32 v10, v26  }
0xc1: {  	v1 =	vshll.u32 v31, $0x10;
	v2 =	vmul.f32 v15, v19;
	v15 =	vadd.f32 v16, v25  }
0xc2: {  	v0 =	vld.idx.msk [tilespmem:v0+s17+$0x0], $0xffff;
	v7 =	vmul.f32 v12, v19;
	v22 =	vmul.f32 v1, v22;
	v19 =	vadd.f32 v62, v10  }
0xc3: {  	v1 =	vld [tilespmem:s12+$0xFFFFFE30];
	v12 =	vadd.f32 v29, v15;
	v63 =	vshll.u32 v18, $0x10;
	v18 =	vmul.f32 v18, v17  }
0xc4: {  	s21 =	smov.u32 s11;
	v16 =	vadd.f32 v21, v14;
	v10 =	vld [tilespmem:s12+$0x230];
	v15 =	vadd.f32 v20, v61;
	v14 =	vmul.f32 v63, v17  }
0xc5: {  	s18 =	smov.u32 s12;
	s22 =	simm.s32 $0x67;
	s16 =	smov.u32 s11;
	v17 =	vadd.f32 v22, v12;
	v12 =	vld.idx.msk [tilespmem:v24+s17+$0x0], $0xffff;
	v18 =	vadd.f32 v18, v19;
	v19 =	vmul.f32 v11, v8  }
.LBB2_4:
0xc6: {  	p0 =	sne.s32 s22, $0x6F;
	v13 =	vadd.f32 v13, v15;
	v9 =	vadd.f32 v9, v16;
	s21 =	sadd.s32 $0x20, s21;
	s18 =	sadd.s32 $0x40, s18  }
0xc7: {  	v11 =	vshll.u32 v11, $0x10;
	s15 =	smov.u32 s22;
	s22 =	sadd.s32 $0x4, s22;
	v5 =	vadd.f32 v5, v17;
	v15 =	vadd.f32 v19, v18  }
0xc8: {  	v8 =	vmul.f32 v11, v8;
	v6 =	vadd.f32 v6, v13;
	v9 =	vadd.f32 v14, v9  }
0xc9: {  	v4 =	vadd.f32 v4, v5;
	v5 =	vshll.u32 v10, $0x10  }
0xca: {  	v3 =	vadd.f32 v3, v6;
	v6 =	vshll.u32 v1, $0x10;
	v5 =	vmul.f32 v5, v0  }
0xcb: {  	v2 =	vadd.f32 v2, v4;
	v4 =	vmul.f32 v6, v12;
	v6 =	vadd.f32 v8, v9  }
0xcc: {  	v1 =	vmul.f32 v1, v12;
	v0 =	vmul.f32 v10, v0;
	v3 =	vadd.f32 v7, v3  }
0xcd: {  	v2 =	vadd.f32 v4, v2;
	v4 =	vadd.f32 v5, v6  }
0xce: {  	v0 =	vadd.f32 v0, v15;
	v1 =	vadd.f32 v1, v3  }
0xcf: {  	v2 =	vadd.f32 v4, v2  }
0xd0: {  	v0 =	vadd.f32 v0, v1  }
0xd1: {  	[tilespmem:s16+$0xFFFFFFF0] =	vst v2  }
0xd2: {  	s15 =	sadd.s32 s1, s15;
	[tilespmem:s16+$0x0] =	vst v0;
	s16 =	smov.u32 s21  }
0xd3: {  	s2 =	sadd.s32 $0xFFFFFF9D, s15;
	s8 =	sadd.s32 $0xFFFFFFDD, s15;
	s13 =	sadd.s32 $0xFFFFFFFE, s15;
	v0 =	vmov s15  }
0xd4: {  	s14 =	sadd.s32 $0xFFFFFF9F, s15;
	v3 =	vmov s8;
	s8 =	sadd.s32 $0xFFFFFFDE, s15;
	v4 =	vmov s13;
	v2 =	vmov s2;
	s2 =	sadd.s32 $0xFFFFFF9E, s15;
	v1 =	vld [tilespmem:s18+$0xFFFFFC30]  }
0xd5: {  	s30 =	sadd.s32 $0xFFFFFFBD, s15;
	s5 =	sadd.s32 $0xFFFFFFBE, s15;
	s13 =	sadd.s32 $0xFFFFFFA0, s15;
	v3 =	vand.u32 $0xFFFFFFFC, v3;
	v4 =	vand.u32 $0xFFFFFFFD, v4;
	v5 =	vand.u32 $0xFFFFFFFC, v2;
	v2 =	vld [tilespmem:s18+$0x200]  }
0xd6: {  	s6 =	sadd.s32 $0xFFFFFFE0, s15;
	s7 =	sadd.s32 $0xFFFFFFFD, s15;
	v6 =	vmov s30;
	s30 =	sadd.s32 $0xFFFFFFBF, s15;
	v3 =	vbroadcast v3, $0x0;
	v5 =	vbroadcast v5, $0x0;
	v7 =	vld [tilespmem:s18+$0x30]  }
0xd7: {  	v11 =	vmov s7;
	s7 =	sadd.s32 $0xFFFFFFFF, s15;
	v8 =	vmov s14;
	s14 =	sadd.s32 $0xFFFFFFC0, s15;
	v10 =	vmov s8;
	s8 =	sadd.s32 $0xFFFFFFDF, s15;
	v9 =	vld [tilespmem:s18+$0xFFFFFE10]  }
0xd8: {  	v8 =	vand.u32 $0xFFFFFFFE, v8;
	v13 =	vmov s8;
	v14 =	vbroadcast v4, $0x0;
	v12 =	vld [tilespmem:s18+$0xFFFFFE00]  }
0xd9: {  	v4 =	vbroadcast v8, $0x0;
	v8 =	vand.u32 $0xFFFFFFFD, v10;
	v13 =	vand.u32 $0xFFFFFFFE, v13;
	v10 =	vld [tilespmem:s18+$0x10]  }
0xda: {  	v6 =	vand.u32 $0xFFFFFFFC, v6;
	v15 =	vmov s2;
	v13 =	vbroadcast v13, $0x0;
	v16 =	vld [tilespmem:s18+$0xFFFFFC10]  }
0xdb: {  	v18 =	vmov s5;
	v6 =	vbroadcast v6, $0x0;
	v8 =	vbroadcast v8, $0x0;
	v17 =	vld [tilespmem:s18+$0xFFFFFC00]  }
0xdc: {  	v18 =	vand.u32 $0xFFFFFFFD, v18;
	v11 =	vand.u32 $0xFFFFFFFC, v11;
	v15 =	vand.u32 $0xFFFFFFFD, v15;
	v5 =	vld.idx.msk [tilespmem:v5+s17+$0x0], $0xffff  }
0xdd: {  	v18 =	vbroadcast v18, $0x0;
	v11 =	vbroadcast v11, $0x0;
	v19 =	vmov s30;
	v20 =	vld [tilespmem:s18+$0x0]  }
0xde: {  	v19 =	vand.u32 $0xFFFFFFFE, v19;
	v21 =	vmov s13;
	v15 =	vbroadcast v15, $0x0;
	v3 =	vld.idx.msk [tilespmem:v3+s17+$0x0], $0xffff  }
0xdf: {  	v24 =	vmov s7;
	v23 =	vmov s14;
	v19 =	vbroadcast v19, $0x0;
	v22 =	vld [tilespmem:s18+$0xFFFFFC20]  }
0xe0: {  	v25 =	vmov s6;
	v24 =	vand.u32 $0xFFFFFFFE, v24;
	v4 =	vld.idx.msk [tilespmem:v4+s17+$0x0], $0xffff  }
0xe1: {  	v24 =	vbroadcast v24, $0x0;
	v26 =	vshll.u32 v17, $0x10;
	v8 =	vld.idx.msk [tilespmem:v8+s17+$0x0], $0xffff  }
0xe2: {  	v26 =	vmul.f32 v26, v5;
	v5 =	vmul.f32 v17, v5;
	v17 =	vshll.u32 v16, $0x10;
	v27 =	vld [tilespmem:s18+$0x20]  }
0xe3: {  	v28 =	vshll.u32 v20, $0x10;
	v13 =	vld.idx.msk [tilespmem:v13+s17+$0x0], $0xffff  }
0xe4: {  	v26 =	vadd.f32 $0.0e+00, v26;
	v29 =	vadd.f32 $0.0e+00, v5;
	v5 =	vmul.f32 v28, v3;
	v6 =	vld.idx.msk [tilespmem:v6+s17+$0x0], $0xffff  }
0xe5: {  	v28 =	vshll.u32 v22, $0x10;
	v25 =	vld.idx.msk [tilespmem:v25+s17+$0x0], $0xffff  }
0xe6: {  	v30 =	vshll.u32 v10, $0x10;
	v28 =	vmul.f32 v28, v4;
	v5 =	vadd.f32 $0.0e+00, v5;
	v18 =	vld.idx.msk [tilespmem:v18+s17+$0x0], $0xffff  }
0xe7: {  	v3 =	vmul.f32 v20, v3;
	v20 =	vmul.f32 v30, v8;
	v30 =	vshll.u32 v2, $0x10;
	v15 =	vld.idx.msk [tilespmem:v15+s17+$0x0], $0xffff  }
0xe8: {  	v22 =	vmul.f32 v22, v4;
	v4 =	vshll.u32 v9, $0x10;
	v8 =	vmul.f32 v10, v8;
	v10 =	vld.idx.msk [tilespmem:v11+s17+$0x0], $0xffff  }
0xe9: {  	v3 =	vadd.f32 $0.0e+00, v3;
	v11 =	vshll.u32 v27, $0x10;
	v27 =	vmul.f32 v27, v13;
	v31 =	vld [tilespmem:s18+$0xFFFFFE20]  }
0xea: {  	v32 =	vshll.u32 v12, $0x10;
	v20 =	vadd.f32 v20, v5;
	v11 =	vmul.f32 v11, v13;
	v19 =	vld.idx.msk [tilespmem:v19+s17+$0x0], $0xffff  }
0xeb: {  	v8 =	vadd.f32 v8, v3;
	v5 =	vmul.f32 v32, v6;
	v13 =	vmul.f32 v7, v25;
	v21 =	vld.idx.msk [tilespmem:v21+s17+$0x0], $0xffff  }
0xec: {  	v4 =	vmul.f32 v4, v18;
	v3 =	vmul.f32 v9, v18;
	v18 =	vadd.f32 v11, v20;
	v14 =	vld.idx.msk [tilespmem:v14+s17+$0x0], $0xffff  }
0xed: {  	v6 =	vmul.f32 v12, v6;
	v7 =	vshll.u32 v7, $0x10;
	v11 =	vmul.f32 v16, v15  }
0xee: {  	v16 =	vadd.f32 v27, v8;
	v9 =	vmul.f32 v30, v10;
	v12 =	vshll.u32 v31, $0x10;
	v20 =	vld [tilespmem:s18+$0x210]  }
0xef: {  	v15 =	vmul.f32 v17, v15;
	v10 =	vmul.f32 v2, v10;
	v17 =	vadd.f32 v11, v29;
	v8 =	vld.idx.msk [tilespmem:v24+s17+$0x0], $0xffff  }
0xf0: {  	v16 =	vadd.f32 v13, v16;
	v2 =	vmul.f32 v12, v19;
	v12 =	vmul.f32 v7, v25;
	v11 =	vld [tilespmem:s18+$0x220]  }
.Ltmp2:
0xf1: {  	v15 =	vadd.f32 v15, v26;
	v7 =	vshll.u32 v1, $0x10;
	v13 =	vmul.f32 v1, v21;
	(pc) =	sbr.rel @p0 .LBB2_4-.Ltmp2, $4  }
0xf2: {  	v21 =	vmul.f32 v7, v21;
	v7 =	vmul.f32 v31, v19;
	v19 =	vadd.f32 v10, v16;
	v1 =	vld [tilespmem:s18+$0xFFFFFE30]  }
0xf3: {  	v24 =	vadd.f32 v28, v15;
	v25 =	vshll.u32 v20, $0x10;
	v20 =	vmul.f32 v20, v14;
	v10 =	vld [tilespmem:s18+$0x230]  }
0xf4: {  	v15 =	vadd.f32 v22, v17;
	v16 =	vadd.f32 v12, v18;
	v14 =	vmul.f32 v25, v14;
	v0 =	vld.idx.msk [tilespmem:v0+s17+$0x0], $0xffff  }
0xf5: {  	v17 =	vadd.f32 v21, v24;
	v12 =	vld.idx.msk [tilespmem:v23+s17+$0x0], $0xffff;
	v18 =	vadd.f32 v20, v19;
	v19 =	vmul.f32 v11, v8  }
0xf6: {  	v13 =	vadd.f32 v13, v15  }
0xf7: {  	v9 =	vadd.f32 v9, v16;
	v11 =	vshll.u32 v11, $0x10;
	v5 =	vadd.f32 v5, v17  }
0xf8: {  	v15 =	vadd.f32 v19, v18;
	v8 =	vmul.f32 v11, v8;
	v6 =	vadd.f32 v6, v13  }
0xf9: {  	v9 =	vadd.f32 v14, v9;
	v4 =	vadd.f32 v4, v5;
	v5 =	vshll.u32 v10, $0x10  }
0xfa: {  	v3 =	vadd.f32 v3, v6;
	v6 =	vshll.u32 v1, $0x10;
	v5 =	vmul.f32 v5, v0  }
0xfb: {  	v2 =	vadd.f32 v2, v4;
	v4 =	vmul.f32 v6, v12;
	v6 =	vadd.f32 v8, v9  }
0xfc: {  	v1 =	vmul.f32 v1, v12;
	v0 =	vmul.f32 v10, v0;
	v3 =	vadd.f32 v7, v3  }
0xfd: {  	v2 =	vadd.f32 v4, v2;
	v4 =	vadd.f32 v5, v6  }
0xfe: {  	v0 =	vadd.f32 v0, v15;
	v1 =	vadd.f32 v1, v3  }
0xff: {  	v2 =	vadd.f32 v4, v2  }
0x100: {  	v0 =	vadd.f32 v0, v1  }
0x101: {  	s18 =	sadd.s32 $0x73, s1;
	[tilespmem:s16+$0xFFFFFFF0] =	vst v2  }
0x102: {  	s8 =	sadd.s32 $0xFFFFFFDF, s18;
	[tilespmem:s16+$0x0] =	vst v0  }
0x103: {  	s30 =	sadd.s32 $0xFFFFFFDE, s18;
	s13 =	sadd.s32 $0xFFFFFF9E, s18;
	s14 =	sadd.s32 $0xFFFFFFBE, s18;
	v14 =	vmov s8;
	v1 =	vld [tilespmem:s25+$0x200]  }
0x104: {  	s15 =	sadd.s32 $0xFFFFFFBF, s18;
	v16 =	vmov s13;
	v17 =	vmov s14;
	v10 =	vmov s30;
	v7 =	vld [tilespmem:s25+$0x30]  }
0x105: {  	s2 =	sadd.s32 $0xFFFFFF9D, s18;
	v19 =	vmov s15;
	v16 =	vand.u32 $0xFFFFFFFD, v16;
	v10 =	vand.u32 $0xFFFFFFFD, v10;
	v6 =	vld [tilespmem:s25+$0xFFFFFE10]  }
0x106: {  	s21 =	sadd.s32 $0xFFFFFFDD, s18;
	s5 =	sadd.s32 $0xFFFFFFFE, s18;
	v16 =	vbroadcast v16, $0x0;
	v10 =	vbroadcast v10, $0x0;
	v0 =	vmov s2;
	v8 =	vld [tilespmem:s25+$0xFFFFFE00]  }
0x107: {  	v4 =	vmov s5;
	v2 =	vmov s21;
	v0 =	vand.u32 $0xFFFFFFFC, v0;
	v11 =	vld [tilespmem:s25+$0x10]  }
0x108: {  	s22 =	sadd.s32 $0xFFFFFF9F, s18;
	v4 =	vand.u32 $0xFFFFFFFD, v4;
	v2 =	vand.u32 $0xFFFFFFFC, v2;
	v13 =	vld [tilespmem:s25+$0xFFFFFC10];
	v3 =	vbroadcast v0, $0x0  }
0x109: {  	v5 =	vmov s22;
	v15 =	vbroadcast v4, $0x0;
	v2 =	vbroadcast v2, $0x0;
	v4 =	vld [tilespmem:s25+$0xFFFFFC00]  }
0x10a: {  	s6 =	sadd.s32 $0xFFFFFFBD, s18;
	v14 =	vand.u32 $0xFFFFFFFE, v14;
	v17 =	vand.u32 $0xFFFFFFFD, v17;
	v5 =	vand.u32 $0xFFFFFFFE, v5;
	v18 =	vld [tilespmem:s25+$0x0]  }
0x10b: {  	v19 =	vand.u32 $0xFFFFFFFE, v19;
	v9 =	vmov s6;
	v5 =	vbroadcast v5, $0x0;
	v20 =	vld [tilespmem:s25+$0xFFFFFC20]  }
0x10c: {  	s7 =	sadd.s32 $0xFFFFFFFD, s18;
	v14 =	vbroadcast v14, $0x0;
	v17 =	vbroadcast v17, $0x0;
	v9 =	vand.u32 $0xFFFFFFFC, v9;
	s22 =	sadd.s32 $0xFFFFFFFF, s18;
	v10 =	vld.idx.msk [tilespmem:v10+s17+$0x0], $0xffff  }
0x10d: {  	v12 =	vmov s7;
	v9 =	vbroadcast v9, $0x0;
	v23 =	vmov s22;
	v16 =	vld.idx.msk [tilespmem:v16+s17+$0x0], $0xffff  }
0x10e: {  	s30 =	sadd.s32 $0xFFFFFFC0, s18;
	v19 =	vbroadcast v19, $0x0;
	v12 =	vand.u32 $0xFFFFFFFC, v12;
	v23 =	vand.u32 $0xFFFFFFFE, v23;
	v3 =	vld.idx.msk [tilespmem:v3+s17+$0x0], $0xffff  }
0x10f: {  	v24 =	vmov s30;
	v12 =	vbroadcast v12, $0x0;
	v23 =	vbroadcast v23, $0x0;
	s21 =	sadd.s32 $0xFFFFFFA0, s18;
	s16 =	sadd.s32 $0xFFFFFFE0, s18;
	v2 =	vld.idx.msk [tilespmem:v2+s17+$0x0], $0xffff  }
0x110: {  	v22 =	vmov s21;
	v21 =	vmov s16;
	v26 =	vld [tilespmem:s25+$0x20];
	v0 =	vmov s18  }
0x111: {  	v5 =	vld.idx.msk [tilespmem:v5+s17+$0x0], $0xffff;
	v25 =	vshll.u32 v4, $0x10;
	v27 =	vshll.u32 v13, $0x10;
	v30 =	vshll.u32 v6, $0x10  }
0x112: {  	v14 =	vld.idx.msk [tilespmem:v14+s17+$0x0], $0xffff;
	v32 =	vshll.u32 v8, $0x10;
	v13 =	vmul.f32 v13, v16;
	v16 =	vmul.f32 v27, v16  }
0x113: {  	v9 =	vld.idx.msk [tilespmem:v9+s17+$0x0], $0xffff;
	v25 =	vmul.f32 v25, v3;
	v3 =	vmul.f32 v4, v3;
	v4 =	vshll.u32 v18, $0x10  }
0x114: {  	v31 =	vld [tilespmem:s25+$0xFFFFFC30];
	v4 =	vmul.f32 v4, v2;
	v2 =	vmul.f32 v18, v2;
	v18 =	vshll.u32 v1, $0x10  }
0x115: {  	v21 =	vld.idx.msk [tilespmem:v21+s17+$0x0], $0xffff;
	v25 =	vadd.f32 $0.0e+00, v25;
	v28 =	vadd.f32 $0.0e+00, v3;
	v3 =	vshll.u32 v20, $0x10  }
0x116: {  	v20 =	vmul.f32 v20, v5;
	v29 =	vmul.f32 v3, v5;
	v3 =	vld.idx.msk [tilespmem:v17+s17+$0x0], $0xffff;
	v17 =	vshll.u32 v11, $0x10  }
0x117: {  	v4 =	vadd.f32 $0.0e+00, v4;
	v17 =	vmul.f32 v17, v10;
	v10 =	vmul.f32 v11, v10;
	v11 =	vld.idx.msk [tilespmem:v12+s17+$0x0], $0xffff  }
0x118: {  	v22 =	vld.idx.msk [tilespmem:v22+s17+$0x0], $0xffff;
	v2 =	vadd.f32 $0.0e+00, v2;
	v5 =	vshll.u32 v26, $0x10;
	v26 =	vmul.f32 v26, v14  }
0x119: {  	v12 =	vld [tilespmem:s25+$0xFFFFFE20];
	v14 =	vmul.f32 v5, v14;
	v5 =	vmul.f32 v32, v9;
	v17 =	vadd.f32 v17, v4  }
0x11a: {  	v19 =	vld.idx.msk [tilespmem:v19+s17+$0x0], $0xffff;
	v2 =	vadd.f32 v10, v2;
	v10 =	vmul.f32 v7, v21;
	v7 =	vshll.u32 v7, $0x10  }
0x11b: {  	v4 =	vmul.f32 v30, v3;
	v3 =	vmul.f32 v6, v3;
	v14 =	vadd.f32 v14, v17;
	v17 =	vld.idx.msk [tilespmem:v15+s17+$0x0], $0xffff  }
0x11c: {  	v6 =	vmul.f32 v8, v9;
	v26 =	vadd.f32 v26, v2;
	v9 =	vmul.f32 v18, v11;
	v18 =	vld [tilespmem:s25+$0x210]  }
0x11d: {  	v61 =	vadd.f32 v13, v28;
	v13 =	vmul.f32 v31, v22;
	v21 =	vmul.f32 v7, v21;
	v8 =	vld.idx.msk [tilespmem:v23+s17+$0x0], $0xffff  }
0x11e: {  	v15 =	vshll.u32 v12, $0x10;
	v62 =	vmul.f32 v1, v11;
	v11 =	vld [tilespmem:s25+$0x220];
	v10 =	vadd.f32 v10, v26  }
0x11f: {  	v1 =	vshll.u32 v31, $0x10;
	v2 =	vmul.f32 v15, v19;
	v15 =	vadd.f32 v16, v25  }
0x120: {  	v0 =	vld.idx.msk [tilespmem:v0+s17+$0x0], $0xffff;
	v7 =	vmul.f32 v12, v19;
	v22 =	vmul.f32 v1, v22;
	v19 =	vadd.f32 v62, v10  }
0x121: {  	v1 =	vld [tilespmem:s25+$0xFFFFFE30];
	v12 =	vadd.f32 v29, v15;
	v63 =	vshll.u32 v18, $0x10;
	v18 =	vmul.f32 v18, v17  }
0x122: {  	s22 =	simm.s32 $0x77;
	v16 =	vadd.f32 v21, v14;
	v10 =	vld [tilespmem:s25+$0x230];
	v15 =	vadd.f32 v20, v61;
	v14 =	vmul.f32 v63, v17  }
0x123: {  	s21 =	smov.u32 s24;
	s16 =	smov.u32 s24;
	s18 =	smov.u32 s25;
	v17 =	vadd.f32 v22, v12;
	v12 =	vld.idx.msk [tilespmem:v24+s17+$0x0], $0xffff;
	v18 =	vadd.f32 v18, v19;
	v19 =	vmul.f32 v11, v8  }
.LBB2_6:
0x124: {  	p0 =	sne.s32 s22, $0x7F;
	v13 =	vadd.f32 v13, v15;
	v9 =	vadd.f32 v9, v16;
	s21 =	sadd.s32 $0x20, s21;
	s18 =	sadd.s32 $0x40, s18  }
0x125: {  	v11 =	vshll.u32 v11, $0x10;
	s2 =	smov.u32 s22;
	s22 =	sadd.s32 $0x4, s22;
	v5 =	vadd.f32 v5, v17;
	v15 =	vadd.f32 v19, v18  }
0x126: {  	v8 =	vmul.f32 v11, v8;
	v6 =	vadd.f32 v6, v13;
	v9 =	vadd.f32 v14, v9  }
0x127: {  	v4 =	vadd.f32 v4, v5;
	v5 =	vshll.u32 v10, $0x10  }
0x128: {  	v3 =	vadd.f32 v3, v6;
	v6 =	vshll.u32 v1, $0x10;
	v5 =	vmul.f32 v5, v0  }
0x129: {  	v2 =	vadd.f32 v2, v4;
	v4 =	vmul.f32 v6, v12;
	v6 =	vadd.f32 v8, v9  }
0x12a: {  	v1 =	vmul.f32 v1, v12;
	v0 =	vmul.f32 v10, v0;
	v3 =	vadd.f32 v7, v3  }
0x12b: {  	v2 =	vadd.f32 v4, v2;
	v4 =	vadd.f32 v5, v6  }
0x12c: {  	v0 =	vadd.f32 v0, v15;
	v1 =	vadd.f32 v1, v3  }
0x12d: {  	v2 =	vadd.f32 v4, v2  }
0x12e: {  	v0 =	vadd.f32 v0, v1  }
0x12f: {  	[tilespmem:s16+$0xFFFFFFF0] =	vst v2  }
0x130: {  	s2 =	sadd.s32 s1, s2;
	[tilespmem:s16+$0x0] =	vst v0;
	s16 =	smov.u32 s21  }
0x131: {  	s5 =	sadd.s32 $0xFFFFFF9D, s2;
	s6 =	sadd.s32 $0xFFFFFFDD, s2;
	s7 =	sadd.s32 $0xFFFFFFFE, s2;
	v0 =	vmov s2  }
0x132: {  	s8 =	sadd.s32 $0xFFFFFF9F, s2;
	v3 =	vmov s6;
	s6 =	sadd.s32 $0xFFFFFFDE, s2;
	v4 =	vmov s7;
	v2 =	vmov s5;
	s5 =	sadd.s32 $0xFFFFFF9E, s2;
	v1 =	vld [tilespmem:s18+$0xFFFFFC30]  }
0x133: {  	s13 =	sadd.s32 $0xFFFFFFBD, s2;
	s14 =	sadd.s32 $0xFFFFFFBE, s2;
	s7 =	sadd.s32 $0xFFFFFFA0, s2;
	v3 =	vand.u32 $0xFFFFFFFC, v3;
	v4 =	vand.u32 $0xFFFFFFFD, v4;
	v5 =	vand.u32 $0xFFFFFFFC, v2;
	v2 =	vld [tilespmem:s18+$0x200]  }
0x134: {  	s15 =	sadd.s32 $0xFFFFFFE0, s2;
	s30 =	sadd.s32 $0xFFFFFFFD, s2;
	v6 =	vmov s13;
	s13 =	sadd.s32 $0xFFFFFFBF, s2;
	v3 =	vbroadcast v3, $0x0;
	v5 =	vbroadcast v5, $0x0;
	v7 =	vld [tilespmem:s18+$0x30]  }
0x135: {  	v11 =	vmov s30;
	v8 =	vmov s8;
	s8 =	sadd.s32 $0xFFFFFFC0, s2;
	v10 =	vmov s6;
	s6 =	sadd.s32 $0xFFFFFFDF, s2;
	s2 =	sadd.s32 $0xFFFFFFFF, s2;
	v9 =	vld [tilespmem:s18+$0xFFFFFE10]  }
0x136: {  	v8 =	vand.u32 $0xFFFFFFFE, v8;
	v13 =	vmov s6;
	v14 =	vbroadcast v4, $0x0;
	v12 =	vld [tilespmem:s18+$0xFFFFFE00]  }
0x137: {  	v4 =	vbroadcast v8, $0x0;
	v8 =	vand.u32 $0xFFFFFFFD, v10;
	v13 =	vand.u32 $0xFFFFFFFE, v13;
	v10 =	vld [tilespmem:s18+$0x10]  }
0x138: {  	v6 =	vand.u32 $0xFFFFFFFC, v6;
	v15 =	vmov s5;
	v13 =	vbroadcast v13, $0x0;
	v16 =	vld [tilespmem:s18+$0xFFFFFC10]  }
0x139: {  	v18 =	vmov s14;
	v6 =	vbroadcast v6, $0x0;
	v8 =	vbroadcast v8, $0x0;
	v17 =	vld [tilespmem:s18+$0xFFFFFC00]  }
0x13a: {  	v18 =	vand.u32 $0xFFFFFFFD, v18;
	v11 =	vand.u32 $0xFFFFFFFC, v11;
	v15 =	vand.u32 $0xFFFFFFFD, v15;
	v5 =	vld.idx.msk [tilespmem:v5+s17+$0x0], $0xffff  }
0x13b: {  	v18 =	vbroadcast v18, $0x0;
	v11 =	vbroadcast v11, $0x0;
	v19 =	vmov s13;
	v20 =	vld [tilespmem:s18+$0x0]  }
0x13c: {  	v19 =	vand.u32 $0xFFFFFFFE, v19;
	v21 =	vmov s7;
	v15 =	vbroadcast v15, $0x0;
	v3 =	vld.idx.msk [tilespmem:v3+s17+$0x0], $0xffff  }
0x13d: {  	v23 =	vmov s8;
	v19 =	vbroadcast v19, $0x0;
	v24 =	vmov s2;
	v22 =	vld [tilespmem:s18+$0xFFFFFC20]  }
0x13e: {  	v25 =	vmov s15;
	v24 =	vand.u32 $0xFFFFFFFE, v24;
	v4 =	vld.idx.msk [tilespmem:v4+s17+$0x0], $0xffff  }
0x13f: {  	v24 =	vbroadcast v24, $0x0;
	v26 =	vshll.u32 v17, $0x10;
	v8 =	vld.idx.msk [tilespmem:v8+s17+$0x0], $0xffff  }
0x140: {  	v26 =	vmul.f32 v26, v5;
	v5 =	vmul.f32 v17, v5;
	v17 =	vshll.u32 v16, $0x10;
	v27 =	vld [tilespmem:s18+$0x20]  }
0x141: {  	v28 =	vshll.u32 v20, $0x10;
	v13 =	vld.idx.msk [tilespmem:v13+s17+$0x0], $0xffff  }
0x142: {  	v26 =	vadd.f32 $0.0e+00, v26;
	v29 =	vadd.f32 $0.0e+00, v5;
	v5 =	vmul.f32 v28, v3;
	v6 =	vld.idx.msk [tilespmem:v6+s17+$0x0], $0xffff  }
0x143: {  	v28 =	vshll.u32 v22, $0x10;
	v25 =	vld.idx.msk [tilespmem:v25+s17+$0x0], $0xffff  }
0x144: {  	v30 =	vshll.u32 v10, $0x10;
	v28 =	vmul.f32 v28, v4;
	v5 =	vadd.f32 $0.0e+00, v5;
	v18 =	vld.idx.msk [tilespmem:v18+s17+$0x0], $0xffff  }
0x145: {  	v3 =	vmul.f32 v20, v3;
	v20 =	vmul.f32 v30, v8;
	v30 =	vshll.u32 v2, $0x10;
	v15 =	vld.idx.msk [tilespmem:v15+s17+$0x0], $0xffff  }
0x146: {  	v22 =	vmul.f32 v22, v4;
	v4 =	vshll.u32 v9, $0x10;
	v8 =	vmul.f32 v10, v8;
	v10 =	vld.idx.msk [tilespmem:v11+s17+$0x0], $0xffff  }
0x147: {  	v3 =	vadd.f32 $0.0e+00, v3;
	v11 =	vshll.u32 v27, $0x10;
	v27 =	vmul.f32 v27, v13;
	v31 =	vld [tilespmem:s18+$0xFFFFFE20]  }
0x148: {  	v32 =	vshll.u32 v12, $0x10;
	v20 =	vadd.f32 v20, v5;
	v11 =	vmul.f32 v11, v13;
	v19 =	vld.idx.msk [tilespmem:v19+s17+$0x0], $0xffff  }
0x149: {  	v8 =	vadd.f32 v8, v3;
	v5 =	vmul.f32 v32, v6;
	v13 =	vmul.f32 v7, v25;
	v21 =	vld.idx.msk [tilespmem:v21+s17+$0x0], $0xffff  }
0x14a: {  	v4 =	vmul.f32 v4, v18;
	v3 =	vmul.f32 v9, v18;
	v18 =	vadd.f32 v11, v20;
	v14 =	vld.idx.msk [tilespmem:v14+s17+$0x0], $0xffff  }
0x14b: {  	v6 =	vmul.f32 v12, v6;
	v7 =	vshll.u32 v7, $0x10;
	v11 =	vmul.f32 v16, v15  }
0x14c: {  	v16 =	vadd.f32 v27, v8;
	v9 =	vmul.f32 v30, v10;
	v12 =	vshll.u32 v31, $0x10;
	v20 =	vld [tilespmem:s18+$0x210]  }
0x14d: {  	v15 =	vmul.f32 v17, v15;
	v10 =	vmul.f32 v2, v10;
	v17 =	vadd.f32 v11, v29;
	v8 =	vld.idx.msk [tilespmem:v24+s17+$0x0], $0xffff  }
0x14e: {  	v16 =	vadd.f32 v13, v16;
	v2 =	vmul.f32 v12, v19;
	v12 =	vmul.f32 v7, v25;
	v11 =	vld [tilespmem:s18+$0x220]  }
.Ltmp3:
0x14f: {  	v15 =	vadd.f32 v15, v26;
	v7 =	vshll.u32 v1, $0x10;
	v13 =	vmul.f32 v1, v21;
	(pc) =	sbr.rel @p0 .LBB2_6-.Ltmp3, $4  }
0x150: {  	v21 =	vmul.f32 v7, v21;
	v7 =	vmul.f32 v31, v19;
	v19 =	vadd.f32 v10, v16;
	v1 =	vld [tilespmem:s18+$0xFFFFFE30]  }
0x151: {  	v24 =	vadd.f32 v28, v15;
	v25 =	vshll.u32 v20, $0x10;
	v20 =	vmul.f32 v20, v14;
	v10 =	vld [tilespmem:s18+$0x230]  }
0x152: {  	v15 =	vadd.f32 v22, v17;
	v16 =	vadd.f32 v12, v18;
	v14 =	vmul.f32 v25, v14;
	v0 =	vld.idx.msk [tilespmem:v0+s17+$0x0], $0xffff  }
0x153: {  	v17 =	vadd.f32 v21, v24;
	v12 =	vld.idx.msk [tilespmem:v23+s17+$0x0], $0xffff;
	v18 =	vadd.f32 v20, v19;
	v19 =	vmul.f32 v11, v8  }
0x154: {  	v13 =	vadd.f32 v13, v15  }
0x155: {  	v9 =	vadd.f32 v9, v16;
	v11 =	vshll.u32 v11, $0x10;
	v5 =	vadd.f32 v5, v17  }
0x156: {  	v56 =	vadd.f32 v19, v18;
	v8 =	vmul.f32 v11, v8;
	v6 =	vadd.f32 v6, v13  }
0x157: {  	v9 =	vadd.f32 v14, v9;
	v57 =	vshll.u32 v10, $0x10;
	v4 =	vadd.f32 v4, v5  }
0x158: {  	v58 =	vshll.u32 v1, $0x10;
	v5 =	vmul.f32 v57, v0;
	v3 =	vadd.f32 v3, v6  }
0x159: {  	v59 =	vmul.f32 v58, v12;
	v60 =	vadd.f32 v8, v9;
	v2 =	vadd.f32 v2, v4  }
0x15a: {  	s10 =	sadd.s32 $0x1, s10;
	v62 =	vmul.f32 v10, v0;
	v61 =	vmul.f32 v1, v12;
	v3 =	vadd.f32 v7, v3  }
0x15b: {  	p0 =	sne.s32 s10, $0x19;
	v63 =	vadd.f32 v5, v60;
	v2 =	vadd.f32 v59, v2  }
.Ltmp4:
0x15c: {  	v0 =	vadd.f32 v62, v56;
	v1 =	vadd.f32 v61, v3;
	(pc) =	sbr.rel @p0 .LBB2_3-.Ltmp4, $4  }
0x15d: {  	v2 =	vadd.f32 v63, v2  }
0x15e: {  	v0 =	vadd.f32 v0, v1  }
0x15f: {  	s11 =	sadd.s32 $0x80, s11;
	[tilespmem:s16+$0xFFFFFFF0] =	vst v2  }
0x160: {  	s12 =	sadd.s32 $0x800, s12;
	s24 =	sadd.s32 $0x80, s24;
	s25 =	sadd.s32 $0x800, s25;
	[tilespmem:s16+$0x0] =	vst v0  }
0x161: {  	s1 =	rddreg [dreg:$0x6]  }
0x162: {  	s1 =	sadd.s32 s1, s29  }
0x163: {  	s2 =	rddreg [dreg:$0x4];
	s1 =	sshll.u32 s1, $0x4  }
0x164: {  	s5 =	simm.s32 $0x1C200;
	s25 =	rddreg [dreg:$0x5];
	s2 =	sadd.s32 s2, s1  }
0x165: {  	[hbm4b:s2+s3] =	stream.linear.scatter [tilespmem:s5], [sflag:$0x5], $0xC80, $0x38;
	[tilespmem:$0x1F400] =	vst v63  }
0x166: {  	s30 =	simm.s32 $0x1DB00;
	s1 =	sadd.s32 s25, s1  }
0x167: {  	[hbm4b:s1+s3] =	stream.linear.scatter [tilespmem:s30], [sflag:$0x5], $0xC80, $0x38;
	[tilespmem:$0x1F400] =	vst v63  }
0x168: {  	p0 =	seq.s32 s28, $0x18;
	s1 =	rddreg [dreg:$0xc]  }
0x169: {  	s1 =	sadd.s32 @!p0 s29, s1  }
0x16a: {  	s1 =	sshll.u32 @!p0 s1, $0x4  }
0x16b: {  	s2 =	rddreg [dreg:$0x1];
	s1 =	sand.u32 @!p0 $0x1FFFFFE0, s1  }
0x16c: {  	s5 =	simm.s32 @!p0 $0x0;
	s2 =	sadd.s32 @!p0 s2, s1  }
0x16d: {  	[tilespmem:s5], [sflag:$0x3] =	stream.linear.gather @!p0 [hbm4b:s2+s5], $0xC80, $0x38;
	[tilespmem:$0x1F400] =	vst v63  }
0x16e: {  	s2 =	rddreg [dreg:$0x3]  }
0x16f: {  	s1 =	sadd.s32 @!p0 s2, s1;
	s2 =	simm.s32 @!p0 $0x1900  }
0x170: {  	[tilespmem:s2], [sflag:$0x3] =	stream.linear.gather @!p0 [hbm4b:s1+s5], $0xC80, $0x38;
	[tilespmem:$0x1F400] =	vst v63  }
0x171: {  	s1 =	simm.s32 @!p0 $0x3  }
0x172: {  	_ =	swait.ge @!p0 [sflag:s1], $0xC80  }
0x173: {  	[sflag:s1] =	ssyncset.done @!p0 $0x0  }
0x174: {  	[sflag:s1] =	ssyncadd.s32 @!p0 $0xFFFFF380  }
0x175: {  	_ =	swait.ge @!p0 [sflag:s1], $0xC80  }
0x176: {  	[sflag:s1] =	ssyncset.done @!p0 $0x0  }
0x177: {  	s2 =	simm.s32 @!p0 $0x3200;
	[sflag:s1] =	ssyncadd.s32 @!p0 $0xFFFFF380;
	s1 =	simm.s32 @!p0 $0x80  }
0x178: {  	[tilespmem:s2], [sflag:$0x1] =	stream.indirect.gather @!p0 [hbm4b:s4+s1], $0x10, s5, s1, $0xb8;
	[tilespmem:$0x1F400] =	vst v63  }
0x179: {  	s2 =	simm.s32 @!p0 $0x3A00  }
0x17a: {  	[tilespmem:s2], [sflag:$0x1] =	stream.indirect.gather @!p0 [hbm4b:s4+s1], $0x10, s1, s1, $0xb8;
	[tilespmem:$0x1F400] =	vst v63  }
0x17b: {  	s5 =	simm.s32 @!p0 $0x4200;
	s2 =	simm.s32 @!p0 $0x100  }
0x17c: {  	[tilespmem:s5], [sflag:$0x1] =	stream.indirect.gather @!p0 [hbm4b:s4+s1], $0x10, s2, s1, $0xb8;
	[tilespmem:$0x1F400] =	vst v63  }
0x17d: {  	s2 =	simm.s32 @!p0 $0x180;
	s5 =	simm.s32 @!p0 $0x4A00  }
0x17e: {  	[tilespmem:s5], [sflag:$0x1] =	stream.indirect.gather @!p0 [hbm4b:s4+s1], $0x10, s2, s1, $0xb8;
	[tilespmem:$0x1F400] =	vst v63  }
0x17f: {  	s2 =	simm.s32 @!p0 $0x200;
	s5 =	simm.s32 @!p0 $0x5200  }
0x180: {  	[tilespmem:s5], [sflag:$0x1] =	stream.indirect.gather @!p0 [hbm4b:s4+s1], $0x10, s2, s1, $0xb8;
	[tilespmem:$0x1F400] =	vst v63  }
0x181: {  	s2 =	simm.s32 @!p0 $0x280;
	s5 =	simm.s32 @!p0 $0x5A00  }
0x182: {  	[tilespmem:s5], [sflag:$0x1] =	stream.indirect.gather @!p0 [hbm4b:s4+s1], $0x10, s2, s1, $0xb8;
	[tilespmem:$0x1F400] =	vst v63  }
0x183: {  	s2 =	simm.s32 @!p0 $0x300;
	s5 =	simm.s32 @!p0 $0x6200  }
0x184: {  	[tilespmem:s5], [sflag:$0x1] =	stream.indirect.gather @!p0 [hbm4b:s4+s1], $0x10, s2, s1, $0xb8;
	[tilespmem:$0x1F400] =	vst v63  }
0x185: {  	s2 =	simm.s32 @!p0 $0x380;
	s5 =	simm.s32 @!p0 $0x6A00  }
0x186: {  	[tilespmem:s5], [sflag:$0x1] =	stream.indirect.gather @!p0 [hbm4b:s4+s1], $0x10, s2, s1, $0xb8;
	[tilespmem:$0x1F400] =	vst v63  }
0x187: {  	s2 =	simm.s32 @!p0 $0x400;
	s5 =	simm.s32 @!p0 $0x7200  }
0x188: {  	[tilespmem:s5], [sflag:$0x1] =	stream.indirect.gather @!p0 [hbm4b:s4+s1], $0x10, s2, s1, $0xb8;
	[tilespmem:$0x1F400] =	vst v63  }
0x189: {  	s2 =	simm.s32 @!p0 $0x480;
	s5 =	simm.s32 @!p0 $0x7A00  }
0x18a: {  	[tilespmem:s5], [sflag:$0x1] =	stream.indirect.gather @!p0 [hbm4b:s4+s1], $0x10, s2, s1, $0xb8;
	[tilespmem:$0x1F400] =	vst v63  }
0x18b: {  	s2 =	simm.s32 @!p0 $0x500;
	s5 =	simm.s32 @!p0 $0x8200  }
0x18c: {  	[tilespmem:s5], [sflag:$0x1] =	stream.indirect.gather @!p0 [hbm4b:s4+s1], $0x10, s2, s1, $0xb8;
	[tilespmem:$0x1F400] =	vst v63  }
0x18d: {  	s2 =	simm.s32 @!p0 $0x580;
	s5 =	simm.s32 @!p0 $0x8A00  }
0x18e: {  	[tilespmem:s5], [sflag:$0x1] =	stream.indirect.gather @!p0 [hbm4b:s4+s1], $0x10, s2, s1, $0xb8;
	[tilespmem:$0x1F400] =	vst v63  }
0x18f: {  	s2 =	simm.s32 @!p0 $0x600;
	s5 =	simm.s32 @!p0 $0x9200  }
0x190: {  	[tilespmem:s5], [sflag:$0x1] =	stream.indirect.gather @!p0 [hbm4b:s4+s1], $0x10, s2, s1, $0xb8;
	[tilespmem:$0x1F400] =	vst v63  }
0x191: {  	s2 =	simm.s32 @!p0 $0x680;
	s5 =	simm.s32 @!p0 $0x9A00  }
0x192: {  	[tilespmem:s5], [sflag:$0x1] =	stream.indirect.gather @!p0 [hbm4b:s4+s1], $0x10, s2, s1, $0xb8;
	[tilespmem:$0x1F400] =	vst v63  }
0x193: {  	s2 =	simm.s32 @!p0 $0x700;
	s5 =	simm.s32 @!p0 $0xA200  }
0x194: {  	[tilespmem:s5], [sflag:$0x1] =	stream.indirect.gather @!p0 [hbm4b:s4+s1], $0x10, s2, s1, $0xb8;
	[tilespmem:$0x1F400] =	vst v63  }
0x195: {  	s2 =	simm.s32 @!p0 $0x780;
	s5 =	simm.s32 @!p0 $0xAA00  }
0x196: {  	[tilespmem:s5], [sflag:$0x1] =	stream.indirect.gather @!p0 [hbm4b:s4+s1], $0x10, s2, s1, $0xb8;
	[tilespmem:$0x1F400] =	vst v63  }
0x197: {  	s2 =	simm.s32 @!p0 $0x800;
	s5 =	simm.s32 @!p0 $0xB200  }
0x198: {  	[tilespmem:s5], [sflag:$0x1] =	stream.indirect.gather @!p0 [hbm4b:s4+s1], $0x10, s2, s1, $0xb8;
	[tilespmem:$0x1F400] =	vst v63  }
0x199: {  	s2 =	simm.s32 @!p0 $0x880;
	s5 =	simm.s32 @!p0 $0xBA00  }
0x19a: {  	[tilespmem:s5], [sflag:$0x1] =	stream.indirect.gather @!p0 [hbm4b:s4+s1], $0x10, s2, s1, $0xb8;
	[tilespmem:$0x1F400] =	vst v63  }
0x19b: {  	s2 =	simm.s32 @!p0 $0x900;
	s5 =	simm.s32 @!p0 $0xC200  }
0x19c: {  	[tilespmem:s5], [sflag:$0x1] =	stream.indirect.gather @!p0 [hbm4b:s4+s1], $0x10, s2, s1, $0xb8;
	[tilespmem:$0x1F400] =	vst v63  }
0x19d: {  	s2 =	simm.s32 @!p0 $0x980;
	s5 =	simm.s32 @!p0 $0xCA00  }
0x19e: {  	[tilespmem:s5], [sflag:$0x1] =	stream.indirect.gather @!p0 [hbm4b:s4+s1], $0x10, s2, s1, $0xb8;
	[tilespmem:$0x1F400] =	vst v63  }
0x19f: {  	s2 =	simm.s32 @!p0 $0xA00;
	s5 =	simm.s32 @!p0 $0xD200  }
0x1a0: {  	[tilespmem:s5], [sflag:$0x1] =	stream.indirect.gather @!p0 [hbm4b:s4+s1], $0x10, s2, s1, $0xb8;
	[tilespmem:$0x1F400] =	vst v63  }
0x1a1: {  	s2 =	simm.s32 @!p0 $0xA80;
	s5 =	simm.s32 @!p0 $0xDA00  }
0x1a2: {  	[tilespmem:s5], [sflag:$0x1] =	stream.indirect.gather @!p0 [hbm4b:s4+s1], $0x10, s2, s1, $0xb8;
	[tilespmem:$0x1F400] =	vst v63  }
0x1a3: {  	s2 =	simm.s32 @!p0 $0xB00;
	s5 =	simm.s32 @!p0 $0xE200  }
0x1a4: {  	[tilespmem:s5], [sflag:$0x1] =	stream.indirect.gather @!p0 [hbm4b:s4+s1], $0x10, s2, s1, $0xb8;
	[tilespmem:$0x1F400] =	vst v63  }
0x1a5: {  	p1 =	seq.s32 @!p0 s28, $0x0;
	s2 =	simm.s32 @!p0 $0xB80;
	s5 =	simm.s32 @!p0 $0xEA00  }
0x1a6: {  	[tilespmem:s5], [sflag:$0x1] =	stream.indirect.gather @!p0 [hbm4b:s4+s1], $0x10, s2, s1, $0xb8;
	[tilespmem:$0x1F400] =	vst v63  }
0x1a7: {  	p1 =	por p0, !p1;
	s2 =	simm.s32 @!p0 $0xC00;
	s5 =	simm.s32 @!p0 $0xF200  }
0x1a8: {  	[tilespmem:s5], [sflag:$0x1] =	stream.indirect.gather @!p0 [hbm4b:s4+s1], $0x10, s2, s1, $0xb8;
	[tilespmem:$0x1F400] =	vst v63  }
0x1a9: {  	_ =	swait.ge @p1 [sflag:s26], $0xC80  }
0x1aa: {  	[sflag:s26] =	ssyncset.done @p1 $0x0  }
0x1ab: {  	[sflag:s26] =	ssyncadd.s32 @p1 $0xFFFFF380  }
0x1ac: {  	s10 =	simm.s32 $0x0;
	_ =	swait.ge @p1 [sflag:s26], $0xC80  }
0x1ad: {  	s11 =	simm.s32 $0x1CE90;
	s12 =	simm.s32 $0xFE00;
	[sflag:s26] =	ssyncset.done @p1 $0x0  }
0x1ae: {  	s16 =	simm.s32 $0x1E790;
	s18 =	simm.s32 $0xFF00;
	[sflag:s26] =	ssyncadd.s32 @p1 $0xFFFFF380  }
.LBB2_9:
0x1af: {  	s1 =	sshll.u32 s10, $0x7;
	_ =	swait.ge [sflag:s23], $0x800  }
0x1b0: {  	s21 =	sadd.s32 $0x63, s1;
	[sflag:s23] =	ssyncset.done $0x0  }
0x1b1: {  	s2 =	sadd.s32 $0xFFFFFF9D, s21;
	[sflag:s23] =	ssyncadd.s32 $0xFFFFF800  }
0x1b2: {  	s24 =	sadd.s32 $0xFFFFFFDD, s21;
	s5 =	sadd.s32 $0xFFFFFFFE, s21;
	s25 =	sadd.s32 $0xFFFFFF9F, s21;
	v0 =	vmov s2;
	v1 =	vld [tilespmem:s12+$0x200]  }
0x1b3: {  	s30 =	sadd.s32 $0xFFFFFFDE, s21;
	s6 =	sadd.s32 $0xFFFFFFBD, s21;
	s7 =	sadd.s32 $0xFFFFFFFD, s21;
	v2 =	vmov s24;
	v7 =	vld [tilespmem:s12+$0x30];
	v4 =	vmov s5;
	v5 =	vmov s25  }
0x1b4: {  	s8 =	sadd.s32 $0xFFFFFFDF, s21;
	s13 =	sadd.s32 $0xFFFFFF9E, s21;
	v6 =	vld [tilespmem:s12+$0xFFFFFE10];
	v9 =	vmov s6;
	v10 =	vmov s30;
	v12 =	vmov s7  }
0x1b5: {  	s14 =	sadd.s32 $0xFFFFFFBE, s21;
	v8 =	vld [tilespmem:s12+$0xFFFFFE00];
	v14 =	vmov s8;
	v16 =	vmov s13;
	v0 =	vand.u32 $0xFFFFFFFC, v0  }
0x1b6: {  	s15 =	sadd.s32 $0xFFFFFFBF, s21;
	v11 =	vld [tilespmem:s12+$0x10];
	v17 =	vmov s14;
	v16 =	vand.u32 $0xFFFFFFFD, v16;
	v3 =	vbroadcast v0, $0x0  }
0x1b7: {  	s22 =	sadd.s32 $0xFFFFFFE0, s21;
	v13 =	vld [tilespmem:s12+$0xFFFFFC10];
	v19 =	vmov s15;
	v2 =	vand.u32 $0xFFFFFFFC, v2;
	v16 =	vbroadcast v16, $0x0  }
0x1b8: {  	v18 =	vld [tilespmem:s12+$0x0];
	v21 =	vmov s22;
	v4 =	vand.u32 $0xFFFFFFFD, v4;
	v2 =	vbroadcast v2, $0x0  }
0x1b9: {  	v20 =	vld [tilespmem:s12+$0xFFFFFC20];
	v5 =	vand.u32 $0xFFFFFFFE, v5;
	v10 =	vand.u32 $0xFFFFFFFD, v10;
	v14 =	vand.u32 $0xFFFFFFFE, v14  }
0x1ba: {  	v26 =	vld [tilespmem:s12+$0x20];
	v9 =	vand.u32 $0xFFFFFFFC, v9;
	v17 =	vand.u32 $0xFFFFFFFD, v17;
	v5 =	vbroadcast v5, $0x0  }
0x1bb: {  	s24 =	sadd.s32 $0xFFFFFFA0, s21;
	v12 =	vand.u32 $0xFFFFFFFC, v12;
	v15 =	vbroadcast v4, $0x0;
	v4 =	vld [tilespmem:s12+$0xFFFFFC00];
	v10 =	vbroadcast v10, $0x0  }
0x1bc: {  	s25 =	sadd.s32 $0xFFFFFFFF, s21;
	s30 =	sadd.s32 $0xFFFFFFC0, s21;
	v19 =	vand.u32 $0xFFFFFFFE, v19;
	v22 =	vmov s24;
	v14 =	vbroadcast v14, $0x0;
	v3 =	vld.idx.msk [tilespmem:v3+s31+$0x0], $0xffff  }
0x1bd: {  	v23 =	vmov s25;
	v24 =	vmov s30;
	v9 =	vbroadcast v9, $0x0;
	v16 =	vld.idx.msk [tilespmem:v16+s31+$0x0], $0xffff  }
0x1be: {  	v17 =	vbroadcast v17, $0x0;
	v12 =	vbroadcast v12, $0x0;
	v23 =	vand.u32 $0xFFFFFFFE, v23;
	v2 =	vld.idx.msk [tilespmem:v2+s31+$0x0], $0xffff  }
0x1bf: {  	v31 =	vld [tilespmem:s12+$0xFFFFFC30];
	v0 =	vmov s21;
	v19 =	vbroadcast v19, $0x0;
	v23 =	vbroadcast v23, $0x0  }
0x1c0: {  	v27 =	vshll.u32 v13, $0x10;
	v30 =	vshll.u32 v6, $0x10;
	v25 =	vshll.u32 v4, $0x10;
	v5 =	vld.idx.msk [tilespmem:v5+s31+$0x0], $0xffff  }
0x1c1: {  	v32 =	vshll.u32 v8, $0x10;
	v10 =	vld.idx.msk [tilespmem:v10+s31+$0x0], $0xffff;
	v25 =	vmul.f32 v25, v3;
	v3 =	vmul.f32 v4, v3  }
0x1c2: {  	v14 =	vld.idx.msk [tilespmem:v14+s31+$0x0], $0xffff;
	v4 =	vshll.u32 v18, $0x10;
	v13 =	vmul.f32 v13, v16;
	v16 =	vmul.f32 v27, v16  }
0x1c3: {  	v9 =	vld.idx.msk [tilespmem:v9+s31+$0x0], $0xffff;
	v4 =	vmul.f32 v4, v2;
	v2 =	vmul.f32 v18, v2;
	v18 =	vshll.u32 v1, $0x10  }
0x1c4: {  	v21 =	vld.idx.msk [tilespmem:v21+s31+$0x0], $0xffff;
	v25 =	vadd.f32 $0.0e+00, v25;
	v28 =	vadd.f32 $0.0e+00, v3;
	v3 =	vshll.u32 v20, $0x10  }
0x1c5: {  	v20 =	vmul.f32 v20, v5;
	v29 =	vmul.f32 v3, v5;
	v3 =	vld.idx.msk [tilespmem:v17+s31+$0x0], $0xffff;
	v17 =	vshll.u32 v11, $0x10  }
0x1c6: {  	v4 =	vadd.f32 $0.0e+00, v4;
	v17 =	vmul.f32 v17, v10;
	v10 =	vmul.f32 v11, v10;
	v11 =	vld.idx.msk [tilespmem:v12+s31+$0x0], $0xffff  }
0x1c7: {  	v22 =	vld.idx.msk [tilespmem:v22+s31+$0x0], $0xffff;
	v2 =	vadd.f32 $0.0e+00, v2;
	v5 =	vshll.u32 v26, $0x10;
	v26 =	vmul.f32 v26, v14  }
0x1c8: {  	v12 =	vld [tilespmem:s12+$0xFFFFFE20];
	v14 =	vmul.f32 v5, v14;
	v5 =	vmul.f32 v32, v9;
	v17 =	vadd.f32 v17, v4  }
0x1c9: {  	v19 =	vld.idx.msk [tilespmem:v19+s31+$0x0], $0xffff;
	v2 =	vadd.f32 v10, v2;
	v10 =	vmul.f32 v7, v21;
	v7 =	vshll.u32 v7, $0x10  }
0x1ca: {  	v4 =	vmul.f32 v30, v3;
	v3 =	vmul.f32 v6, v3;
	v14 =	vadd.f32 v14, v17;
	v17 =	vld.idx.msk [tilespmem:v15+s31+$0x0], $0xffff  }
0x1cb: {  	v6 =	vmul.f32 v8, v9;
	v26 =	vadd.f32 v26, v2;
	v9 =	vmul.f32 v18, v11;
	v18 =	vld [tilespmem:s12+$0x210]  }
0x1cc: {  	v61 =	vadd.f32 v13, v28;
	v13 =	vmul.f32 v31, v22;
	v21 =	vmul.f32 v7, v21;
	v8 =	vld.idx.msk [tilespmem:v23+s31+$0x0], $0xffff  }
0x1cd: {  	v15 =	vshll.u32 v12, $0x10;
	v62 =	vmul.f32 v1, v11;
	v11 =	vld [tilespmem:s12+$0x220];
	v10 =	vadd.f32 v10, v26  }
0x1ce: {  	v1 =	vshll.u32 v31, $0x10;
	v2 =	vmul.f32 v15, v19;
	v15 =	vadd.f32 v16, v25  }
0x1cf: {  	v0 =	vld.idx.msk [tilespmem:v0+s31+$0x0], $0xffff;
	v7 =	vmul.f32 v12, v19;
	v22 =	vmul.f32 v1, v22;
	v19 =	vadd.f32 v62, v10  }
0x1d0: {  	v1 =	vld [tilespmem:s12+$0xFFFFFE30];
	v12 =	vadd.f32 v29, v15;
	v63 =	vshll.u32 v18, $0x10;
	v18 =	vmul.f32 v18, v17  }
0x1d1: {  	s22 =	simm.s32 $0x67;
	v16 =	vadd.f32 v21, v14;
	v10 =	vld [tilespmem:s12+$0x230];
	v15 =	vadd.f32 v20, v61;
	v14 =	vmul.f32 v63, v17  }
0x1d2: {  	s24 =	smov.u32 s11;
	s25 =	smov.u32 s12;
	s21 =	smov.u32 s11;
	v17 =	vadd.f32 v22, v12;
	v12 =	vld.idx.msk [tilespmem:v24+s31+$0x0], $0xffff;
	v18 =	vadd.f32 v18, v19;
	v19 =	vmul.f32 v11, v8  }
.LBB2_10:
0x1d3: {  	p1 =	sne.s32 s22, $0x6F;
	v13 =	vadd.f32 v13, v15;
	v9 =	vadd.f32 v9, v16;
	s24 =	sadd.s32 $0x20, s24;
	s25 =	sadd.s32 $0x40, s25  }
0x1d4: {  	v11 =	vshll.u32 v11, $0x10;
	s2 =	smov.u32 s22;
	s22 =	sadd.s32 $0x4, s22;
	v5 =	vadd.f32 v5, v17;
	v15 =	vadd.f32 v19, v18  }
0x1d5: {  	v8 =	vmul.f32 v11, v8;
	v6 =	vadd.f32 v6, v13;
	v9 =	vadd.f32 v14, v9  }
0x1d6: {  	v4 =	vadd.f32 v4, v5;
	v5 =	vshll.u32 v10, $0x10  }
0x1d7: {  	v3 =	vadd.f32 v3, v6;
	v6 =	vshll.u32 v1, $0x10;
	v5 =	vmul.f32 v5, v0  }
0x1d8: {  	v2 =	vadd.f32 v2, v4;
	v4 =	vmul.f32 v6, v12;
	v6 =	vadd.f32 v8, v9  }
0x1d9: {  	v1 =	vmul.f32 v1, v12;
	v0 =	vmul.f32 v10, v0;
	v3 =	vadd.f32 v7, v3  }
0x1da: {  	v2 =	vadd.f32 v4, v2;
	v4 =	vadd.f32 v5, v6  }
0x1db: {  	v0 =	vadd.f32 v0, v15;
	v1 =	vadd.f32 v1, v3  }
0x1dc: {  	v2 =	vadd.f32 v4, v2  }
0x1dd: {  	v0 =	vadd.f32 v0, v1  }
0x1de: {  	[tilespmem:s21+$0xFFFFFFF0] =	vst v2  }
0x1df: {  	s2 =	sadd.s32 s1, s2;
	[tilespmem:s21+$0x0] =	vst v0;
	s21 =	smov.u32 s24  }
0x1e0: {  	s5 =	sadd.s32 $0xFFFFFF9D, s2;
	s6 =	sadd.s32 $0xFFFFFFDD, s2;
	s7 =	sadd.s32 $0xFFFFFFFE, s2;
	v0 =	vmov s2  }
0x1e1: {  	s8 =	sadd.s32 $0xFFFFFF9F, s2;
	v3 =	vmov s6;
	s6 =	sadd.s32 $0xFFFFFFDE, s2;
	v4 =	vmov s7;
	v2 =	vmov s5;
	s5 =	sadd.s32 $0xFFFFFF9E, s2;
	v1 =	vld [tilespmem:s25+$0xFFFFFC30]  }
0x1e2: {  	s13 =	sadd.s32 $0xFFFFFFBD, s2;
	s14 =	sadd.s32 $0xFFFFFFBE, s2;
	s7 =	sadd.s32 $0xFFFFFFA0, s2;
	v3 =	vand.u32 $0xFFFFFFFC, v3;
	v4 =	vand.u32 $0xFFFFFFFD, v4;
	v5 =	vand.u32 $0xFFFFFFFC, v2;
	v2 =	vld [tilespmem:s25+$0x200]  }
0x1e3: {  	s15 =	sadd.s32 $0xFFFFFFE0, s2;
	s30 =	sadd.s32 $0xFFFFFFFD, s2;
	v6 =	vmov s13;
	s13 =	sadd.s32 $0xFFFFFFBF, s2;
	v3 =	vbroadcast v3, $0x0;
	v5 =	vbroadcast v5, $0x0;
	v7 =	vld [tilespmem:s25+$0x30]  }
0x1e4: {  	v11 =	vmov s30;
	v8 =	vmov s8;
	s8 =	sadd.s32 $0xFFFFFFC0, s2;
	v10 =	vmov s6;
	s6 =	sadd.s32 $0xFFFFFFDF, s2;
	s2 =	sadd.s32 $0xFFFFFFFF, s2;
	v9 =	vld [tilespmem:s25+$0xFFFFFE10]  }
0x1e5: {  	v8 =	vand.u32 $0xFFFFFFFE, v8;
	v13 =	vmov s6;
	v14 =	vbroadcast v4, $0x0;
	v12 =	vld [tilespmem:s25+$0xFFFFFE00]  }
0x1e6: {  	v4 =	vbroadcast v8, $0x0;
	v8 =	vand.u32 $0xFFFFFFFD, v10;
	v13 =	vand.u32 $0xFFFFFFFE, v13;
	v10 =	vld [tilespmem:s25+$0x10]  }
0x1e7: {  	v6 =	vand.u32 $0xFFFFFFFC, v6;
	v15 =	vmov s5;
	v13 =	vbroadcast v13, $0x0;
	v16 =	vld [tilespmem:s25+$0xFFFFFC10]  }
0x1e8: {  	v18 =	vmov s14;
	v6 =	vbroadcast v6, $0x0;
	v8 =	vbroadcast v8, $0x0;
	v17 =	vld [tilespmem:s25+$0xFFFFFC00]  }
0x1e9: {  	v18 =	vand.u32 $0xFFFFFFFD, v18;
	v11 =	vand.u32 $0xFFFFFFFC, v11;
	v15 =	vand.u32 $0xFFFFFFFD, v15;
	v5 =	vld.idx.msk [tilespmem:v5+s31+$0x0], $0xffff  }
0x1ea: {  	v18 =	vbroadcast v18, $0x0;
	v11 =	vbroadcast v11, $0x0;
	v19 =	vmov s13;
	v20 =	vld [tilespmem:s25+$0x0]  }
0x1eb: {  	v19 =	vand.u32 $0xFFFFFFFE, v19;
	v21 =	vmov s7;
	v15 =	vbroadcast v15, $0x0;
	v3 =	vld.idx.msk [tilespmem:v3+s31+$0x0], $0xffff  }
0x1ec: {  	v23 =	vmov s8;
	v19 =	vbroadcast v19, $0x0;
	v24 =	vmov s2;
	v22 =	vld [tilespmem:s25+$0xFFFFFC20]  }
0x1ed: {  	v25 =	vmov s15;
	v24 =	vand.u32 $0xFFFFFFFE, v24;
	v4 =	vld.idx.msk [tilespmem:v4+s31+$0x0], $0xffff  }
0x1ee: {  	v24 =	vbroadcast v24, $0x0;
	v26 =	vshll.u32 v17, $0x10;
	v8 =	vld.idx.msk [tilespmem:v8+s31+$0x0], $0xffff  }
0x1ef: {  	v26 =	vmul.f32 v26, v5;
	v5 =	vmul.f32 v17, v5;
	v17 =	vshll.u32 v16, $0x10;
	v27 =	vld [tilespmem:s25+$0x20]  }
0x1f0: {  	v28 =	vshll.u32 v20, $0x10;
	v13 =	vld.idx.msk [tilespmem:v13+s31+$0x0], $0xffff  }
0x1f1: {  	v26 =	vadd.f32 $0.0e+00, v26;
	v29 =	vadd.f32 $0.0e+00, v5;
	v5 =	vmul.f32 v28, v3;
	v6 =	vld.idx.msk [tilespmem:v6+s31+$0x0], $0xffff  }
0x1f2: {  	v28 =	vshll.u32 v22, $0x10;
	v25 =	vld.idx.msk [tilespmem:v25+s31+$0x0], $0xffff  }
0x1f3: {  	v30 =	vshll.u32 v10, $0x10;
	v28 =	vmul.f32 v28, v4;
	v5 =	vadd.f32 $0.0e+00, v5;
	v18 =	vld.idx.msk [tilespmem:v18+s31+$0x0], $0xffff  }
0x1f4: {  	v3 =	vmul.f32 v20, v3;
	v20 =	vmul.f32 v30, v8;
	v30 =	vshll.u32 v2, $0x10;
	v15 =	vld.idx.msk [tilespmem:v15+s31+$0x0], $0xffff  }
0x1f5: {  	v22 =	vmul.f32 v22, v4;
	v4 =	vshll.u32 v9, $0x10;
	v8 =	vmul.f32 v10, v8;
	v10 =	vld.idx.msk [tilespmem:v11+s31+$0x0], $0xffff  }
0x1f6: {  	v3 =	vadd.f32 $0.0e+00, v3;
	v11 =	vshll.u32 v27, $0x10;
	v27 =	vmul.f32 v27, v13;
	v31 =	vld [tilespmem:s25+$0xFFFFFE20]  }
0x1f7: {  	v32 =	vshll.u32 v12, $0x10;
	v20 =	vadd.f32 v20, v5;
	v11 =	vmul.f32 v11, v13;
	v19 =	vld.idx.msk [tilespmem:v19+s31+$0x0], $0xffff  }
0x1f8: {  	v8 =	vadd.f32 v8, v3;
	v5 =	vmul.f32 v32, v6;
	v13 =	vmul.f32 v7, v25;
	v21 =	vld.idx.msk [tilespmem:v21+s31+$0x0], $0xffff  }
0x1f9: {  	v4 =	vmul.f32 v4, v18;
	v3 =	vmul.f32 v9, v18;
	v18 =	vadd.f32 v11, v20;
	v14 =	vld.idx.msk [tilespmem:v14+s31+$0x0], $0xffff  }
0x1fa: {  	v6 =	vmul.f32 v12, v6;
	v7 =	vshll.u32 v7, $0x10;
	v11 =	vmul.f32 v16, v15  }
0x1fb: {  	v16 =	vadd.f32 v27, v8;
	v9 =	vmul.f32 v30, v10;
	v12 =	vshll.u32 v31, $0x10;
	v20 =	vld [tilespmem:s25+$0x210]  }
0x1fc: {  	v15 =	vmul.f32 v17, v15;
	v10 =	vmul.f32 v2, v10;
	v17 =	vadd.f32 v11, v29;
	v8 =	vld.idx.msk [tilespmem:v24+s31+$0x0], $0xffff  }
0x1fd: {  	v16 =	vadd.f32 v13, v16;
	v2 =	vmul.f32 v12, v19;
	v12 =	vmul.f32 v7, v25;
	v11 =	vld [tilespmem:s25+$0x220]  }
.Ltmp5:
0x1fe: {  	v15 =	vadd.f32 v15, v26;
	v7 =	vshll.u32 v1, $0x10;
	v13 =	vmul.f32 v1, v21;
	(pc) =	sbr.rel @p1 .LBB2_10-.Ltmp5, $4  }
0x1ff: {  	v21 =	vmul.f32 v7, v21;
	v7 =	vmul.f32 v31, v19;
	v19 =	vadd.f32 v10, v16;
	v1 =	vld [tilespmem:s25+$0xFFFFFE30]  }
0x200: {  	v24 =	vadd.f32 v28, v15;
	v25 =	vshll.u32 v20, $0x10;
	v20 =	vmul.f32 v20, v14;
	v10 =	vld [tilespmem:s25+$0x230]  }
0x201: {  	v15 =	vadd.f32 v22, v17;
	v16 =	vadd.f32 v12, v18;
	v14 =	vmul.f32 v25, v14;
	v0 =	vld.idx.msk [tilespmem:v0+s31+$0x0], $0xffff  }
0x202: {  	v17 =	vadd.f32 v21, v24;
	v12 =	vld.idx.msk [tilespmem:v23+s31+$0x0], $0xffff;
	v18 =	vadd.f32 v20, v19;
	v19 =	vmul.f32 v11, v8  }
0x203: {  	v13 =	vadd.f32 v13, v15  }
0x204: {  	v9 =	vadd.f32 v9, v16;
	v11 =	vshll.u32 v11, $0x10;
	v5 =	vadd.f32 v5, v17  }
0x205: {  	v15 =	vadd.f32 v19, v18;
	v8 =	vmul.f32 v11, v8;
	v6 =	vadd.f32 v6, v13  }
0x206: {  	v9 =	vadd.f32 v14, v9;
	v4 =	vadd.f32 v4, v5;
	v5 =	vshll.u32 v10, $0x10  }
0x207: {  	v3 =	vadd.f32 v3, v6;
	v6 =	vshll.u32 v1, $0x10;
	v5 =	vmul.f32 v5, v0  }
0x208: {  	v2 =	vadd.f32 v2, v4;
	v4 =	vmul.f32 v6, v12;
	v6 =	vadd.f32 v8, v9  }
0x209: {  	v1 =	vmul.f32 v1, v12;
	v0 =	vmul.f32 v10, v0;
	v3 =	vadd.f32 v7, v3  }
0x20a: {  	v2 =	vadd.f32 v4, v2;
	v4 =	vadd.f32 v5, v6  }
0x20b: {  	v0 =	vadd.f32 v0, v15;
	v1 =	vadd.f32 v1, v3  }
0x20c: {  	v2 =	vadd.f32 v4, v2  }
0x20d: {  	v0 =	vadd.f32 v0, v1  }
0x20e: {  	s22 =	sadd.s32 $0x73, s1;
	[tilespmem:s21+$0xFFFFFFF0] =	vst v2  }
0x20f: {  	s8 =	sadd.s32 $0xFFFFFFDF, s22;
	[tilespmem:s21+$0x0] =	vst v0  }
0x210: {  	s30 =	sadd.s32 $0xFFFFFFDE, s22;
	s13 =	sadd.s32 $0xFFFFFF9E, s22;
	s14 =	sadd.s32 $0xFFFFFFBE, s22;
	v14 =	vmov s8;
	v1 =	vld [tilespmem:s18+$0x200]  }
0x211: {  	s15 =	sadd.s32 $0xFFFFFFBF, s22;
	v16 =	vmov s13;
	v17 =	vmov s14;
	v10 =	vmov s30;
	v7 =	vld [tilespmem:s18+$0x30]  }
0x212: {  	s2 =	sadd.s32 $0xFFFFFF9D, s22;
	v19 =	vmov s15;
	v16 =	vand.u32 $0xFFFFFFFD, v16;
	v10 =	vand.u32 $0xFFFFFFFD, v10;
	v6 =	vld [tilespmem:s18+$0xFFFFFE10]  }
0x213: {  	s24 =	sadd.s32 $0xFFFFFFDD, s22;
	s5 =	sadd.s32 $0xFFFFFFFE, s22;
	v16 =	vbroadcast v16, $0x0;
	v10 =	vbroadcast v10, $0x0;
	v0 =	vmov s2;
	v8 =	vld [tilespmem:s18+$0xFFFFFE00]  }
0x214: {  	v4 =	vmov s5;
	v2 =	vmov s24;
	v0 =	vand.u32 $0xFFFFFFFC, v0;
	v11 =	vld [tilespmem:s18+$0x10]  }
0x215: {  	s25 =	sadd.s32 $0xFFFFFF9F, s22;
	v4 =	vand.u32 $0xFFFFFFFD, v4;
	v2 =	vand.u32 $0xFFFFFFFC, v2;
	v13 =	vld [tilespmem:s18+$0xFFFFFC10];
	v3 =	vbroadcast v0, $0x0  }
0x216: {  	v5 =	vmov s25;
	v15 =	vbroadcast v4, $0x0;
	v2 =	vbroadcast v2, $0x0;
	v4 =	vld [tilespmem:s18+$0xFFFFFC00]  }
0x217: {  	s6 =	sadd.s32 $0xFFFFFFBD, s22;
	v14 =	vand.u32 $0xFFFFFFFE, v14;
	v17 =	vand.u32 $0xFFFFFFFD, v17;
	v5 =	vand.u32 $0xFFFFFFFE, v5;
	v18 =	vld [tilespmem:s18+$0x0]  }
0x218: {  	v19 =	vand.u32 $0xFFFFFFFE, v19;
	v9 =	vmov s6;
	v5 =	vbroadcast v5, $0x0;
	v20 =	vld [tilespmem:s18+$0xFFFFFC20]  }
0x219: {  	s7 =	sadd.s32 $0xFFFFFFFD, s22;
	v14 =	vbroadcast v14, $0x0;
	v17 =	vbroadcast v17, $0x0;
	v9 =	vand.u32 $0xFFFFFFFC, v9;
	s25 =	sadd.s32 $0xFFFFFFFF, s22;
	v10 =	vld.idx.msk [tilespmem:v10+s31+$0x0], $0xffff  }
0x21a: {  	v12 =	vmov s7;
	v9 =	vbroadcast v9, $0x0;
	v23 =	vmov s25;
	v16 =	vld.idx.msk [tilespmem:v16+s31+$0x0], $0xffff  }
0x21b: {  	s30 =	sadd.s32 $0xFFFFFFC0, s22;
	v19 =	vbroadcast v19, $0x0;
	v12 =	vand.u32 $0xFFFFFFFC, v12;
	v23 =	vand.u32 $0xFFFFFFFE, v23;
	v3 =	vld.idx.msk [tilespmem:v3+s31+$0x0], $0xffff  }
0x21c: {  	v24 =	vmov s30;
	v12 =	vbroadcast v12, $0x0;
	v23 =	vbroadcast v23, $0x0;
	s24 =	sadd.s32 $0xFFFFFFA0, s22;
	s21 =	sadd.s32 $0xFFFFFFE0, s22;
	v2 =	vld.idx.msk [tilespmem:v2+s31+$0x0], $0xffff  }
0x21d: {  	v22 =	vmov s24;
	v21 =	vmov s21;
	v26 =	vld [tilespmem:s18+$0x20];
	v0 =	vmov s22  }
0x21e: {  	v5 =	vld.idx.msk [tilespmem:v5+s31+$0x0], $0xffff;
	v25 =	vshll.u32 v4, $0x10;
	v27 =	vshll.u32 v13, $0x10;
	v30 =	vshll.u32 v6, $0x10  }
0x21f: {  	v14 =	vld.idx.msk [tilespmem:v14+s31+$0x0], $0xffff;
	v32 =	vshll.u32 v8, $0x10;
	v13 =	vmul.f32 v13, v16;
	v16 =	vmul.f32 v27, v16  }
0x220: {  	v9 =	vld.idx.msk [tilespmem:v9+s31+$0x0], $0xffff;
	v25 =	vmul.f32 v25, v3;
	v3 =	vmul.f32 v4, v3;
	v4 =	vshll.u32 v18, $0x10  }
0x221: {  	v31 =	vld [tilespmem:s18+$0xFFFFFC30];
	v4 =	vmul.f32 v4, v2;
	v2 =	vmul.f32 v18, v2;
	v18 =	vshll.u32 v1, $0x10  }
0x222: {  	v21 =	vld.idx.msk [tilespmem:v21+s31+$0x0], $0xffff;
	v25 =	vadd.f32 $0.0e+00, v25;
	v28 =	vadd.f32 $0.0e+00, v3;
	v3 =	vshll.u32 v20, $0x10  }
0x223: {  	v20 =	vmul.f32 v20, v5;
	v29 =	vmul.f32 v3, v5;
	v3 =	vld.idx.msk [tilespmem:v17+s31+$0x0], $0xffff;
	v17 =	vshll.u32 v11, $0x10  }
0x224: {  	v4 =	vadd.f32 $0.0e+00, v4;
	v17 =	vmul.f32 v17, v10;
	v10 =	vmul.f32 v11, v10;
	v11 =	vld.idx.msk [tilespmem:v12+s31+$0x0], $0xffff  }
0x225: {  	v22 =	vld.idx.msk [tilespmem:v22+s31+$0x0], $0xffff;
	v2 =	vadd.f32 $0.0e+00, v2;
	v5 =	vshll.u32 v26, $0x10;
	v26 =	vmul.f32 v26, v14  }
0x226: {  	v12 =	vld [tilespmem:s18+$0xFFFFFE20];
	v14 =	vmul.f32 v5, v14;
	v5 =	vmul.f32 v32, v9;
	v17 =	vadd.f32 v17, v4  }
0x227: {  	v19 =	vld.idx.msk [tilespmem:v19+s31+$0x0], $0xffff;
	v2 =	vadd.f32 v10, v2;
	v10 =	vmul.f32 v7, v21;
	v7 =	vshll.u32 v7, $0x10  }
0x228: {  	v4 =	vmul.f32 v30, v3;
	v3 =	vmul.f32 v6, v3;
	v14 =	vadd.f32 v14, v17;
	v17 =	vld.idx.msk [tilespmem:v15+s31+$0x0], $0xffff  }
0x229: {  	v6 =	vmul.f32 v8, v9;
	v26 =	vadd.f32 v26, v2;
	v9 =	vmul.f32 v18, v11;
	v18 =	vld [tilespmem:s18+$0x210]  }
0x22a: {  	v61 =	vadd.f32 v13, v28;
	v13 =	vmul.f32 v31, v22;
	v21 =	vmul.f32 v7, v21;
	v8 =	vld.idx.msk [tilespmem:v23+s31+$0x0], $0xffff  }
0x22b: {  	v15 =	vshll.u32 v12, $0x10;
	v62 =	vmul.f32 v1, v11;
	v11 =	vld [tilespmem:s18+$0x220];
	v10 =	vadd.f32 v10, v26  }
0x22c: {  	v1 =	vshll.u32 v31, $0x10;
	v2 =	vmul.f32 v15, v19;
	v15 =	vadd.f32 v16, v25  }
0x22d: {  	v0 =	vld.idx.msk [tilespmem:v0+s31+$0x0], $0xffff;
	v7 =	vmul.f32 v12, v19;
	v22 =	vmul.f32 v1, v22;
	v19 =	vadd.f32 v62, v10  }
0x22e: {  	v1 =	vld [tilespmem:s18+$0xFFFFFE30];
	v12 =	vadd.f32 v29, v15;
	v63 =	vshll.u32 v18, $0x10;
	v18 =	vmul.f32 v18, v17  }
0x22f: {  	s25 =	smov.u32 s18;
	v16 =	vadd.f32 v21, v14;
	v10 =	vld [tilespmem:s18+$0x230];
	v15 =	vadd.f32 v20, v61;
	v14 =	vmul.f32 v63, v17  }
0x230: {  	s24 =	smov.u32 s16;
	s21 =	smov.u32 s16;
	s22 =	simm.s32 $0x77;
	v17 =	vadd.f32 v22, v12;
	v12 =	vld.idx.msk [tilespmem:v24+s31+$0x0], $0xffff;
	v18 =	vadd.f32 v18, v19;
	v19 =	vmul.f32 v11, v8  }
.LBB2_12:
0x231: {  	p1 =	sne.s32 s22, $0x7F;
	v13 =	vadd.f32 v13, v15;
	v9 =	vadd.f32 v9, v16;
	s24 =	sadd.s32 $0x20, s24;
	s25 =	sadd.s32 $0x40, s25  }
0x232: {  	v11 =	vshll.u32 v11, $0x10;
	s2 =	smov.u32 s22;
	s22 =	sadd.s32 $0x4, s22;
	v5 =	vadd.f32 v5, v17;
	v15 =	vadd.f32 v19, v18  }
0x233: {  	v8 =	vmul.f32 v11, v8;
	v6 =	vadd.f32 v6, v13;
	v9 =	vadd.f32 v14, v9  }
0x234: {  	v4 =	vadd.f32 v4, v5;
	v5 =	vshll.u32 v10, $0x10  }
0x235: {  	v3 =	vadd.f32 v3, v6;
	v6 =	vshll.u32 v1, $0x10;
	v5 =	vmul.f32 v5, v0  }
0x236: {  	v2 =	vadd.f32 v2, v4;
	v4 =	vmul.f32 v6, v12;
	v6 =	vadd.f32 v8, v9  }
0x237: {  	v1 =	vmul.f32 v1, v12;
	v0 =	vmul.f32 v10, v0;
	v3 =	vadd.f32 v7, v3  }
0x238: {  	v2 =	vadd.f32 v4, v2;
	v4 =	vadd.f32 v5, v6  }
0x239: {  	v0 =	vadd.f32 v0, v15;
	v1 =	vadd.f32 v1, v3  }
0x23a: {  	v2 =	vadd.f32 v4, v2  }
0x23b: {  	v0 =	vadd.f32 v0, v1  }
0x23c: {  	[tilespmem:s21+$0xFFFFFFF0] =	vst v2  }
0x23d: {  	s2 =	sadd.s32 s1, s2;
	[tilespmem:s21+$0x0] =	vst v0;
	s21 =	smov.u32 s24  }
0x23e: {  	s5 =	sadd.s32 $0xFFFFFF9D, s2;
	s6 =	sadd.s32 $0xFFFFFFDD, s2;
	s7 =	sadd.s32 $0xFFFFFFFE, s2;
	v0 =	vmov s2  }
0x23f: {  	s8 =	sadd.s32 $0xFFFFFF9F, s2;
	v3 =	vmov s6;
	s6 =	sadd.s32 $0xFFFFFFDE, s2;
	v4 =	vmov s7;
	v2 =	vmov s5;
	s5 =	sadd.s32 $0xFFFFFF9E, s2;
	v1 =	vld [tilespmem:s25+$0xFFFFFC30]  }
0x240: {  	s13 =	sadd.s32 $0xFFFFFFBD, s2;
	s14 =	sadd.s32 $0xFFFFFFBE, s2;
	s7 =	sadd.s32 $0xFFFFFFA0, s2;
	v3 =	vand.u32 $0xFFFFFFFC, v3;
	v4 =	vand.u32 $0xFFFFFFFD, v4;
	v5 =	vand.u32 $0xFFFFFFFC, v2;
	v2 =	vld [tilespmem:s25+$0x200]  }
0x241: {  	s15 =	sadd.s32 $0xFFFFFFE0, s2;
	s30 =	sadd.s32 $0xFFFFFFFD, s2;
	v6 =	vmov s13;
	s13 =	sadd.s32 $0xFFFFFFBF, s2;
	v3 =	vbroadcast v3, $0x0;
	v5 =	vbroadcast v5, $0x0;
	v7 =	vld [tilespmem:s25+$0x30]  }
0x242: {  	v11 =	vmov s30;
	v8 =	vmov s8;
	s8 =	sadd.s32 $0xFFFFFFC0, s2;
	v10 =	vmov s6;
	s6 =	sadd.s32 $0xFFFFFFDF, s2;
	s2 =	sadd.s32 $0xFFFFFFFF, s2;
	v9 =	vld [tilespmem:s25+$0xFFFFFE10]  }
0x243: {  	v8 =	vand.u32 $0xFFFFFFFE, v8;
	v13 =	vmov s6;
	v14 =	vbroadcast v4, $0x0;
	v12 =	vld [tilespmem:s25+$0xFFFFFE00]  }
0x244: {  	v4 =	vbroadcast v8, $0x0;
	v8 =	vand.u32 $0xFFFFFFFD, v10;
	v13 =	vand.u32 $0xFFFFFFFE, v13;
	v10 =	vld [tilespmem:s25+$0x10]  }
0x245: {  	v6 =	vand.u32 $0xFFFFFFFC, v6;
	v15 =	vmov s5;
	v13 =	vbroadcast v13, $0x0;
	v16 =	vld [tilespmem:s25+$0xFFFFFC10]  }
0x246: {  	v18 =	vmov s14;
	v6 =	vbroadcast v6, $0x0;
	v8 =	vbroadcast v8, $0x0;
	v17 =	vld [tilespmem:s25+$0xFFFFFC00]  }
0x247: {  	v18 =	vand.u32 $0xFFFFFFFD, v18;
	v11 =	vand.u32 $0xFFFFFFFC, v11;
	v15 =	vand.u32 $0xFFFFFFFD, v15;
	v5 =	vld.idx.msk [tilespmem:v5+s31+$0x0], $0xffff  }
0x248: {  	v18 =	vbroadcast v18, $0x0;
	v11 =	vbroadcast v11, $0x0;
	v19 =	vmov s13;
	v20 =	vld [tilespmem:s25+$0x0]  }
0x249: {  	v19 =	vand.u32 $0xFFFFFFFE, v19;
	v21 =	vmov s7;
	v15 =	vbroadcast v15, $0x0;
	v3 =	vld.idx.msk [tilespmem:v3+s31+$0x0], $0xffff  }
0x24a: {  	v23 =	vmov s8;
	v19 =	vbroadcast v19, $0x0;
	v24 =	vmov s2;
	v22 =	vld [tilespmem:s25+$0xFFFFFC20]  }
0x24b: {  	v25 =	vmov s15;
	v24 =	vand.u32 $0xFFFFFFFE, v24;
	v4 =	vld.idx.msk [tilespmem:v4+s31+$0x0], $0xffff  }
0x24c: {  	v24 =	vbroadcast v24, $0x0;
	v26 =	vshll.u32 v17, $0x10;
	v8 =	vld.idx.msk [tilespmem:v8+s31+$0x0], $0xffff  }
0x24d: {  	v26 =	vmul.f32 v26, v5;
	v5 =	vmul.f32 v17, v5;
	v17 =	vshll.u32 v16, $0x10;
	v27 =	vld [tilespmem:s25+$0x20]  }
0x24e: {  	v28 =	vshll.u32 v20, $0x10;
	v13 =	vld.idx.msk [tilespmem:v13+s31+$0x0], $0xffff  }
0x24f: {  	v26 =	vadd.f32 $0.0e+00, v26;
	v29 =	vadd.f32 $0.0e+00, v5;
	v5 =	vmul.f32 v28, v3;
	v6 =	vld.idx.msk [tilespmem:v6+s31+$0x0], $0xffff  }
0x250: {  	v28 =	vshll.u32 v22, $0x10;
	v25 =	vld.idx.msk [tilespmem:v25+s31+$0x0], $0xffff  }
0x251: {  	v30 =	vshll.u32 v10, $0x10;
	v28 =	vmul.f32 v28, v4;
	v5 =	vadd.f32 $0.0e+00, v5;
	v18 =	vld.idx.msk [tilespmem:v18+s31+$0x0], $0xffff  }
0x252: {  	v3 =	vmul.f32 v20, v3;
	v20 =	vmul.f32 v30, v8;
	v30 =	vshll.u32 v2, $0x10;
	v15 =	vld.idx.msk [tilespmem:v15+s31+$0x0], $0xffff  }
0x253: {  	v22 =	vmul.f32 v22, v4;
	v4 =	vshll.u32 v9, $0x10;
	v8 =	vmul.f32 v10, v8;
	v10 =	vld.idx.msk [tilespmem:v11+s31+$0x0], $0xffff  }
0x254: {  	v3 =	vadd.f32 $0.0e+00, v3;
	v11 =	vshll.u32 v27, $0x10;
	v27 =	vmul.f32 v27, v13;
	v31 =	vld [tilespmem:s25+$0xFFFFFE20]  }
0x255: {  	v32 =	vshll.u32 v12, $0x10;
	v20 =	vadd.f32 v20, v5;
	v11 =	vmul.f32 v11, v13;
	v19 =	vld.idx.msk [tilespmem:v19+s31+$0x0], $0xffff  }
0x256: {  	v8 =	vadd.f32 v8, v3;
	v5 =	vmul.f32 v32, v6;
	v13 =	vmul.f32 v7, v25;
	v21 =	vld.idx.msk [tilespmem:v21+s31+$0x0], $0xffff  }
0x257: {  	v4 =	vmul.f32 v4, v18;
	v3 =	vmul.f32 v9, v18;
	v18 =	vadd.f32 v11, v20;
	v14 =	vld.idx.msk [tilespmem:v14+s31+$0x0], $0xffff  }
0x258: {  	v6 =	vmul.f32 v12, v6;
	v7 =	vshll.u32 v7, $0x10;
	v11 =	vmul.f32 v16, v15  }
0x259: {  	v16 =	vadd.f32 v27, v8;
	v9 =	vmul.f32 v30, v10;
	v12 =	vshll.u32 v31, $0x10;
	v20 =	vld [tilespmem:s25+$0x210]  }
0x25a: {  	v15 =	vmul.f32 v17, v15;
	v10 =	vmul.f32 v2, v10;
	v17 =	vadd.f32 v11, v29;
	v8 =	vld.idx.msk [tilespmem:v24+s31+$0x0], $0xffff  }
0x25b: {  	v16 =	vadd.f32 v13, v16;
	v2 =	vmul.f32 v12, v19;
	v12 =	vmul.f32 v7, v25;
	v11 =	vld [tilespmem:s25+$0x220]  }
.Ltmp6:
0x25c: {  	v15 =	vadd.f32 v15, v26;
	v7 =	vshll.u32 v1, $0x10;
	v13 =	vmul.f32 v1, v21;
	(pc) =	sbr.rel @p1 .LBB2_12-.Ltmp6, $4  }
0x25d: {  	v21 =	vmul.f32 v7, v21;
	v7 =	vmul.f32 v31, v19;
	v19 =	vadd.f32 v10, v16;
	v1 =	vld [tilespmem:s25+$0xFFFFFE30]  }
0x25e: {  	v24 =	vadd.f32 v28, v15;
	v25 =	vshll.u32 v20, $0x10;
	v20 =	vmul.f32 v20, v14;
	v10 =	vld [tilespmem:s25+$0x230]  }
0x25f: {  	v15 =	vadd.f32 v22, v17;
	v16 =	vadd.f32 v12, v18;
	v14 =	vmul.f32 v25, v14;
	v0 =	vld.idx.msk [tilespmem:v0+s31+$0x0], $0xffff  }
0x260: {  	v17 =	vadd.f32 v21, v24;
	v12 =	vld.idx.msk [tilespmem:v23+s31+$0x0], $0xffff;
	v18 =	vadd.f32 v20, v19;
	v19 =	vmul.f32 v11, v8  }
0x261: {  	v13 =	vadd.f32 v13, v15  }
0x262: {  	v9 =	vadd.f32 v9, v16;
	v11 =	vshll.u32 v11, $0x10;
	v5 =	vadd.f32 v5, v17  }
0x263: {  	v56 =	vadd.f32 v19, v18;
	v8 =	vmul.f32 v11, v8;
	v6 =	vadd.f32 v6, v13  }
0x264: {  	v9 =	vadd.f32 v14, v9;
	v57 =	vshll.u32 v10, $0x10;
	v4 =	vadd.f32 v4, v5  }
0x265: {  	v58 =	vshll.u32 v1, $0x10;
	v5 =	vmul.f32 v57, v0;
	v3 =	vadd.f32 v3, v6  }
0x266: {  	v59 =	vmul.f32 v58, v12;
	v60 =	vadd.f32 v8, v9;
	v2 =	vadd.f32 v2, v4  }
0x267: {  	s10 =	sadd.s32 $0x1, s10;
	v62 =	vmul.f32 v10, v0;
	v61 =	vmul.f32 v1, v12;
	v3 =	vadd.f32 v7, v3  }
0x268: {  	p1 =	sne.s32 s10, $0x19;
	v63 =	vadd.f32 v5, v60;
	v2 =	vadd.f32 v59, v2  }
.Ltmp7:
0x269: {  	v0 =	vadd.f32 v62, v56;
	v1 =	vadd.f32 v61, v3;
	(pc) =	sbr.rel @p1 .LBB2_9-.Ltmp7, $4  }
0x26a: {  	v2 =	vadd.f32 v63, v2  }
0x26b: {  	v0 =	vadd.f32 v0, v1  }
0x26c: {  	s11 =	sadd.s32 $0x80, s11;
	[tilespmem:s21+$0xFFFFFFF0] =	vst v2  }
0x26d: {  	s12 =	sadd.s32 $0x800, s12;
	s16 =	sadd.s32 $0x80, s16;
	s18 =	sadd.s32 $0x800, s18;
	[tilespmem:s21+$0x0] =	vst v0  }
0x26e: {  	s1 =	sshll.u32 s9, $0x4  }
.Ltmp8:
0x26f: {  	s2 =	rddreg [dreg:$0x4];
	s1 =	sand.u32 $0x1FFFFFF0, s1;
	(pc) =	sbr.rel @p0 .LBB2_16-.Ltmp8, $4  }
0x270: {  	s5 =	simm.s32 $0x1CE80;
	s25 =	rddreg [dreg:$0x5];
	s2 =	sadd.s32 s2, s1  }
0x271: {  	[hbm4b:s2+s3] =	stream.linear.scatter [tilespmem:s5], [sflag:$0x6], $0xC80, $0x38;
	[tilespmem:$0x1F400] =	vst v63  }
0x272: {  	s30 =	simm.s32 $0x1E780;
	s1 =	sadd.s32 s25, s1  }
0x273: {  	[hbm4b:s1+s3] =	stream.linear.scatter [tilespmem:s30], [sflag:$0x6], $0xC80, $0x38;
	[tilespmem:$0x1F400] =	vst v63  }
0x274: {  	s1 =	rddreg [dreg:$0xd]  }
0x275: {  	s1 =	sadd.s32 s29, s1  }
0x276: {  	s1 =	sshll.u32 s1, $0x4  }
.Ltmp9:
0x277: {  	s2 =	rddreg [dreg:$0x1];
	s1 =	sand.u32 $0x1FFFFFF0, s1;
	(pc) =	sbr.rel .LBB2_2-.Ltmp9, $4  }
0x278: {  	s5 =	simm.s32 $0xC80;
	s30 =	rddreg [dreg:$0x3];
	s2 =	sadd.s32 s2, s1  }
0x279: {  	[tilespmem:s5], [sflag:$0x4] =	stream.linear.gather [hbm4b:s2+s3], $0xC80, $0x38;
	[tilespmem:$0x1F400] =	vst v63  }
0x27a: {  	s28 =	sadd.s32 $0x1, s28;
	s1 =	sadd.s32 s30, s1  }
0x27b: {  	[tilespmem:s31], [sflag:$0x4] =	stream.linear.gather [hbm4b:s1+s3], $0xC80, $0x38;
	[tilespmem:$0x1F400] =	vst v63  }
.LBB2_17:
0x27c: {  	_ =	sfence.sel $0x180000  }
0x27d: {  	[bflag:$0x0] =	sbarrier.arrive $0xFFFF  }
0x27e: {  	_ =	strace $0x90000047  }
0x27f: {  	s0 =	stileid.u32;
	[bflag:$0x2] =	sbarrier.arrive $0xFFFF  }
0x280: {  	p0 =	sne.s32 s0, $0x0;
	s0 =	rddreg [dreg:$0x2]  }
0x281: {  	s0 =	sadd.s32 @!p0 $0x100000, s0  }
0x282: {  	[sflag:s0] =	ssyncadd.tile.s32 @!p0 $0x1;
	_ =	shalt  }
.Lfunc_end2:
_tile_overlayer_lowered:
.L_overlay_start_2:
0x283: {  	(tag) =	ssettag $0x2  }
0x284: {  	s0 =	rddreg [dreg:$0x0];
	s2 =	stileid.u32  }
0x285: {  	s1 =	rddreg [dreg:$0x1];
	p0 =	sne.s32 s2, $0x0  }
0x286: {  	s3 =	rddreg [dreg:$0x2];
	[bflag:$0x3] =	sbarrier.arrive $0xFFFF;
	s2 =	simm.s32 @!p0 $0x1C07  }
0x287: {  	[timem:s3], [sflag:s2] =	dma.local @!p0 [hbm:s0], s1  }
0x288: {  	s0 =	simm.s32 @!p0 $0x7  }
0x289: {  	_ =	swait.ge @!p0 [sflag:s0], s1  }
0x28a: {  	s1 =	ssub.s32 @!p0 $0x0, s1;
	[sflag:s0] =	ssyncset.done @!p0 $0x0  }
0x28b: {  	[sflag:s0] =	ssyncadd.s32 @!p0 s1  }
0x28c: {  	[bflag:$0x3] =	sbarrier.arrive $0xFFFF  }
0x28d: {  	_ =	shalt  }

</sc_bundles>
